<compile_context>
chip_gen: v7x
topology: tpu7x:2x2x1
jax: 0.10.2.dev20260603
libtpu: 0.0.44.dev20260713+nightly
codegen_flags: <defaults>
</compile_context>

<pallas_src>
import functools

import jax
import jax.numpy as jnp
from jax import lax
from jax.experimental import pallas as pl
from jax.experimental.pallas import tpu as pltpu
from jax.experimental.pallas import tpu_sc as plsc

VOCAB = 1000000
D = 64
NNEG = 5
B = 16384
L = 16
NC = 2
NS = 16
NW = NC * NS
EPW = B // NW
SUB = 128
NSUB = EPW // SUB
SCORES = 1 + NNEG


def _sc_gather_dot(iword, owords, nwords, ivw, ovw):
  mesh = plsc.VectorSubcoreMesh(
      core_axis_name="c", subcore_axis_name="s",
      num_cores=NC, num_subcores=NS)

  @functools.partial(
      pl.kernel,
      out_type=jax.ShapeDtypeStruct((B * SCORES, L), jnp.float32),
      mesh=mesh,
      compiler_params=pltpu.CompilerParams(
          use_tc_tiling_on_sc=False, has_side_effects=False),
      scratch_types=[
          pltpu.VMEM((SUB,), jnp.int32),
          pltpu.VMEM((SUB,), jnp.int32),
          [pltpu.VMEM((SUB,), jnp.int32) for _ in range(NNEG)],
          pltpu.VMEM((SUB, D), jnp.float32),
          pltpu.VMEM((SUB, D), jnp.float32),
          pltpu.VMEM((SUB * NNEG, D), jnp.float32),
          pltpu.VMEM((SUB * SCORES, L), jnp.float32),
          pltpu.SemaphoreType.DMA,
      ],
  )
  def k(iw_hbm, ow_hbm, nw_hbm, ivw_hbm, ovw_hbm, out_hbm,
        iw_idx, ow_idx, nw_idx, iv_rows, ov_rows, nv_rows, out_buf, sem):
    wid = lax.axis_index("s") * NC + lax.axis_index("c")
    for c in range(NSUB):
      off = wid * EPW + c * SUB
      pltpu.sync_copy(iw_hbm.at[pl.ds(off, SUB)], iw_idx)
      pltpu.sync_copy(ow_hbm.at[pl.ds(off, SUB)], ow_idx)
      for j in range(NNEG):
        pltpu.sync_copy(nw_hbm.at[pl.ds(off * NNEG + j * SUB, SUB)], nw_idx[j])
      h_iv = pltpu.async_copy(ivw_hbm.at[iw_idx], iv_rows, sem)
      h_ov = pltpu.async_copy(ovw_hbm.at[ow_idx], ov_rows, sem)
      h_nv = [
          pltpu.async_copy(ovw_hbm.at[nw_idx[j]],
                           nv_rows.at[pl.ds(j * SUB, SUB)], sem)
          for j in range(NNEG)
      ]
      h_iv.wait()
      h_ov.wait()
      for h in h_nv:
        h.wait()

      def elem(b, carry):
        iv = [iv_rows[b, pl.ds(L * j, L)] for j in range(D // L)]
        acc = iv[0] * ov_rows[b, pl.ds(0, L)]
        for j in range(1, D // L):
          acc += iv[j] * ov_rows[b, pl.ds(L * j, L)]
        out_buf[b * SCORES, :] = acc
        for k2 in range(NNEG):
          r = b * NNEG + k2
          nacc = iv[0] * nv_rows[r, pl.ds(0, L)]
          for j in range(1, D // L):
            nacc += iv[j] * nv_rows[r, pl.ds(L * j, L)]
          out_buf[b * SCORES + 1 + k2, :] = nacc
        return carry

      lax.fori_loop(0, SUB, elem, 0)
      pltpu.sync_copy(out_buf, out_hbm.at[pl.ds(off * SCORES, SUB * SCORES)])

  return k(iword, owords, nwords, ivw, ovw)


def _tc_reduce_loss(partials2d):
  rows, lanes = partials2d.shape
  groups_per_row = lanes // L

  def body(x_ref, o_ref):
    x = x_ref[...]
    gi = lax.broadcasted_iota(jnp.int32, (lanes, groups_per_row), 0)
    gj = lax.broadcasted_iota(jnp.int32, (lanes, groups_per_row), 1)
    g = (gi // L == gj).astype(jnp.float32)
    s = jax.lax.dot(x, g, preferred_element_type=jnp.float32)
    ri = lax.broadcasted_iota(jnp.int32, (rows, groups_per_row), 0)
    ci = lax.broadcasted_iota(jnp.int32, (rows, groups_per_row), 1)
    gid = ri * groups_per_row + ci
    pos = (gid % SCORES) == 0
    z = jnp.where(pos, s, -s)
    loss = jnp.minimum(z, 0.0) - jnp.log(1.0 + jnp.exp(-jnp.abs(z)))
    o_ref[...] = jnp.full((1, 1), 0.0, jnp.float32) - jnp.sum(loss) / B

  return pl.pallas_call(
      body,
      out_shape=jax.ShapeDtypeStruct((1, 1), jnp.float32),
  )(partials2d)


def kernel(iword, owords, ivec_weight, ovec_weight):
  iword = iword.astype(jnp.int32)
  owords = owords.astype(jnp.int32)
  nwords = jax.random.randint(
      jax.random.key(1), (B, NNEG), 0, VOCAB - 1).astype(jnp.int32)
  partials = _sc_gather_dot(iword, owords, nwords.reshape(B * NNEG),
                            ivec_weight, ovec_weight)
  partials2d = partials.reshape(B * SCORES * L // 128, 128)
  out = _tc_reduce_loss(partials2d)
  return out.reshape(())

# --- scband reference (transcript-rebuilt; emitter-appended) ---
"""Pipeline reference for scband-embedding-28793460752795 (READ-ONLY COPY).

The authoritative reference and input builder live on the scoring server;
editing this copy changes nothing except your own understanding.
"""

import jax, jax.numpy as jnp
import numpy as np

VOCAB_SIZE = 1000000
EMBED_HALF = 64  # embedding_size // 2
N_NEGS = 5
BATCH = 16384


def setup_inputs(seed: int = 0) -> dict:
    key = jax.random.key(seed)
    k1, k2, k3, k4 = jax.random.split(key, 4)
    iword = jax.random.randint(k1, (BATCH,), 0, VOCAB_SIZE, dtype=jnp.int64) if jax.config.jax_enable_x64 else jax.random.randint(k1, (BATCH,), 0, VOCAB_SIZE).astype(jnp.int32)
    owords = jax.random.randint(k2, (BATCH,), 0, VOCAB_SIZE).astype(iword.dtype)
    ivec_weight = jax.random.normal(k3, (VOCAB_SIZE, EMBED_HALF), dtype=jnp.float32)
    ovec_weight = jax.random.normal(k4, (VOCAB_SIZE, EMBED_HALF), dtype=jnp.float32)
    return {"iword": iword, "owords": owords, "ivec_weight": ivec_weight, "ovec_weight": ovec_weight}


def reference(iword, owords, ivec_weight, ovec_weight):
    batch_size = iword.shape[0]
    vocab_size = ivec_weight.shape[0]
    # negative samples: torch does uniform_(0, vocab-1).long() -> floor -> [0, vocab-2]
    nwords = jax.random.randint(jax.random.key(1), (batch_size, N_NEGS), 0, vocab_size - 1)
    ivectors = jnp.take(ivec_weight, iword, axis=0)            # [B, d/2]  (unsqueezed to [B, d/2, 1] in torch)
    ovectors = jnp.take(ovec_weight, owords, axis=0)           # [B, d/2]  (unsqueezed to [B, 1, d/2] in torch)
    nvectors = -jnp.take(ovec_weight, nwords.reshape(-1), axis=0).reshape(batch_size, N_NEGS, EMBED_HALF)  # [B, n_negs, d/2]
    # bmm([B,1,d],[B,d,1]) -> [B,1,1] -> squeeze -> [B]
    oscore = jnp.sum(ovectors * ivectors, axis=1)
    oloss = jnp.log(jax.nn.sigmoid(oscore))
    # bmm([B,n,d],[B,d,1]) -> [B,n,1] -> squeeze -> [B,n]
    nscore = jnp.einsum('bnd,bd->bn', nvectors, ivectors)
    nloss = jnp.sum(jnp.log(jax.nn.sigmoid(nscore)).reshape(-1, N_NEGS), axis=1)
    return -jnp.mean(oloss + nloss)

if __name__ == "__main__":
    import jax
    _d = setup_inputs()
    print(jax.jit(kernel)(*tuple(_d.values())))

</pallas_src>

<mosaic_0001>
#map = affine_map<(d0, d1) -> (0)>
#map1 = affine_map<(d0, d1) -> (0, 0)>
module attributes {stable_mosaic.version = 14 : i64} {
  func.func @k(%arg0: i32, %arg1: i32, %arg2: memref<16384xi32, #tpu.memory_space<hbm>>, %arg3: memref<16384xi32, #tpu.memory_space<hbm>>, %arg4: memref<81920xi32, #tpu.memory_space<hbm>>, %arg5: memref<1000000x64xf32, #tpu.memory_space<hbm>>, %arg6: memref<1000000x64xf32, #tpu.memory_space<hbm>>, %arg7: memref<98304x16xf32, #tpu.memory_space<hbm>>, %arg8: memref<128xi32, #tpu.memory_space<vmem>>, %arg9: memref<128xi32, #tpu.memory_space<vmem>>, %arg10: memref<128xi32, #tpu.memory_space<vmem>>, %arg11: memref<128xi32, #tpu.memory_space<vmem>>, %arg12: memref<128xi32, #tpu.memory_space<vmem>>, %arg13: memref<128xi32, #tpu.memory_space<vmem>>, %arg14: memref<128xi32, #tpu.memory_space<vmem>>, %arg15: memref<128x64xf32, #tpu.memory_space<vmem>>, %arg16: memref<128x64xf32, #tpu.memory_space<vmem>>, %arg17: memref<640x64xf32, #tpu.memory_space<vmem>>, %arg18: memref<768x16xf32, #tpu.memory_space<vmem>>, %arg19: memref<!tpu.dma_semaphore, #tpu.memory_space<semaphore_mem>>) attributes {dimension_semantics = [#tpu.dimension_semantics<core_parallel>, #tpu.dimension_semantics<subcore_parallel>], iteration_bounds = array<i64: 2, 16>, scalar_prefetch = 0 : i64, scratch_operands = 12 : i64, tpu.core_type = #tpu.core_type<sc_vector_subcore>, window_params = [{transform_indices = #map}, {transform_indices = #map}, {transform_indices = #map}, {transform_indices = #map1}, {transform_indices = #map1}, {transform_indices = #map1}]} {
    %mul3A = arith.constant 2 : i32
    %mul3A_0 = arith.muli %arg1, %mul3A : i32
    %add3A = arith.addi %mul3A_0, %arg0 : i32
    %mul3A_1 = arith.constant 512 : i32
    %mul3A_2 = arith.muli %add3A, %mul3A_1 : i32
    %add3A_3 = arith.constant 0 : i32
    %add3A_4 = arith.addi %mul3A_2, %add3A_3 : i32
    "tpu.region"() ({
      %run_scoped3A = tpu.sem_alloc : memref<!tpu.dma_semaphore, #tpu.memory_space<semaphore_mem>>
      %dma_start3A_414 = tpu.memref_slice %arg2[%add3A_4] : memref<16384xi32, #tpu.memory_space<hbm>> -> memref<128xi32, #tpu.memory_space<hbm>>
      %dma_start3A_415 = tpu.memref_slice %arg2[%add3A_4] : memref<16384xi32, #tpu.memory_space<hbm>> -> memref<128xi32, #tpu.memory_space<hbm>>
      tpu.enqueue_dma source(%dma_start3A_415 : memref<128xi32, #tpu.memory_space<hbm>>) target(%arg8 : memref<128xi32, #tpu.memory_space<vmem>>) target_semaphore(%run_scoped3A : memref<!tpu.dma_semaphore, #tpu.memory_space<semaphore_mem>>)
      %dma_wait3A_416 = tpu.memref_slice %arg2[%add3A_4] : memref<16384xi32, #tpu.memory_space<hbm>> -> memref<128xi32, #tpu.memory_space<hbm>>
      %dma_wait3A_417 = tpu.memref_slice %arg2[%add3A_4] : memref<16384xi32, #tpu.memory_space<hbm>> -> memref<128xi32, #tpu.memory_space<hbm>>
      tpu.wait_dma2 semaphore(%run_scoped3A : memref<!tpu.dma_semaphore, #tpu.memory_space<semaphore_mem>>) src(%dma_wait3A_417 : memref<128xi32, #tpu.memory_space<hbm>>) dst(%arg8 : memref<128xi32, #tpu.memory_space<vmem>>)
      tpu.yield
    }) : () -> ()
    "tpu.region"() ({
      %run_scoped3A = tpu.sem_alloc : memref<!tpu.dma_semaphore, #tpu.memory_space<semaphore_mem>>
      %dma_start3A_414 = tpu.memref_slice %arg3[%add3A_4] : memref<16384xi32, #tpu.memory_space<hbm>> -> memref<128xi32, #tpu.memory_space<hbm>>
      %dma_start3A_415 = tpu.memref_slice %arg3[%add3A_4] : memref<16384xi32, #tpu.memory_space<hbm>> -> memref<128xi32, #tpu.memory_space<hbm>>
      tpu.enqueue_dma source(%dma_start3A_415 : memref<128xi32, #tpu.memory_space<hbm>>) target(%arg9 : memref<128xi32, #tpu.memory_space<vmem>>) target_semaphore(%run_scoped3A : memref<!tpu.dma_semaphore, #tpu.memory_space<semaphore_mem>>)
      %dma_wait3A_416 = tpu.memref_slice %arg3[%add3A_4] : memref<16384xi32, #tpu.memory_space<hbm>> -> memref<128xi32, #tpu.memory_space<hbm>>
      %dma_wait3A_417 = tpu.memref_slice %arg3[%add3A_4] : memref<16384xi32, #tpu.memory_space<hbm>> -> memref<128xi32, #tpu.memory_space<hbm>>
      tpu.wait_dma2 semaphore(%run_scoped3A : memref<!tpu.dma_semaphore, #tpu.memory_space<semaphore_mem>>) src(%dma_wait3A_417 : memref<128xi32, #tpu.memory_space<hbm>>) dst(%arg9 : memref<128xi32, #tpu.memory_space<vmem>>)
      tpu.yield
    }) : () -> ()
    %mul3A_5 = arith.constant 5 : i32
    %mul3A_6 = arith.muli %add3A_4, %mul3A_5 : i32
    %add3A_7 = arith.constant 0 : i32
    %add3A_8 = arith.addi %mul3A_6, %add3A_7 : i32
    "tpu.region"() ({
      %run_scoped3A = tpu.sem_alloc : memref<!tpu.dma_semaphore, #tpu.memory_space<semaphore_mem>>
      %dma_start3A_414 = tpu.memref_slice %arg4[%add3A_8] : memref<81920xi32, #tpu.memory_space<hbm>> -> memref<128xi32, #tpu.memory_space<hbm>>
      %dma_start3A_415 = tpu.memref_slice %arg4[%add3A_8] : memref<81920xi32, #tpu.memory_space<hbm>> -> memref<128xi32, #tpu.memory_space<hbm>>
      tpu.enqueue_dma source(%dma_start3A_415 : memref<128xi32, #tpu.memory_space<hbm>>) target(%arg10 : memref<128xi32, #tpu.memory_space<vmem>>) target_semaphore(%run_scoped3A : memref<!tpu.dma_semaphore, #tpu.memory_space<semaphore_mem>>)
      %dma_wait3A_416 = tpu.memref_slice %arg4[%add3A_8] : memref<81920xi32, #tpu.memory_space<hbm>> -> memref<128xi32, #tpu.memory_space<hbm>>
      %dma_wait3A_417 = tpu.memref_slice %arg4[%add3A_8] : memref<81920xi32, #tpu.memory_space<hbm>> -> memref<128xi32, #tpu.memory_space<hbm>>
      tpu.wait_dma2 semaphore(%run_scoped3A : memref<!tpu.dma_semaphore, #tpu.memory_space<semaphore_mem>>) src(%dma_wait3A_417 : memref<128xi32, #tpu.memory_space<hbm>>) dst(%arg10 : memref<128xi32, #tpu.memory_space<vmem>>)
      tpu.yield
    }) : () -> ()
    %mul3A_9 = arith.constant 5 : i32
    %mul3A_10 = arith.muli %add3A_4, %mul3A_9 : i32
    %add3A_11 = arith.constant 128 : i32
    %add3A_12 = arith.addi %mul3A_10, %add3A_11 : i32
    "tpu.region"() ({
      %run_scoped3A = tpu.sem_alloc : memref<!tpu.dma_semaphore, #tpu.memory_space<semaphore_mem>>
      %dma_start3A_414 = tpu.memref_slice %arg4[%add3A_12] : memref<81920xi32, #tpu.memory_space<hbm>> -> memref<128xi32, #tpu.memory_space<hbm>>
      %dma_start3A_415 = tpu.memref_slice %arg4[%add3A_12] : memref<81920xi32, #tpu.memory_space<hbm>> -> memref<128xi32, #tpu.memory_space<hbm>>
      tpu.enqueue_dma source(%dma_start3A_415 : memref<128xi32, #tpu.memory_space<hbm>>) target(%arg11 : memref<128xi32, #tpu.memory_space<vmem>>) target_semaphore(%run_scoped3A : memref<!tpu.dma_semaphore, #tpu.memory_space<semaphore_mem>>)
      %dma_wait3A_416 = tpu.memref_slice %arg4[%add3A_12] : memref<81920xi32, #tpu.memory_space<hbm>> -> memref<128xi32, #tpu.memory_space<hbm>>
      %dma_wait3A_417 = tpu.memref_slice %arg4[%add3A_12] : memref<81920xi32, #tpu.memory_space<hbm>> -> memref<128xi32, #tpu.memory_space<hbm>>
      tpu.wait_dma2 semaphore(%run_scoped3A : memref<!tpu.dma_semaphore, #tpu.memory_space<semaphore_mem>>) src(%dma_wait3A_417 : memref<128xi32, #tpu.memory_space<hbm>>) dst(%arg11 : memref<128xi32, #tpu.memory_space<vmem>>)
      tpu.yield
    }) : () -> ()
    %mul3A_13 = arith.constant 5 : i32
    %mul3A_14 = arith.muli %add3A_4, %mul3A_13 : i32
    %add3A_15 = arith.constant 256 : i32
    %add3A_16 = arith.addi %mul3A_14, %add3A_15 : i32
    "tpu.region"() ({
      %run_scoped3A = tpu.sem_alloc : memref<!tpu.dma_semaphore, #tpu.memory_space<semaphore_mem>>
      %dma_start3A_414 = tpu.memref_slice %arg4[%add3A_16] : memref<81920xi32, #tpu.memory_space<hbm>> -> memref<128xi32, #tpu.memory_space<hbm>>
      %dma_start3A_415 = tpu.memref_slice %arg4[%add3A_16] : memref<81920xi32, #tpu.memory_space<hbm>> -> memref<128xi32, #tpu.memory_space<hbm>>
      tpu.enqueue_dma source(%dma_start3A_415 : memref<128xi32, #tpu.memory_space<hbm>>) target(%arg12 : memref<128xi32, #tpu.memory_space<vmem>>) target_semaphore(%run_scoped3A : memref<!tpu.dma_semaphore, #tpu.memory_space<semaphore_mem>>)
      %dma_wait3A_416 = tpu.memref_slice %arg4[%add3A_16] : memref<81920xi32, #tpu.memory_space<hbm>> -> memref<128xi32, #tpu.memory_space<hbm>>
      %dma_wait3A_417 = tpu.memref_slice %arg4[%add3A_16] : memref<81920xi32, #tpu.memory_space<hbm>> -> memref<128xi32, #tpu.memory_space<hbm>>
      tpu.wait_dma2 semaphore(%run_scoped3A : memref<!tpu.dma_semaphore, #tpu.memory_space<semaphore_mem>>) src(%dma_wait3A_417 : memref<128xi32, #tpu.memory_space<hbm>>) dst(%arg12 : memref<128xi32, #tpu.memory_space<vmem>>)
      tpu.yield
    }) : () -> ()
    %mul3A_17 = arith.constant 5 : i32
    %mul3A_18 = arith.muli %add3A_4, %mul3A_17 : i32
    %add3A_19 = arith.constant 384 : i32
    %add3A_20 = arith.addi %mul3A_18, %add3A_19 : i32
    "tpu.region"() ({
      %run_scoped3A = tpu.sem_alloc : memref<!tpu.dma_semaphore, #tpu.memory_space<semaphore_mem>>
      %dma_start3A_414 = tpu.memref_slice %arg4[%add3A_20] : memref<81920xi32, #tpu.memory_space<hbm>> -> memref<128xi32, #tpu.memory_space<hbm>>
      %dma_start3A_415 = tpu.memref_slice %arg4[%add3A_20] : memref<81920xi32, #tpu.memory_space<hbm>> -> memref<128xi32, #tpu.memory_space<hbm>>
      tpu.enqueue_dma source(%dma_start3A_415 : memref<128xi32, #tpu.memory_space<hbm>>) target(%arg13 : memref<128xi32, #tpu.memory_space<vmem>>) target_semaphore(%run_scoped3A : memref<!tpu.dma_semaphore, #tpu.memory_space<semaphore_mem>>)
      %dma_wait3A_416 = tpu.memref_slice %arg4[%add3A_20] : memref<81920xi32, #tpu.memory_space<hbm>> -> memref<128xi32, #tpu.memory_space<hbm>>
      %dma_wait3A_417 = tpu.memref_slice %arg4[%add3A_20] : memref<81920xi32, #tpu.memory_space<hbm>> -> memref<128xi32, #tpu.memory_space<hbm>>
      tpu.wait_dma2 semaphore(%run_scoped3A : memref<!tpu.dma_semaphore, #tpu.memory_space<semaphore_mem>>) src(%dma_wait3A_417 : memref<128xi32, #tpu.memory_space<hbm>>) dst(%arg13 : memref<128xi32, #tpu.memory_space<vmem>>)
      tpu.yield
    }) : () -> ()
    %mul3A_21 = arith.constant 5 : i32
    %mul3A_22 = arith.muli %add3A_4, %mul3A_21 : i32
    %add3A_23 = arith.constant 512 : i32
    %add3A_24 = arith.addi %mul3A_22, %add3A_23 : i32
    "tpu.region"() ({
      %run_scoped3A = tpu.sem_alloc : memref<!tpu.dma_semaphore, #tpu.memory_space<semaphore_mem>>
      %dma_start3A_414 = tpu.memref_slice %arg4[%add3A_24] : memref<81920xi32, #tpu.memory_space<hbm>> -> memref<128xi32, #tpu.memory_space<hbm>>
      %dma_start3A_415 = tpu.memref_slice %arg4[%add3A_24] : memref<81920xi32, #tpu.memory_space<hbm>> -> memref<128xi32, #tpu.memory_space<hbm>>
      tpu.enqueue_dma source(%dma_start3A_415 : memref<128xi32, #tpu.memory_space<hbm>>) target(%arg14 : memref<128xi32, #tpu.memory_space<vmem>>) target_semaphore(%run_scoped3A : memref<!tpu.dma_semaphore, #tpu.memory_space<semaphore_mem>>)
      %dma_wait3A_416 = tpu.memref_slice %arg4[%add3A_24] : memref<81920xi32, #tpu.memory_space<hbm>> -> memref<128xi32, #tpu.memory_space<hbm>>
      %dma_wait3A_417 = tpu.memref_slice %arg4[%add3A_24] : memref<81920xi32, #tpu.memory_space<hbm>> -> memref<128xi32, #tpu.memory_space<hbm>>
      tpu.wait_dma2 semaphore(%run_scoped3A : memref<!tpu.dma_semaphore, #tpu.memory_space<semaphore_mem>>) src(%dma_wait3A_417 : memref<128xi32, #tpu.memory_space<hbm>>) dst(%arg14 : memref<128xi32, #tpu.memory_space<vmem>>)
      tpu.yield
    }) : () -> ()
    %dma_start3A = arith.constant 0 : i32
    %dma_start3A_25 = arith.constant 0 : i32
    %dma_start3A_26 = tpu.memref_slice %arg5[%dma_start3A, %dma_start3A_25] : memref<1000000x64xf32, #tpu.memory_space<hbm>> -> memref<1000000x64xf32, #tpu.memory_space<hbm>>
    tpu.enqueue_indirect_dma source(%dma_start3A_26 : memref<1000000x64xf32, #tpu.memory_space<hbm>>) target(%arg15 : memref<128x64xf32, #tpu.memory_space<vmem>>) offsets(%arg8 : memref<128xi32, #tpu.memory_space<vmem>>) semaphore(%arg19 : memref<!tpu.dma_semaphore, #tpu.memory_space<semaphore_mem>>)
    %dma_start3A_27 = arith.constant 0 : i32
    %dma_start3A_28 = arith.constant 0 : i32
    %dma_start3A_29 = tpu.memref_slice %arg6[%dma_start3A_27, %dma_start3A_28] : memref<1000000x64xf32, #tpu.memory_space<hbm>> -> memref<1000000x64xf32, #tpu.memory_space<hbm>>
    tpu.enqueue_indirect_dma source(%dma_start3A_29 : memref<1000000x64xf32, #tpu.memory_space<hbm>>) target(%arg16 : memref<128x64xf32, #tpu.memory_space<vmem>>) offsets(%arg9 : memref<128xi32, #tpu.memory_space<vmem>>) semaphore(%arg19 : memref<!tpu.dma_semaphore, #tpu.memory_space<semaphore_mem>>)
    %dma_start3A_30 = arith.constant 0 : i32
    %dma_start3A_31 = arith.constant 0 : i32
    %dma_start3A_32 = tpu.memref_slice %arg17[%dma_start3A_30, %dma_start3A_31] : memref<640x64xf32, #tpu.memory_space<vmem>> -> memref<128x64xf32, #tpu.memory_space<vmem>>
    %dma_start3A_33 = arith.constant 0 : i32
    %dma_start3A_34 = arith.constant 0 : i32
    %dma_start3A_35 = tpu.memref_slice %arg6[%dma_start3A_33, %dma_start3A_34] : memref<1000000x64xf32, #tpu.memory_space<hbm>> -> memref<1000000x64xf32, #tpu.memory_space<hbm>>
    tpu.enqueue_indirect_dma source(%dma_start3A_35 : memref<1000000x64xf32, #tpu.memory_space<hbm>>) target(%dma_start3A_32 : memref<128x64xf32, #tpu.memory_space<vmem>>) offsets(%arg10 : memref<128xi32, #tpu.memory_space<vmem>>) semaphore(%arg19 : memref<!tpu.dma_semaphore, #tpu.memory_space<semaphore_mem>>)
    %dma_start3A_36 = arith.constant 128 : i32
    %dma_start3A_37 = arith.constant 0 : i32
    %dma_start3A_38 = tpu.memref_slice %arg17[%dma_start3A_36, %dma_start3A_37] : memref<640x64xf32, #tpu.memory_space<vmem>> -> memref<128x64xf32, #tpu.memory_space<vmem>>
    %dma_start3A_39 = arith.constant 0 : i32
    %dma_start3A_40 = arith.constant 0 : i32
    %dma_start3A_41 = tpu.memref_slice %arg6[%dma_start3A_39, %dma_start3A_40] : memref<1000000x64xf32, #tpu.memory_space<hbm>> -> memref<1000000x64xf32, #tpu.memory_space<hbm>>
    tpu.enqueue_indirect_dma source(%dma_start3A_41 : memref<1000000x64xf32, #tpu.memory_space<hbm>>) target(%dma_start3A_38 : memref<128x64xf32, #tpu.memory_space<vmem>>) offsets(%arg11 : memref<128xi32, #tpu.memory_space<vmem>>) semaphore(%arg19 : memref<!tpu.dma_semaphore, #tpu.memory_space<semaphore_mem>>)
    %dma_start3A_42 = arith.constant 256 : i32
    %dma_start3A_43 = arith.constant 0 : i32
    %dma_start3A_44 = tpu.memref_slice %arg17[%dma_start3A_42, %dma_start3A_43] : memref<640x64xf32, #tpu.memory_space<vmem>> -> memref<128x64xf32, #tpu.memory_space<vmem>>
    %dma_start3A_45 = arith.constant 0 : i32
    %dma_start3A_46 = arith.constant 0 : i32
    %dma_start3A_47 = tpu.memref_slice %arg6[%dma_start3A_45, %dma_start3A_46] : memref<1000000x64xf32, #tpu.memory_space<hbm>> -> memref<1000000x64xf32, #tpu.memory_space<hbm>>
    tpu.enqueue_indirect_dma source(%dma_start3A_47 : memref<1000000x64xf32, #tpu.memory_space<hbm>>) target(%dma_start3A_44 : memref<128x64xf32, #tpu.memory_space<vmem>>) offsets(%arg12 : memref<128xi32, #tpu.memory_space<vmem>>) semaphore(%arg19 : memref<!tpu.dma_semaphore, #tpu.memory_space<semaphore_mem>>)
    %dma_start3A_48 = arith.constant 384 : i32
    %dma_start3A_49 = arith.constant 0 : i32
    %dma_start3A_50 = tpu.memref_slice %arg17[%dma_start3A_48, %dma_start3A_49] : memref<640x64xf32, #tpu.memory_space<vmem>> -> memref<128x64xf32, #tpu.memory_space<vmem>>
    %dma_start3A_51 = arith.constant 0 : i32
    %dma_start3A_52 = arith.constant 0 : i32
    %dma_start3A_53 = tpu.memref_slice %arg6[%dma_start3A_51, %dma_start3A_52] : memref<1000000x64xf32, #tpu.memory_space<hbm>> -> memref<1000000x64xf32, #tpu.memory_space<hbm>>
    tpu.enqueue_indirect_dma source(%dma_start3A_53 : memref<1000000x64xf32, #tpu.memory_space<hbm>>) target(%dma_start3A_50 : memref<128x64xf32, #tpu.memory_space<vmem>>) offsets(%arg13 : memref<128xi32, #tpu.memory_space<vmem>>) semaphore(%arg19 : memref<!tpu.dma_semaphore, #tpu.memory_space<semaphore_mem>>)
    %dma_start3A_54 = arith.constant 512 : i32
    %dma_start3A_55 = arith.constant 0 : i32
    %dma_start3A_56 = tpu.memref_slice %arg17[%dma_start3A_54, %dma_start3A_55] : memref<640x64xf32, #tpu.memory_space<vmem>> -> memref<128x64xf32, #tpu.memory_space<vmem>>
    %dma_start3A_57 = arith.constant 0 : i32
    %dma_start3A_58 = arith.constant 0 : i32
    %dma_start3A_59 = tpu.memref_slice %arg6[%dma_start3A_57, %dma_start3A_58] : memref<1000000x64xf32, #tpu.memory_space<hbm>> -> memref<1000000x64xf32, #tpu.memory_space<hbm>>
    tpu.enqueue_indirect_dma source(%dma_start3A_59 : memref<1000000x64xf32, #tpu.memory_space<hbm>>) target(%dma_start3A_56 : memref<128x64xf32, #tpu.memory_space<vmem>>) offsets(%arg14 : memref<128xi32, #tpu.memory_space<vmem>>) semaphore(%arg19 : memref<!tpu.dma_semaphore, #tpu.memory_space<semaphore_mem>>)
    %dma_wait3A = arith.constant 0 : i32
    %dma_wait3A_60 = arith.constant 0 : i32
    %dma_wait3A_61 = tpu.memref_slice %arg5[%dma_wait3A, %dma_wait3A_60] : memref<1000000x64xf32, #tpu.memory_space<hbm>> -> memref<1000000x64xf32, #tpu.memory_space<hbm>>
    tpu.wait_indirect_dma semaphore(%arg19 : memref<!tpu.dma_semaphore, #tpu.memory_space<semaphore_mem>>) src(%dma_wait3A_61 : memref<1000000x64xf32, #tpu.memory_space<hbm>>) dst(%arg15 : memref<128x64xf32, #tpu.memory_space<vmem>>)
    %dma_wait3A_62 = arith.constant 0 : i32
    %dma_wait3A_63 = arith.constant 0 : i32
    %dma_wait3A_64 = tpu.memref_slice %arg6[%dma_wait3A_62, %dma_wait3A_63] : memref<1000000x64xf32, #tpu.memory_space<hbm>> -> memref<1000000x64xf32, #tpu.memory_space<hbm>>
    tpu.wait_indirect_dma semaphore(%arg19 : memref<!tpu.dma_semaphore, #tpu.memory_space<semaphore_mem>>) src(%dma_wait3A_64 : memref<1000000x64xf32, #tpu.memory_space<hbm>>) dst(%arg16 : memref<128x64xf32, #tpu.memory_space<vmem>>)
    %dma_wait3A_65 = arith.constant 0 : i32
    %dma_wait3A_66 = arith.constant 0 : i32
    %dma_wait3A_67 = tpu.memref_slice %arg17[%dma_wait3A_65, %dma_wait3A_66] : memref<640x64xf32, #tpu.memory_space<vmem>> -> memref<128x64xf32, #tpu.memory_space<vmem>>
    %dma_wait3A_68 = arith.constant 0 : i32
    %dma_wait3A_69 = arith.constant 0 : i32
    %dma_wait3A_70 = tpu.memref_slice %arg6[%dma_wait3A_68, %dma_wait3A_69] : memref<1000000x64xf32, #tpu.memory_space<hbm>> -> memref<1000000x64xf32, #tpu.memory_space<hbm>>
    tpu.wait_indirect_dma semaphore(%arg19 : memref<!tpu.dma_semaphore, #tpu.memory_space<semaphore_mem>>) src(%dma_wait3A_70 : memref<1000000x64xf32, #tpu.memory_space<hbm>>) dst(%dma_wait3A_67 : memref<128x64xf32, #tpu.memory_space<vmem>>)
    %dma_wait3A_71 = arith.constant 128 : i32
    %dma_wait3A_72 = arith.constant 0 : i32
    %dma_wait3A_73 = tpu.memref_slice %arg17[%dma_wait3A_71, %dma_wait3A_72] : memref<640x64xf32, #tpu.memory_space<vmem>> -> memref<128x64xf32, #tpu.memory_space<vmem>>
    %dma_wait3A_74 = arith.constant 0 : i32
    %dma_wait3A_75 = arith.constant 0 : i32
    %dma_wait3A_76 = tpu.memref_slice %arg6[%dma_wait3A_74, %dma_wait3A_75] : memref<1000000x64xf32, #tpu.memory_space<hbm>> -> memref<1000000x64xf32, #tpu.memory_space<hbm>>
    tpu.wait_indirect_dma semaphore(%arg19 : memref<!tpu.dma_semaphore, #tpu.memory_space<semaphore_mem>>) src(%dma_wait3A_76 : memref<1000000x64xf32, #tpu.memory_space<hbm>>) dst(%dma_wait3A_73 : memref<128x64xf32, #tpu.memory_space<vmem>>)
    %dma_wait3A_77 = arith.constant 256 : i32
    %dma_wait3A_78 = arith.constant 0 : i32
    %dma_wait3A_79 = tpu.memref_slice %arg17[%dma_wait3A_77, %dma_wait3A_78] : memref<640x64xf32, #tpu.memory_space<vmem>> -> memref<128x64xf32, #tpu.memory_space<vmem>>
    %dma_wait3A_80 = arith.constant 0 : i32
    %dma_wait3A_81 = arith.constant 0 : i32
    %dma_wait3A_82 = tpu.memref_slice %arg6[%dma_wait3A_80, %dma_wait3A_81] : memref<1000000x64xf32, #tpu.memory_space<hbm>> -> memref<1000000x64xf32, #tpu.memory_space<hbm>>
    tpu.wait_indirect_dma semaphore(%arg19 : memref<!tpu.dma_semaphore, #tpu.memory_space<semaphore_mem>>) src(%dma_wait3A_82 : memref<1000000x64xf32, #tpu.memory_space<hbm>>) dst(%dma_wait3A_79 : memref<128x64xf32, #tpu.memory_space<vmem>>)
    %dma_wait3A_83 = arith.constant 384 : i32
    %dma_wait3A_84 = arith.constant 0 : i32
    %dma_wait3A_85 = tpu.memref_slice %arg17[%dma_wait3A_83, %dma_wait3A_84] : memref<640x64xf32, #tpu.memory_space<vmem>> -> memref<128x64xf32, #tpu.memory_space<vmem>>
    %dma_wait3A_86 = arith.constant 0 : i32
    %dma_wait3A_87 = arith.constant 0 : i32
    %dma_wait3A_88 = tpu.memref_slice %arg6[%dma_wait3A_86, %dma_wait3A_87] : memref<1000000x64xf32, #tpu.memory_space<hbm>> -> memref<1000000x64xf32, #tpu.memory_space<hbm>>
    tpu.wait_indirect_dma semaphore(%arg19 : memref<!tpu.dma_semaphore, #tpu.memory_space<semaphore_mem>>) src(%dma_wait3A_88 : memref<1000000x64xf32, #tpu.memory_space<hbm>>) dst(%dma_wait3A_85 : memref<128x64xf32, #tpu.memory_space<vmem>>)
    %dma_wait3A_89 = arith.constant 512 : i32
    %dma_wait3A_90 = arith.constant 0 : i32
    %dma_wait3A_91 = tpu.memref_slice %arg17[%dma_wait3A_89, %dma_wait3A_90] : memref<640x64xf32, #tpu.memory_space<vmem>> -> memref<128x64xf32, #tpu.memory_space<vmem>>
    %dma_wait3A_92 = arith.constant 0 : i32
    %dma_wait3A_93 = arith.constant 0 : i32
    %dma_wait3A_94 = tpu.memref_slice %arg6[%dma_wait3A_92, %dma_wait3A_93] : memref<1000000x64xf32, #tpu.memory_space<hbm>> -> memref<1000000x64xf32, #tpu.memory_space<hbm>>
    tpu.wait_indirect_dma semaphore(%arg19 : memref<!tpu.dma_semaphore, #tpu.memory_space<semaphore_mem>>) src(%dma_wait3A_94 : memref<1000000x64xf32, #tpu.memory_space<hbm>>) dst(%dma_wait3A_91 : memref<128x64xf32, #tpu.memory_space<vmem>>)
    %scan3A = arith.constant 0 : i32
    %scan3A_95 = arith.constant 0 : i32
    %scan3A_96 = arith.constant 128 : i32
    %scan3A_97 = arith.addi %scan3A_95, %scan3A_96 : i32
    %scan3A_98 = arith.constant 1 : i32
    scf.for %scan3A_414 = %scan3A_95 to %scan3A_97 step %scan3A_98  : i32 {
      %get3A = arith.index_cast %scan3A_414 : i32 to index
      %get3A_415 = arith.constant 0 : index
      %get3A_416 = tpu.vector_load %arg15[%get3A, %get3A_415] {strides = array<i32>} : memref<128x64xf32, #tpu.memory_space<vmem>>, vector<1x16xf32>,
      %get3A_417 = vector.shape_cast %get3A_416 : vector<1x16xf32> to vector<16xf32>
      %get3A_418 = arith.index_cast %scan3A_414 : i32 to index
      %get3A_419 = arith.constant 16 : index
      %get3A_420 = tpu.vector_load %arg15[%get3A_418, %get3A_419] {strides = array<i32>} : memref<128x64xf32, #tpu.memory_space<vmem>>, vector<1x16xf32>,
      %get3A_421 = vector.shape_cast %get3A_420 : vector<1x16xf32> to vector<16xf32>
      %get3A_422 = arith.index_cast %scan3A_414 : i32 to index
      %get3A_423 = arith.constant 32 : index
      %get3A_424 = tpu.vector_load %arg15[%get3A_422, %get3A_423] {strides = array<i32>} : memref<128x64xf32, #tpu.memory_space<vmem>>, vector<1x16xf32>,
      %get3A_425 = vector.shape_cast %get3A_424 : vector<1x16xf32> to vector<16xf32>
      %get3A_426 = arith.index_cast %scan3A_414 : i32 to index
      %get3A_427 = arith.constant 48 : index
      %get3A_428 = tpu.vector_load %arg15[%get3A_426, %get3A_427] {strides = array<i32>} : memref<128x64xf32, #tpu.memory_space<vmem>>, vector<1x16xf32>,
      %get3A_429 = vector.shape_cast %get3A_428 : vector<1x16xf32> to vector<16xf32>
      %get3A_430 = arith.index_cast %scan3A_414 : i32 to index
      %get3A_431 = arith.constant 0 : index
      %get3A_432 = tpu.vector_load %arg16[%get3A_430, %get3A_431] {strides = array<i32>} : memref<128x64xf32, #tpu.memory_space<vmem>>, vector<1x16xf32>,
      %get3A_433 = vector.shape_cast %get3A_432 : vector<1x16xf32> to vector<16xf32>
      %mul3A_434 = arith.mulf %get3A_417, %get3A_433 : vector<16xf32>
      %get3A_435 = arith.index_cast %scan3A_414 : i32 to index
      %get3A_436 = arith.constant 16 : index
      %get3A_437 = tpu.vector_load %arg16[%get3A_435, %get3A_436] {strides = array<i32>} : memref<128x64xf32, #tpu.memory_space<vmem>>, vector<1x16xf32>,
      %get3A_438 = vector.shape_cast %get3A_437 : vector<1x16xf32> to vector<16xf32>
      %mul3A_439 = arith.mulf %get3A_421, %get3A_438 : vector<16xf32>
      %add3A_440 = arith.addf %mul3A_434, %mul3A_439 : vector<16xf32>
      %get3A_441 = arith.index_cast %scan3A_414 : i32 to index
      %get3A_442 = arith.constant 32 : index
      %get3A_443 = tpu.vector_load %arg16[%get3A_441, %get3A_442] {strides = array<i32>} : memref<128x64xf32, #tpu.memory_space<vmem>>, vector<1x16xf32>,
      %get3A_444 = vector.shape_cast %get3A_443 : vector<1x16xf32> to vector<16xf32>
      %mul3A_445 = arith.mulf %get3A_425, %get3A_444 : vector<16xf32>
      %add3A_446 = arith.addf %add3A_440, %mul3A_445 : vector<16xf32>
      %get3A_447 = arith.index_cast %scan3A_414 : i32 to index
      %get3A_448 = arith.constant 48 : index
      %get3A_449 = tpu.vector_load %arg16[%get3A_447, %get3A_448] {strides = array<i32>} : memref<128x64xf32, #tpu.memory_space<vmem>>, vector<1x16xf32>,
      %get3A_450 = vector.shape_cast %get3A_449 : vector<1x16xf32> to vector<16xf32>
      %mul3A_451 = arith.mulf %get3A_429, %get3A_450 : vector<16xf32>
      %add3A_452 = arith.addf %add3A_446, %mul3A_451 : vector<16xf32>
      %mul3A_453 = arith.constant 6 : i32
      %mul3A_454 = arith.muli %scan3A_414, %mul3A_453 : i32
      %swap3A = arith.index_cast %mul3A_454 : i32 to index
      %swap3A_455 = arith.constant 0 : index
      %swap3A_456 = tpu.vector_load %arg18[%swap3A, %swap3A_455] {strides = array<i32>} : memref<768x16xf32, #tpu.memory_space<vmem>>, vector<1x16xf32>,
      %swap3A_457 = vector.shape_cast %swap3A_456 : vector<1x16xf32> to vector<16xf32>
      %swap3A_458 = vector.shape_cast %add3A_452 : vector<16xf32> to vector<1x16xf32>
      tpu.vector_store %arg18[%swap3A, %swap3A_455], %swap3A_458 {strides = array<i32>} : memref<768x16xf32, #tpu.memory_space<vmem>>, vector<1x16xf32>,
      %mul3A_459 = arith.constant 5 : i32
      %mul3A_460 = arith.muli %scan3A_414, %mul3A_459 : i32
      %add3A_461 = arith.constant 0 : i32
      %add3A_462 = arith.addi %mul3A_460, %add3A_461 : i32
      %get3A_463 = arith.index_cast %add3A_462 : i32 to index
      %get3A_464 = arith.constant 0 : index
      %get3A_465 = tpu.vector_load %arg17[%get3A_463, %get3A_464] {strides = array<i32>} : memref<640x64xf32, #tpu.memory_space<vmem>>, vector<1x16xf32>,
      %get3A_466 = vector.shape_cast %get3A_465 : vector<1x16xf32> to vector<16xf32>
      %mul3A_467 = arith.mulf %get3A_417, %get3A_466 : vector<16xf32>
      %get3A_468 = arith.index_cast %add3A_462 : i32 to index
      %get3A_469 = arith.constant 16 : index
      %get3A_470 = tpu.vector_load %arg17[%get3A_468, %get3A_469] {strides = array<i32>} : memref<640x64xf32, #tpu.memory_space<vmem>>, vector<1x16xf32>,
      %get3A_471 = vector.shape_cast %get3A_470 : vector<1x16xf32> to vector<16xf32>
      %mul3A_472 = arith.mulf %get3A_421, %get3A_471 : vector<16xf32>
      %add3A_473 = arith.addf %mul3A_467, %mul3A_472 : vector<16xf32>
      %get3A_474 = arith.index_cast %add3A_462 : i32 to index
      %get3A_475 = arith.constant 32 : index
      %get3A_476 = tpu.vector_load %arg17[%get3A_474, %get3A_475] {strides = array<i32>} : memref<640x64xf32, #tpu.memory_space<vmem>>, vector<1x16xf32>,
      %get3A_477 = vector.shape_cast %get3A_476 : vector<1x16xf32> to vector<16xf32>
      %mul3A_478 = arith.mulf %get3A_425, %get3A_477 : vector<16xf32>
      %add3A_479 = arith.addf %add3A_473, %mul3A_478 : vector<16xf32>
      %get3A_480 = arith.index_cast %add3A_462 : i32 to index
      %get3A_481 = arith.constant 48 : index
      %get3A_482 = tpu.vector_load %arg17[%get3A_480, %get3A_481] {strides = array<i32>} : memref<640x64xf32, #tpu.memory_space<vmem>>, vector<1x16xf32>,
      %get3A_483 = vector.shape_cast %get3A_482 : vector<1x16xf32> to vector<16xf32>
      %mul3A_484 = arith.mulf %get3A_429, %get3A_483 : vector<16xf32>
      %add3A_485 = arith.addf %add3A_479, %mul3A_484 : vector<16xf32>
      %mul3A_486 = arith.constant 6 : i32
      %mul3A_487 = arith.muli %scan3A_414, %mul3A_486 : i32
      %add3A_488 = arith.constant 1 : i32
      %add3A_489 = arith.addi %mul3A_487, %add3A_488 : i32
      %add3A_490 = arith.constant 0 : i32
      %add3A_491 = arith.addi %add3A_489, %add3A_490 : i32
      %swap3A_492 = arith.index_cast %add3A_491 : i32 to index
      %swap3A_493 = arith.constant 0 : index
      %swap3A_494 = tpu.vector_load %arg18[%swap3A_492, %swap3A_493] {strides = array<i32>} : memref<768x16xf32, #tpu.memory_space<vmem>>, vector<1x16xf32>,
      %swap3A_495 = vector.shape_cast %swap3A_494 : vector<1x16xf32> to vector<16xf32>
      %swap3A_496 = vector.shape_cast %add3A_485 : vector<16xf32> to vector<1x16xf32>
      tpu.vector_store %arg18[%swap3A_492, %swap3A_493], %swap3A_496 {strides = array<i32>} : memref<768x16xf32, #tpu.memory_space<vmem>>, vector<1x16xf32>,
      %mul3A_497 = arith.constant 5 : i32
      %mul3A_498 = arith.muli %scan3A_414, %mul3A_497 : i32
      %add3A_499 = arith.constant 1 : i32
      %add3A_500 = arith.addi %mul3A_498, %add3A_499 : i32
      %get3A_501 = arith.index_cast %add3A_500 : i32 to index
      %get3A_502 = arith.constant 0 : index
      %get3A_503 = tpu.vector_load %arg17[%get3A_501, %get3A_502] {strides = array<i32>} : memref<640x64xf32, #tpu.memory_space<vmem>>, vector<1x16xf32>,
      %get3A_504 = vector.shape_cast %get3A_503 : vector<1x16xf32> to vector<16xf32>
      %mul3A_505 = arith.mulf %get3A_417, %get3A_504 : vector<16xf32>
      %get3A_506 = arith.index_cast %add3A_500 : i32 to index
      %get3A_507 = arith.constant 16 : index
      %get3A_508 = tpu.vector_load %arg17[%get3A_506, %get3A_507] {strides = array<i32>} : memref<640x64xf32, #tpu.memory_space<vmem>>, vector<1x16xf32>,
      %get3A_509 = vector.shape_cast %get3A_508 : vector<1x16xf32> to vector<16xf32>
      %mul3A_510 = arith.mulf %get3A_421, %get3A_509 : vector<16xf32>
      %add3A_511 = arith.addf %mul3A_505, %mul3A_510 : vector<16xf32>
      %get3A_512 = arith.index_cast %add3A_500 : i32 to index
      %get3A_513 = arith.constant 32 : index
      %get3A_514 = tpu.vector_load %arg17[%get3A_512, %get3A_513] {strides = array<i32>} : memref<640x64xf32, #tpu.memory_space<vmem>>, vector<1x16xf32>,
      %get3A_515 = vector.shape_cast %get3A_514 : vector<1x16xf32> to vector<16xf32>
      %mul3A_516 = arith.mulf %get3A_425, %get3A_515 : vector<16xf32>
      %add3A_517 = arith.addf %add3A_511, %mul3A_516 : vector<16xf32>
      %get3A_518 = arith.index_cast %add3A_500 : i32 to index
      %get3A_519 = arith.constant 48 : index
      %get3A_520 = tpu.vector_load %arg17[%get3A_518, %get3A_519] {strides = array<i32>} : memref<640x64xf32, #tpu.memory_space<vmem>>, vector<1x16xf32>,
      %get3A_521 = vector.shape_cast %get3A_520 : vector<1x16xf32> to vector<16xf32>
      %mul3A_522 = arith.mulf %get3A_429, %get3A_521 : vector<16xf32>
      %add3A_523 = arith.addf %add3A_517, %mul3A_522 : vector<16xf32>
      %mul3A_524 = arith.constant 6 : i32
      %mul3A_525 = arith.muli %scan3A_414, %mul3A_524 : i32
      %add3A_526 = arith.constant 1 : i32
      %add3A_527 = arith.addi %mul3A_525, %add3A_526 : i32
      %add3A_528 = arith.constant 1 : i32
      %add3A_529 = arith.addi %add3A_527, %add3A_528 : i32
      %swap3A_530 = arith.index_cast %add3A_529 : i32 to index
      %swap3A_531 = arith.constant 0 : index
      %swap3A_532 = tpu.vector_load %arg18[%swap3A_530, %swap3A_531] {strides = array<i32>} : memref<768x16xf32, #tpu.memory_space<vmem>>, vector<1x16xf32>,
      %swap3A_533 = vector.shape_cast %swap3A_532 : vector<1x16xf32> to vector<16xf32>
      %swap3A_534 = vector.shape_cast %add3A_523 : vector<16xf32> to vector<1x16xf32>
      tpu.vector_store %arg18[%swap3A_530, %swap3A_531], %swap3A_534 {strides = array<i32>} : memref<768x16xf32, #tpu.memory_space<vmem>>, vector<1x16xf32>,
      %mul3A_535 = arith.constant 5 : i32
      %mul3A_536 = arith.muli %scan3A_414, %mul3A_535 : i32
      %add3A_537 = arith.constant 2 : i32
      %add3A_538 = arith.addi %mul3A_536, %add3A_537 : i32
      %get3A_539 = arith.index_cast %add3A_538 : i32 to index
      %get3A_540 = arith.constant 0 : index
      %get3A_541 = tpu.vector_load %arg17[%get3A_539, %get3A_540] {strides = array<i32>} : memref<640x64xf32, #tpu.memory_space<vmem>>, vector<1x16xf32>,
      %get3A_542 = vector.shape_cast %get3A_541 : vector<1x16xf32> to vector<16xf32>
      %mul3A_543 = arith.mulf %get3A_417, %get3A_542 : vector<16xf32>
      %get3A_544 = arith.index_cast %add3A_538 : i32 to index
      %get3A_545 = arith.constant 16 : index
      %get3A_546 = tpu.vector_load %arg17[%get3A_544, %get3A_545] {strides = array<i32>} : memref<640x64xf32, #tpu.memory_space<vmem>>, vector<1x16xf32>,
      %get3A_547 = vector.shape_cast %get3A_546 : vector<1x16xf32> to vector<16xf32>
      %mul3A_548 = arith.mulf %get3A_421, %get3A_547 : vector<16xf32>
      %add3A_549 = arith.addf %mul3A_543, %mul3A_548 : vector<16xf32>
      %get3A_550 = arith.index_cast %add3A_538 : i32 to index
      %get3A_551 = arith.constant 32 : index
      %get3A_552 = tpu.vector_load %arg17[%get3A_550, %get3A_551] {strides = array<i32>} : memref<640x64xf32, #tpu.memory_space<vmem>>, vector<1x16xf32>,
      %get3A_553 = vector.shape_cast %get3A_552 : vector<1x16xf32> to vector<16xf32>
      %mul3A_554 = arith.mulf %get3A_425, %get3A_553 : vector<16xf32>
      %add3A_555 = arith.addf %add3A_549, %mul3A_554 : vector<16xf32>
      %get3A_556 = arith.index_cast %add3A_538 : i32 to index
      %get3A_557 = arith.constant 48 : index
      %get3A_558 = tpu.vector_load %arg17[%get3A_556, %get3A_557] {strides = array<i32>} : memref<640x64xf32, #tpu.memory_space<vmem>>, vector<1x16xf32>,
      %get3A_559 = vector.shape_cast %get3A_558 : vector<1x16xf32> to vector<16xf32>
      %mul3A_560 = arith.mulf %get3A_429, %get3A_559 : vector<16xf32>
      %add3A_561 = arith.addf %add3A_555, %mul3A_560 : vector<16xf32>
      %mul3A_562 = arith.constant 6 : i32
      %mul3A_563 = arith.muli %scan3A_414, %mul3A_562 : i32
      %add3A_564 = arith.constant 1 : i32
      %add3A_565 = arith.addi %mul3A_563, %add3A_564 : i32
      %add3A_566 = arith.constant 2 : i32
      %add3A_567 = arith.addi %add3A_565, %add3A_566 : i32
      %swap3A_568 = arith.index_cast %add3A_567 : i32 to index
      %swap3A_569 = arith.constant 0 : index
      %swap3A_570 = tpu.vector_load %arg18[%swap3A_568, %swap3A_569] {strides = array<i32>} : memref<768x16xf32, #tpu.memory_space<vmem>>, vector<1x16xf32>,
      %swap3A_571 = vector.shape_cast %swap3A_570 : vector<1x16xf32> to vector<16xf32>
      %swap3A_572 = vector.shape_cast %add3A_561 : vector<16xf32> to vector<1x16xf32>
      tpu.vector_store %arg18[%swap3A_568, %swap3A_569], %swap3A_572 {strides = array<i32>} : memref<768x16xf32, #tpu.memory_space<vmem>>, vector<1x16xf32>,
      %mul3A_573 = arith.constant 5 : i32
      %mul3A_574 = arith.muli %scan3A_414, %mul3A_573 : i32
      %add3A_575 = arith.constant 3 : i32
      %add3A_576 = arith.addi %mul3A_574, %add3A_575 : i32
      %get3A_577 = arith.index_cast %add3A_576 : i32 to index
      %get3A_578 = arith.constant 0 : index
      %get3A_579 = tpu.vector_load %arg17[%get3A_577, %get3A_578] {strides = array<i32>} : memref<640x64xf32, #tpu.memory_space<vmem>>, vector<1x16xf32>,
      %get3A_580 = vector.shape_cast %get3A_579 : vector<1x16xf32> to vector<16xf32>
      %mul3A_581 = arith.mulf %get3A_417, %get3A_580 : vector<16xf32>
      %get3A_582 = arith.index_cast %add3A_576 : i32 to index
      %get3A_583 = arith.constant 16 : index
      %get3A_584 = tpu.vector_load %arg17[%get3A_582, %get3A_583] {strides = array<i32>} : memref<640x64xf32, #tpu.memory_space<vmem>>, vector<1x16xf32>,
      %get3A_585 = vector.shape_cast %get3A_584 : vector<1x16xf32> to vector<16xf32>
      %mul3A_586 = arith.mulf %get3A_421, %get3A_585 : vector<16xf32>
      %add3A_587 = arith.addf %mul3A_581, %mul3A_586 : vector<16xf32>
      %get3A_588 = arith.index_cast %add3A_576 : i32 to index
      %get3A_589 = arith.constant 32 : index
      %get3A_590 = tpu.vector_load %arg17[%get3A_588, %get3A_589] {strides = array<i32>} : memref<640x64xf32, #tpu.memory_space<vmem>>, vector<1x16xf32>,
      %get3A_591 = vector.shape_cast %get3A_590 : vector<1x16xf32> to vector<16xf32>
      %mul3A_592 = arith.mulf %get3A_425, %get3A_591 : vector<16xf32>
      %add3A_593 = arith.addf %add3A_587, %mul3A_592 : vector<16xf32>
      %get3A_594 = arith.index_cast %add3A_576 : i32 to index
      %get3A_595 = arith.constant 48 : index
      %get3A_596 = tpu.vector_load %arg17[%get3A_594, %get3A_595] {strides = array<i32>} : memref<640x64xf32, #tpu.memory_space<vmem>>, vector<1x16xf32>,
      %get3A_597 = vector.shape_cast %get3A_596 : vector<1x16xf32> to vector<16xf32>
      %mul3A_598 = arith.mulf %get3A_429, %get3A_597 : vector<16xf32>
      %add3A_599 = arith.addf %add3A_593, %mul3A_598 : vector<16xf32>
      %mul3A_600 = arith.constant 6 : i32
      %mul3A_601 = arith.muli %scan3A_414, %mul3A_600 : i32
      %add3A_602 = arith.constant 1 : i32
      %add3A_603 = arith.addi %mul3A_601, %add3A_602 : i32
      %add3A_604 = arith.constant 3 : i32
      %add3A_605 = arith.addi %add3A_603, %add3A_604 : i32
      %swap3A_606 = arith.index_cast %add3A_605 : i32 to index
      %swap3A_607 = arith.constant 0 : index
      %swap3A_608 = tpu.vector_load %arg18[%swap3A_606, %swap3A_607] {strides = array<i32>} : memref<768x16xf32, #tpu.memory_space<vmem>>, vector<1x16xf32>,
      %swap3A_609 = vector.shape_cast %swap3A_608 : vector<1x16xf32> to vector<16xf32>
      %swap3A_610 = vector.shape_cast %add3A_599 : vector<16xf32> to vector<1x16xf32>
      tpu.vector_store %arg18[%swap3A_606, %swap3A_607], %swap3A_610 {strides = array<i32>} : memref<768x16xf32, #tpu.memory_space<vmem>>, vector<1x16xf32>,
      %mul3A_611 = arith.constant 5 : i32
      %mul3A_612 = arith.muli %scan3A_414, %mul3A_611 : i32
      %add3A_613 = arith.constant 4 : i32
      %add3A_614 = arith.addi %mul3A_612, %add3A_613 : i32
      %get3A_615 = arith.index_cast %add3A_614 : i32 to index
      %get3A_616 = arith.constant 0 : index
      %get3A_617 = tpu.vector_load %arg17[%get3A_615, %get3A_616] {strides = array<i32>} : memref<640x64xf32, #tpu.memory_space<vmem>>, vector<1x16xf32>,
      %get3A_618 = vector.shape_cast %get3A_617 : vector<1x16xf32> to vector<16xf32>
      %mul3A_619 = arith.mulf %get3A_417, %get3A_618 : vector<16xf32>
      %get3A_620 = arith.index_cast %add3A_614 : i32 to index
      %get3A_621 = arith.constant 16 : index
      %get3A_622 = tpu.vector_load %arg17[%get3A_620, %get3A_621] {strides = array<i32>} : memref<640x64xf32, #tpu.memory_space<vmem>>, vector<1x16xf32>,
      %get3A_623 = vector.shape_cast %get3A_622 : vector<1x16xf32> to vector<16xf32>
      %mul3A_624 = arith.mulf %get3A_421, %get3A_623 : vector<16xf32>
      %add3A_625 = arith.addf %mul3A_619, %mul3A_624 : vector<16xf32>
      %get3A_626 = arith.index_cast %add3A_614 : i32 to index
      %get3A_627 = arith.constant 32 : index
      %get3A_628 = tpu.vector_load %arg17[%get3A_626, %get3A_627] {strides = array<i32>} : memref<640x64xf32, #tpu.memory_space<vmem>>, vector<1x16xf32>,
      %get3A_629 = vector.shape_cast %get3A_628 : vector<1x16xf32> to vector<16xf32>
      %mul3A_630 = arith.mulf %get3A_425, %get3A_629 : vector<16xf32>
      %add3A_631 = arith.addf %add3A_625, %mul3A_630 : vector<16xf32>
      %get3A_632 = arith.index_cast %add3A_614 : i32 to index
      %get3A_633 = arith.constant 48 : index
      %get3A_634 = tpu.vector_load %arg17[%get3A_632, %get3A_633] {strides = array<i32>} : memref<640x64xf32, #tpu.memory_space<vmem>>, vector<1x16xf32>,
      %get3A_635 = vector.shape_cast %get3A_634 : vector<1x16xf32> to vector<16xf32>
      %mul3A_636 = arith.mulf %get3A_429, %get3A_635 : vector<16xf32>
      %add3A_637 = arith.addf %add3A_631, %mul3A_636 : vector<16xf32>
      %mul3A_638 = arith.constant 6 : i32
      %mul3A_639 = arith.muli %scan3A_414, %mul3A_638 : i32
      %add3A_640 = arith.constant 1 : i32
      %add3A_641 = arith.addi %mul3A_639, %add3A_640 : i32
      %add3A_642 = arith.constant 4 : i32
      %add3A_643 = arith.addi %add3A_641, %add3A_642 : i32
      %swap3A_644 = arith.index_cast %add3A_643 : i32 to index
      %swap3A_645 = arith.constant 0 : index
      %swap3A_646 = tpu.vector_load %arg18[%swap3A_644, %swap3A_645] {strides = array<i32>} : memref<768x16xf32, #tpu.memory_space<vmem>>, vector<1x16xf32>,
      %swap3A_647 = vector.shape_cast %swap3A_646 : vector<1x16xf32> to vector<16xf32>
      %swap3A_648 = vector.shape_cast %add3A_637 : vector<16xf32> to vector<1x16xf32>
      tpu.vector_store %arg18[%swap3A_644, %swap3A_645], %swap3A_648 {strides = array<i32>} : memref<768x16xf32, #tpu.memory_space<vmem>>, vector<1x16xf32>,
    }
    %scan3A_99 = arith.constant 128 : i32
    %mul3A_100 = arith.constant 6 : i32
    %mul3A_101 = arith.muli %add3A_4, %mul3A_100 : i32
    "tpu.region"() ({
      %run_scoped3A = tpu.sem_alloc : memref<!tpu.dma_semaphore, #tpu.memory_space<semaphore_mem>>
      %dma_start3A_414 = arith.constant 0 : i32
      %dma_start3A_415 = tpu.memref_slice %arg7[%mul3A_101, %dma_start3A_414] : memref<98304x16xf32, #tpu.memory_space<hbm>> -> memref<768x16xf32, #tpu.memory_space<hbm>>
      %dma_start3A_416 = arith.constant 0 : i32
      %dma_start3A_417 = tpu.memref_slice %arg7[%mul3A_101, %dma_start3A_416] : memref<98304x16xf32, #tpu.memory_space<hbm>> -> memref<768x16xf32, #tpu.memory_space<hbm>>
      tpu.enqueue_dma source(%arg18 : memref<768x16xf32, #tpu.memory_space<vmem>>) target(%dma_start3A_417 : memref<768x16xf32, #tpu.memory_space<hbm>>) target_semaphore(%run_scoped3A : memref<!tpu.dma_semaphore, #tpu.memory_space<semaphore_mem>>)
      %dma_wait3A_418 = arith.constant 0 : i32
      %dma_wait3A_419 = tpu.memref_slice %arg7[%mul3A_101, %dma_wait3A_418] : memref<98304x16xf32, #tpu.memory_space<hbm>> -> memref<768x16xf32, #tpu.memory_space<hbm>>
      %dma_wait3A_420 = arith.constant 0 : i32
      %dma_wait3A_421 = tpu.memref_slice %arg7[%mul3A_101, %dma_wait3A_420] : memref<98304x16xf32, #tpu.memory_space<hbm>> -> memref<768x16xf32, #tpu.memory_space<hbm>>
      tpu.wait_dma2 semaphore(%run_scoped3A : memref<!tpu.dma_semaphore, #tpu.memory_space<semaphore_mem>>) src(%arg18 : memref<768x16xf32, #tpu.memory_space<vmem>>) dst(%dma_wait3A_421 : memref<768x16xf32, #tpu.memory_space<hbm>>)
      tpu.yield
    }) : () -> ()
    %mul3A_102 = arith.constant 512 : i32
    %mul3A_103 = arith.muli %add3A, %mul3A_102 : i32
    %add3A_104 = arith.constant 128 : i32
    %add3A_105 = arith.addi %mul3A_103, %add3A_104 : i32
    "tpu.region"() ({
      %run_scoped3A = tpu.sem_alloc : memref<!tpu.dma_semaphore, #tpu.memory_space<semaphore_mem>>
      %dma_start3A_414 = tpu.memref_slice %arg2[%add3A_105] : memref<16384xi32, #tpu.memory_space<hbm>> -> memref<128xi32, #tpu.memory_space<hbm>>
      %dma_start3A_415 = tpu.memref_slice %arg2[%add3A_105] : memref<16384xi32, #tpu.memory_space<hbm>> -> memref<128xi32, #tpu.memory_space<hbm>>
      tpu.enqueue_dma source(%dma_start3A_415 : memref<128xi32, #tpu.memory_space<hbm>>) target(%arg8 : memref<128xi32, #tpu.memory_space<vmem>>) target_semaphore(%run_scoped3A : memref<!tpu.dma_semaphore, #tpu.memory_space<semaphore_mem>>)
      %dma_wait3A_416 = tpu.memref_slice %arg2[%add3A_105] : memref<16384xi32, #tpu.memory_space<hbm>> -> memref<128xi32, #tpu.memory_space<hbm>>
      %dma_wait3A_417 = tpu.memref_slice %arg2[%add3A_105] : memref<16384xi32, #tpu.memory_space<hbm>> -> memref<128xi32, #tpu.memory_space<hbm>>
      tpu.wait_dma2 semaphore(%run_scoped3A : memref<!tpu.dma_semaphore, #tpu.memory_space<semaphore_mem>>) src(%dma_wait3A_417 : memref<128xi32, #tpu.memory_space<hbm>>) dst(%arg8 : memref<128xi32, #tpu.memory_space<vmem>>)
      tpu.yield
    }) : () -> ()
    "tpu.region"() ({
      %run_scoped3A = tpu.sem_alloc : memref<!tpu.dma_semaphore, #tpu.memory_space<semaphore_mem>>
      %dma_start3A_414 = tpu.memref_slice %arg3[%add3A_105] : memref<16384xi32, #tpu.memory_space<hbm>> -> memref<128xi32, #tpu.memory_space<hbm>>
      %dma_start3A_415 = tpu.memref_slice %arg3[%add3A_105] : memref<16384xi32, #tpu.memory_space<hbm>> -> memref<128xi32, #tpu.memory_space<hbm>>
      tpu.enqueue_dma source(%dma_start3A_415 : memref<128xi32, #tpu.memory_space<hbm>>) target(%arg9 : memref<128xi32, #tpu.memory_space<vmem>>) target_semaphore(%run_scoped3A : memref<!tpu.dma_semaphore, #tpu.memory_space<semaphore_mem>>)
      %dma_wait3A_416 = tpu.memref_slice %arg3[%add3A_105] : memref<16384xi32, #tpu.memory_space<hbm>> -> memref<128xi32, #tpu.memory_space<hbm>>
      %dma_wait3A_417 = tpu.memref_slice %arg3[%add3A_105] : memref<16384xi32, #tpu.memory_space<hbm>> -> memref<128xi32, #tpu.memory_space<hbm>>
      tpu.wait_dma2 semaphore(%run_scoped3A : memref<!tpu.dma_semaphore, #tpu.memory_space<semaphore_mem>>) src(%dma_wait3A_417 : memref<128xi32, #tpu.memory_space<hbm>>) dst(%arg9 : memref<128xi32, #tpu.memory_space<vmem>>)
      tpu.yield
    }) : () -> ()
    %mul3A_106 = arith.constant 5 : i32
    %mul3A_107 = arith.muli %add3A_105, %mul3A_106 : i32
    %add3A_108 = arith.constant 0 : i32
    %add3A_109 = arith.addi %mul3A_107, %add3A_108 : i32
    "tpu.region"() ({
      %run_scoped3A = tpu.sem_alloc : memref<!tpu.dma_semaphore, #tpu.memory_space<semaphore_mem>>
      %dma_start3A_414 = tpu.memref_slice %arg4[%add3A_109] : memref<81920xi32, #tpu.memory_space<hbm>> -> memref<128xi32, #tpu.memory_space<hbm>>
      %dma_start3A_415 = tpu.memref_slice %arg4[%add3A_109] : memref<81920xi32, #tpu.memory_space<hbm>> -> memref<128xi32, #tpu.memory_space<hbm>>
      tpu.enqueue_dma source(%dma_start3A_415 : memref<128xi32, #tpu.memory_space<hbm>>) target(%arg10 : memref<128xi32, #tpu.memory_space<vmem>>) target_semaphore(%run_scoped3A : memref<!tpu.dma_semaphore, #tpu.memory_space<semaphore_mem>>)
      %dma_wait3A_416 = tpu.memref_slice %arg4[%add3A_109] : memref<81920xi32, #tpu.memory_space<hbm>> -> memref<128xi32, #tpu.memory_space<hbm>>
      %dma_wait3A_417 = tpu.memref_slice %arg4[%add3A_109] : memref<81920xi32, #tpu.memory_space<hbm>> -> memref<128xi32, #tpu.memory_space<hbm>>
      tpu.wait_dma2 semaphore(%run_scoped3A : memref<!tpu.dma_semaphore, #tpu.memory_space<semaphore_mem>>) src(%dma_wait3A_417 : memref<128xi32, #tpu.memory_space<hbm>>) dst(%arg10 : memref<128xi32, #tpu.memory_space<vmem>>)
      tpu.yield
    }) : () -> ()
    %mul3A_110 = arith.constant 5 : i32
    %mul3A_111 = arith.muli %add3A_105, %mul3A_110 : i32
    %add3A_112 = arith.constant 128 : i32
    %add3A_113 = arith.addi %mul3A_111, %add3A_112 : i32
    "tpu.region"() ({
      %run_scoped3A = tpu.sem_alloc : memref<!tpu.dma_semaphore, #tpu.memory_space<semaphore_mem>>
      %dma_start3A_414 = tpu.memref_slice %arg4[%add3A_113] : memref<81920xi32, #tpu.memory_space<hbm>> -> memref<128xi32, #tpu.memory_space<hbm>>
      %dma_start3A_415 = tpu.memref_slice %arg4[%add3A_113] : memref<81920xi32, #tpu.memory_space<hbm>> -> memref<128xi32, #tpu.memory_space<hbm>>
      tpu.enqueue_dma source(%dma_start3A_415 : memref<128xi32, #tpu.memory_space<hbm>>) target(%arg11 : memref<128xi32, #tpu.memory_space<vmem>>) target_semaphore(%run_scoped3A : memref<!tpu.dma_semaphore, #tpu.memory_space<semaphore_mem>>)
      %dma_wait3A_416 = tpu.memref_slice %arg4[%add3A_113] : memref<81920xi32, #tpu.memory_space<hbm>> -> memref<128xi32, #tpu.memory_space<hbm>>
      %dma_wait3A_417 = tpu.memref_slice %arg4[%add3A_113] : memref<81920xi32, #tpu.memory_space<hbm>> -> memref<128xi32, #tpu.memory_space<hbm>>
      tpu.wait_dma2 semaphore(%run_scoped3A : memref<!tpu.dma_semaphore, #tpu.memory_space<semaphore_mem>>) src(%dma_wait3A_417 : memref<128xi32, #tpu.memory_space<hbm>>) dst(%arg11 : memref<128xi32, #tpu.memory_space<vmem>>)
      tpu.yield
    }) : () -> ()
    %mul3A_114 = arith.constant 5 : i32
    %mul3A_115 = arith.muli %add3A_105, %mul3A_114 : i32
    %add3A_116 = arith.constant 256 : i32
    %add3A_117 = arith.addi %mul3A_115, %add3A_116 : i32
    "tpu.region"() ({
      %run_scoped3A = tpu.sem_alloc : memref<!tpu.dma_semaphore, #tpu.memory_space<semaphore_mem>>
      %dma_start3A_414 = tpu.memref_slice %arg4[%add3A_117] : memref<81920xi32, #tpu.memory_space<hbm>> -> memref<128xi32, #tpu.memory_space<hbm>>
      %dma_start3A_415 = tpu.memref_slice %arg4[%add3A_117] : memref<81920xi32, #tpu.memory_space<hbm>> -> memref<128xi32, #tpu.memory_space<hbm>>
      tpu.enqueue_dma source(%dma_start3A_415 : memref<128xi32, #tpu.memory_space<hbm>>) target(%arg12 : memref<128xi32, #tpu.memory_space<vmem>>) target_semaphore(%run_scoped3A : memref<!tpu.dma_semaphore, #tpu.memory_space<semaphore_mem>>)
      %dma_wait3A_416 = tpu.memref_slice %arg4[%add3A_117] : memref<81920xi32, #tpu.memory_space<hbm>> -> memref<128xi32, #tpu.memory_space<hbm>>
      %dma_wait3A_417 = tpu.memref_slice %arg4[%add3A_117] : memref<81920xi32, #tpu.memory_space<hbm>> -> memref<128xi32, #tpu.memory_space<hbm>>
      tpu.wait_dma2 semaphore(%run_scoped3A : memref<!tpu.dma_semaphore, #tpu.memory_space<semaphore_mem>>) src(%dma_wait3A_417 : memref<128xi32, #tpu.memory_space<hbm>>) dst(%arg12 : memref<128xi32, #tpu.memory_space<vmem>>)
      tpu.yield
    }) : () -> ()
    %mul3A_118 = arith.constant 5 : i32
    %mul3A_119 = arith.muli %add3A_105, %mul3A_118 : i32
    %add3A_120 = arith.constant 384 : i32
    %add3A_121 = arith.addi %mul3A_119, %add3A_120 : i32
    "tpu.region"() ({
      %run_scoped3A = tpu.sem_alloc : memref<!tpu.dma_semaphore, #tpu.memory_space<semaphore_mem>>
      %dma_start3A_414 = tpu.memref_slice %arg4[%add3A_121] : memref<81920xi32, #tpu.memory_space<hbm>> -> memref<128xi32, #tpu.memory_space<hbm>>
      %dma_start3A_415 = tpu.memref_slice %arg4[%add3A_121] : memref<81920xi32, #tpu.memory_space<hbm>> -> memref<128xi32, #tpu.memory_space<hbm>>
      tpu.enqueue_dma source(%dma_start3A_415 : memref<128xi32, #tpu.memory_space<hbm>>) target(%arg13 : memref<128xi32, #tpu.memory_space<vmem>>) target_semaphore(%run_scoped3A : memref<!tpu.dma_semaphore, #tpu.memory_space<semaphore_mem>>)
      %dma_wait3A_416 = tpu.memref_slice %arg4[%add3A_121] : memref<81920xi32, #tpu.memory_space<hbm>> -> memref<128xi32, #tpu.memory_space<hbm>>
      %dma_wait3A_417 = tpu.memref_slice %arg4[%add3A_121] : memref<81920xi32, #tpu.memory_space<hbm>> -> memref<128xi32, #tpu.memory_space<hbm>>
      tpu.wait_dma2 semaphore(%run_scoped3A : memref<!tpu.dma_semaphore, #tpu.memory_space<semaphore_mem>>) src(%dma_wait3A_417 : memref<128xi32, #tpu.memory_space<hbm>>) dst(%arg13 : memref<128xi32, #tpu.memory_space<vmem>>)
      tpu.yield
    }) : () -> ()
    %mul3A_122 = arith.constant 5 : i32
    %mul3A_123 = arith.muli %add3A_105, %mul3A_122 : i32
    %add3A_124 = arith.constant 512 : i32
    %add3A_125 = arith.addi %mul3A_123, %add3A_124 : i32
    "tpu.region"() ({
      %run_scoped3A = tpu.sem_alloc : memref<!tpu.dma_semaphore, #tpu.memory_space<semaphore_mem>>
      %dma_start3A_414 = tpu.memref_slice %arg4[%add3A_125] : memref<81920xi32, #tpu.memory_space<hbm>> -> memref<128xi32, #tpu.memory_space<hbm>>
      %dma_start3A_415 = tpu.memref_slice %arg4[%add3A_125] : memref<81920xi32, #tpu.memory_space<hbm>> -> memref<128xi32, #tpu.memory_space<hbm>>
      tpu.enqueue_dma source(%dma_start3A_415 : memref<128xi32, #tpu.memory_space<hbm>>) target(%arg14 : memref<128xi32, #tpu.memory_space<vmem>>) target_semaphore(%run_scoped3A : memref<!tpu.dma_semaphore, #tpu.memory_space<semaphore_mem>>)
      %dma_wait3A_416 = tpu.memref_slice %arg4[%add3A_125] : memref<81920xi32, #tpu.memory_space<hbm>> -> memref<128xi32, #tpu.memory_space<hbm>>
      %dma_wait3A_417 = tpu.memref_slice %arg4[%add3A_125] : memref<81920xi32, #tpu.memory_space<hbm>> -> memref<128xi32, #tpu.memory_space<hbm>>
      tpu.wait_dma2 semaphore(%run_scoped3A : memref<!tpu.dma_semaphore, #tpu.memory_space<semaphore_mem>>) src(%dma_wait3A_417 : memref<128xi32, #tpu.memory_space<hbm>>) dst(%arg14 : memref<128xi32, #tpu.memory_space<vmem>>)
      tpu.yield
    }) : () -> ()
    %dma_start3A_126 = arith.constant 0 : i32
    %dma_start3A_127 = arith.constant 0 : i32
    %dma_start3A_128 = tpu.memref_slice %arg5[%dma_start3A_126, %dma_start3A_127] : memref<1000000x64xf32, #tpu.memory_space<hbm>> -> memref<1000000x64xf32, #tpu.memory_space<hbm>>
    tpu.enqueue_indirect_dma source(%dma_start3A_128 : memref<1000000x64xf32, #tpu.memory_space<hbm>>) target(%arg15 : memref<128x64xf32, #tpu.memory_space<vmem>>) offsets(%arg8 : memref<128xi32, #tpu.memory_space<vmem>>) semaphore(%arg19 : memref<!tpu.dma_semaphore, #tpu.memory_space<semaphore_mem>>)
    %dma_start3A_129 = arith.constant 0 : i32
    %dma_start3A_130 = arith.constant 0 : i32
    %dma_start3A_131 = tpu.memref_slice %arg6[%dma_start3A_129, %dma_start3A_130] : memref<1000000x64xf32, #tpu.memory_space<hbm>> -> memref<1000000x64xf32, #tpu.memory_space<hbm>>
    tpu.enqueue_indirect_dma source(%dma_start3A_131 : memref<1000000x64xf32, #tpu.memory_space<hbm>>) target(%arg16 : memref<128x64xf32, #tpu.memory_space<vmem>>) offsets(%arg9 : memref<128xi32, #tpu.memory_space<vmem>>) semaphore(%arg19 : memref<!tpu.dma_semaphore, #tpu.memory_space<semaphore_mem>>)
    %dma_start3A_132 = arith.constant 0 : i32
    %dma_start3A_133 = arith.constant 0 : i32
    %dma_start3A_134 = tpu.memref_slice %arg17[%dma_start3A_132, %dma_start3A_133] : memref<640x64xf32, #tpu.memory_space<vmem>> -> memref<128x64xf32, #tpu.memory_space<vmem>>
    %dma_start3A_135 = arith.constant 0 : i32
    %dma_start3A_136 = arith.constant 0 : i32
    %dma_start3A_137 = tpu.memref_slice %arg6[%dma_start3A_135, %dma_start3A_136] : memref<1000000x64xf32, #tpu.memory_space<hbm>> -> memref<1000000x64xf32, #tpu.memory_space<hbm>>
    tpu.enqueue_indirect_dma source(%dma_start3A_137 : memref<1000000x64xf32, #tpu.memory_space<hbm>>) target(%dma_start3A_134 : memref<128x64xf32, #tpu.memory_space<vmem>>) offsets(%arg10 : memref<128xi32, #tpu.memory_space<vmem>>) semaphore(%arg19 : memref<!tpu.dma_semaphore, #tpu.memory_space<semaphore_mem>>)
    %dma_start3A_138 = arith.constant 128 : i32
    %dma_start3A_139 = arith.constant 0 : i32
    %dma_start3A_140 = tpu.memref_slice %arg17[%dma_start3A_138, %dma_start3A_139] : memref<640x64xf32, #tpu.memory_space<vmem>> -> memref<128x64xf32, #tpu.memory_space<vmem>>
    %dma_start3A_141 = arith.constant 0 : i32
    %dma_start3A_142 = arith.constant 0 : i32
    %dma_start3A_143 = tpu.memref_slice %arg6[%dma_start3A_141, %dma_start3A_142] : memref<1000000x64xf32, #tpu.memory_space<hbm>> -> memref<1000000x64xf32, #tpu.memory_space<hbm>>
    tpu.enqueue_indirect_dma source(%dma_start3A_143 : memref<1000000x64xf32, #tpu.memory_space<hbm>>) target(%dma_start3A_140 : memref<128x64xf32, #tpu.memory_space<vmem>>) offsets(%arg11 : memref<128xi32, #tpu.memory_space<vmem>>) semaphore(%arg19 : memref<!tpu.dma_semaphore, #tpu.memory_space<semaphore_mem>>)
    %dma_start3A_144 = arith.constant 256 : i32
    %dma_start3A_145 = arith.constant 0 : i32
    %dma_start3A_146 = tpu.memref_slice %arg17[%dma_start3A_144, %dma_start3A_145] : memref<640x64xf32, #tpu.memory_space<vmem>> -> memref<128x64xf32, #tpu.memory_space<vmem>>
    %dma_start3A_147 = arith.constant 0 : i32
    %dma_start3A_148 = arith.constant 0 : i32
    %dma_start3A_149 = tpu.memref_slice %arg6[%dma_start3A_147, %dma_start3A_148] : memref<1000000x64xf32, #tpu.memory_space<hbm>> -> memref<1000000x64xf32, #tpu.memory_space<hbm>>
    tpu.enqueue_indirect_dma source(%dma_start3A_149 : memref<1000000x64xf32, #tpu.memory_space<hbm>>) target(%dma_start3A_146 : memref<128x64xf32, #tpu.memory_space<vmem>>) offsets(%arg12 : memref<128xi32, #tpu.memory_space<vmem>>) semaphore(%arg19 : memref<!tpu.dma_semaphore, #tpu.memory_space<semaphore_mem>>)
    %dma_start3A_150 = arith.constant 384 : i32
    %dma_start3A_151 = arith.constant 0 : i32
    %dma_start3A_152 = tpu.memref_slice %arg17[%dma_start3A_150, %dma_start3A_151] : memref<640x64xf32, #tpu.memory_space<vmem>> -> memref<128x64xf32, #tpu.memory_space<vmem>>
    %dma_start3A_153 = arith.constant 0 : i32
    %dma_start3A_154 = arith.constant 0 : i32
    %dma_start3A_155 = tpu.memref_slice %arg6[%dma_start3A_153, %dma_start3A_154] : memref<1000000x64xf32, #tpu.memory_space<hbm>> -> memref<1000000x64xf32, #tpu.memory_space<hbm>>
    tpu.enqueue_indirect_dma source(%dma_start3A_155 : memref<1000000x64xf32, #tpu.memory_space<hbm>>) target(%dma_start3A_152 : memref<128x64xf32, #tpu.memory_space<vmem>>) offsets(%arg13 : memref<128xi32, #tpu.memory_space<vmem>>) semaphore(%arg19 : memref<!tpu.dma_semaphore, #tpu.memory_space<semaphore_mem>>)
    %dma_start3A_156 = arith.constant 512 : i32
    %dma_start3A_157 = arith.constant 0 : i32
    %dma_start3A_158 = tpu.memref_slice %arg17[%dma_start3A_156, %dma_start3A_157] : memref<640x64xf32, #tpu.memory_space<vmem>> -> memref<128x64xf32, #tpu.memory_space<vmem>>
    %dma_start3A_159 = arith.constant 0 : i32
    %dma_start3A_160 = arith.constant 0 : i32
    %dma_start3A_161 = tpu.memref_slice %arg6[%dma_start3A_159, %dma_start3A_160] : memref<1000000x64xf32, #tpu.memory_space<hbm>> -> memref<1000000x64xf32, #tpu.memory_space<hbm>>
    tpu.enqueue_indirect_dma source(%dma_start3A_161 : memref<1000000x64xf32, #tpu.memory_space<hbm>>) target(%dma_start3A_158 : memref<128x64xf32, #tpu.memory_space<vmem>>) offsets(%arg14 : memref<128xi32, #tpu.memory_space<vmem>>) semaphore(%arg19 : memref<!tpu.dma_semaphore, #tpu.memory_space<semaphore_mem>>)
    %dma_wait3A_162 = arith.constant 0 : i32
    %dma_wait3A_163 = arith.constant 0 : i32
    %dma_wait3A_164 = tpu.memref_slice %arg5[%dma_wait3A_162, %dma_wait3A_163] : memref<1000000x64xf32, #tpu.memory_space<hbm>> -> memref<1000000x64xf32, #tpu.memory_space<hbm>>
    tpu.wait_indirect_dma semaphore(%arg19 : memref<!tpu.dma_semaphore, #tpu.memory_space<semaphore_mem>>) src(%dma_wait3A_164 : memref<1000000x64xf32, #tpu.memory_space<hbm>>) dst(%arg15 : memref<128x64xf32, #tpu.memory_space<vmem>>)
    %dma_wait3A_165 = arith.constant 0 : i32
    %dma_wait3A_166 = arith.constant 0 : i32
    %dma_wait3A_167 = tpu.memref_slice %arg6[%dma_wait3A_165, %dma_wait3A_166] : memref<1000000x64xf32, #tpu.memory_space<hbm>> -> memref<1000000x64xf32, #tpu.memory_space<hbm>>
    tpu.wait_indirect_dma semaphore(%arg19 : memref<!tpu.dma_semaphore, #tpu.memory_space<semaphore_mem>>) src(%dma_wait3A_167 : memref<1000000x64xf32, #tpu.memory_space<hbm>>) dst(%arg16 : memref<128x64xf32, #tpu.memory_space<vmem>>)
    %dma_wait3A_168 = arith.constant 0 : i32
    %dma_wait3A_169 = arith.constant 0 : i32
    %dma_wait3A_170 = tpu.memref_slice %arg17[%dma_wait3A_168, %dma_wait3A_169] : memref<640x64xf32, #tpu.memory_space<vmem>> -> memref<128x64xf32, #tpu.memory_space<vmem>>
    %dma_wait3A_171 = arith.constant 0 : i32
    %dma_wait3A_172 = arith.constant 0 : i32
    %dma_wait3A_173 = tpu.memref_slice %arg6[%dma_wait3A_171, %dma_wait3A_172] : memref<1000000x64xf32, #tpu.memory_space<hbm>> -> memref<1000000x64xf32, #tpu.memory_space<hbm>>
    tpu.wait_indirect_dma semaphore(%arg19 : memref<!tpu.dma_semaphore, #tpu.memory_space<semaphore_mem>>) src(%dma_wait3A_173 : memref<1000000x64xf32, #tpu.memory_space<hbm>>) dst(%dma_wait3A_170 : memref<128x64xf32, #tpu.memory_space<vmem>>)
    %dma_wait3A_174 = arith.constant 128 : i32
    %dma_wait3A_175 = arith.constant 0 : i32
    %dma_wait3A_176 = tpu.memref_slice %arg17[%dma_wait3A_174, %dma_wait3A_175] : memref<640x64xf32, #tpu.memory_space<vmem>> -> memref<128x64xf32, #tpu.memory_space<vmem>>
    %dma_wait3A_177 = arith.constant 0 : i32
    %dma_wait3A_178 = arith.constant 0 : i32
    %dma_wait3A_179 = tpu.memref_slice %arg6[%dma_wait3A_177, %dma_wait3A_178] : memref<1000000x64xf32, #tpu.memory_space<hbm>> -> memref<1000000x64xf32, #tpu.memory_space<hbm>>
    tpu.wait_indirect_dma semaphore(%arg19 : memref<!tpu.dma_semaphore, #tpu.memory_space<semaphore_mem>>) src(%dma_wait3A_179 : memref<1000000x64xf32, #tpu.memory_space<hbm>>) dst(%dma_wait3A_176 : memref<128x64xf32, #tpu.memory_space<vmem>>)
    %dma_wait3A_180 = arith.constant 256 : i32
    %dma_wait3A_181 = arith.constant 0 : i32
    %dma_wait3A_182 = tpu.memref_slice %arg17[%dma_wait3A_180, %dma_wait3A_181] : memref<640x64xf32, #tpu.memory_space<vmem>> -> memref<128x64xf32, #tpu.memory_space<vmem>>
    %dma_wait3A_183 = arith.constant 0 : i32
    %dma_wait3A_184 = arith.constant 0 : i32
    %dma_wait3A_185 = tpu.memref_slice %arg6[%dma_wait3A_183, %dma_wait3A_184] : memref<1000000x64xf32, #tpu.memory_space<hbm>> -> memref<1000000x64xf32, #tpu.memory_space<hbm>>
    tpu.wait_indirect_dma semaphore(%arg19 : memref<!tpu.dma_semaphore, #tpu.memory_space<semaphore_mem>>) src(%dma_wait3A_185 : memref<1000000x64xf32, #tpu.memory_space<hbm>>) dst(%dma_wait3A_182 : memref<128x64xf32, #tpu.memory_space<vmem>>)
    %dma_wait3A_186 = arith.constant 384 : i32
    %dma_wait3A_187 = arith.constant 0 : i32
    %dma_wait3A_188 = tpu.memref_slice %arg17[%dma_wait3A_186, %dma_wait3A_187] : memref<640x64xf32, #tpu.memory_space<vmem>> -> memref<128x64xf32, #tpu.memory_space<vmem>>
    %dma_wait3A_189 = arith.constant 0 : i32
    %dma_wait3A_190 = arith.constant 0 : i32
    %dma_wait3A_191 = tpu.memref_slice %arg6[%dma_wait3A_189, %dma_wait3A_190] : memref<1000000x64xf32, #tpu.memory_space<hbm>> -> memref<1000000x64xf32, #tpu.memory_space<hbm>>
    tpu.wait_indirect_dma semaphore(%arg19 : memref<!tpu.dma_semaphore, #tpu.memory_space<semaphore_mem>>) src(%dma_wait3A_191 : memref<1000000x64xf32, #tpu.memory_space<hbm>>) dst(%dma_wait3A_188 : memref<128x64xf32, #tpu.memory_space<vmem>>)
    %dma_wait3A_192 = arith.constant 512 : i32
    %dma_wait3A_193 = arith.constant 0 : i32
    %dma_wait3A_194 = tpu.memref_slice %arg17[%dma_wait3A_192, %dma_wait3A_193] : memref<640x64xf32, #tpu.memory_space<vmem>> -> memref<128x64xf32, #tpu.memory_space<vmem>>
    %dma_wait3A_195 = arith.constant 0 : i32
    %dma_wait3A_196 = arith.constant 0 : i32
    %dma_wait3A_197 = tpu.memref_slice %arg6[%dma_wait3A_195, %dma_wait3A_196] : memref<1000000x64xf32, #tpu.memory_space<hbm>> -> memref<1000000x64xf32, #tpu.memory_space<hbm>>
    tpu.wait_indirect_dma semaphore(%arg19 : memref<!tpu.dma_semaphore, #tpu.memory_space<semaphore_mem>>) src(%dma_wait3A_197 : memref<1000000x64xf32, #tpu.memory_space<hbm>>) dst(%dma_wait3A_194 : memref<128x64xf32, #tpu.memory_space<vmem>>)
    %scan3A_198 = arith.constant 0 : i32
    %scan3A_199 = arith.constant 0 : i32
    %scan3A_200 = arith.constant 128 : i32
    %scan3A_201 = arith.addi %scan3A_199, %scan3A_200 : i32
    %scan3A_202 = arith.constant 1 : i32
    scf.for %scan3A_414 = %scan3A_199 to %scan3A_201 step %scan3A_202  : i32 {
      %get3A = arith.index_cast %scan3A_414 : i32 to index
      %get3A_415 = arith.constant 0 : index
      %get3A_416 = tpu.vector_load %arg15[%get3A, %get3A_415] {strides = array<i32>} : memref<128x64xf32, #tpu.memory_space<vmem>>, vector<1x16xf32>,
      %get3A_417 = vector.shape_cast %get3A_416 : vector<1x16xf32> to vector<16xf32>
      %get3A_418 = arith.index_cast %scan3A_414 : i32 to index
      %get3A_419 = arith.constant 16 : index
      %get3A_420 = tpu.vector_load %arg15[%get3A_418, %get3A_419] {strides = array<i32>} : memref<128x64xf32, #tpu.memory_space<vmem>>, vector<1x16xf32>,
      %get3A_421 = vector.shape_cast %get3A_420 : vector<1x16xf32> to vector<16xf32>
      %get3A_422 = arith.index_cast %scan3A_414 : i32 to index
      %get3A_423 = arith.constant 32 : index
      %get3A_424 = tpu.vector_load %arg15[%get3A_422, %get3A_423] {strides = array<i32>} : memref<128x64xf32, #tpu.memory_space<vmem>>, vector<1x16xf32>,
      %get3A_425 = vector.shape_cast %get3A_424 : vector<1x16xf32> to vector<16xf32>
      %get3A_426 = arith.index_cast %scan3A_414 : i32 to index
      %get3A_427 = arith.constant 48 : index
      %get3A_428 = tpu.vector_load %arg15[%get3A_426, %get3A_427] {strides = array<i32>} : memref<128x64xf32, #tpu.memory_space<vmem>>, vector<1x16xf32>,
      %get3A_429 = vector.shape_cast %get3A_428 : vector<1x16xf32> to vector<16xf32>
      %get3A_430 = arith.index_cast %scan3A_414 : i32 to index
      %get3A_431 = arith.constant 0 : index
      %get3A_432 = tpu.vector_load %arg16[%get3A_430, %get3A_431] {strides = array<i32>} : memref<128x64xf32, #tpu.memory_space<vmem>>, vector<1x16xf32>,
      %get3A_433 = vector.shape_cast %get3A_432 : vector<1x16xf32> to vector<16xf32>
      %mul3A_434 = arith.mulf %get3A_417, %get3A_433 : vector<16xf32>
      %get3A_435 = arith.index_cast %scan3A_414 : i32 to index
      %get3A_436 = arith.constant 16 : index
      %get3A_437 = tpu.vector_load %arg16[%get3A_435, %get3A_436] {strides = array<i32>} : memref<128x64xf32, #tpu.memory_space<vmem>>, vector<1x16xf32>,
      %get3A_438 = vector.shape_cast %get3A_437 : vector<1x16xf32> to vector<16xf32>
      %mul3A_439 = arith.mulf %get3A_421, %get3A_438 : vector<16xf32>
      %add3A_440 = arith.addf %mul3A_434, %mul3A_439 : vector<16xf32>
      %get3A_441 = arith.index_cast %scan3A_414 : i32 to index
      %get3A_442 = arith.constant 32 : index
      %get3A_443 = tpu.vector_load %arg16[%get3A_441, %get3A_442] {strides = array<i32>} : memref<128x64xf32, #tpu.memory_space<vmem>>, vector<1x16xf32>,
      %get3A_444 = vector.shape_cast %get3A_443 : vector<1x16xf32> to vector<16xf32>
      %mul3A_445 = arith.mulf %get3A_425, %get3A_444 : vector<16xf32>
      %add3A_446 = arith.addf %add3A_440, %mul3A_445 : vector<16xf32>
      %get3A_447 = arith.index_cast %scan3A_414 : i32 to index
      %get3A_448 = arith.constant 48 : index
      %get3A_449 = tpu.vector_load %arg16[%get3A_447, %get3A_448] {strides = array<i32>} : memref<128x64xf32, #tpu.memory_space<vmem>>, vector<1x16xf32>,
      %get3A_450 = vector.shape_cast %get3A_449 : vector<1x16xf32> to vector<16xf32>
      %mul3A_451 = arith.mulf %get3A_429, %get3A_450 : vector<16xf32>
      %add3A_452 = arith.addf %add3A_446, %mul3A_451 : vector<16xf32>
      %mul3A_453 = arith.constant 6 : i32
      %mul3A_454 = arith.muli %scan3A_414, %mul3A_453 : i32
      %swap3A = arith.index_cast %mul3A_454 : i32 to index
      %swap3A_455 = arith.constant 0 : index
      %swap3A_456 = tpu.vector_load %arg18[%swap3A, %swap3A_455] {strides = array<i32>} : memref<768x16xf32, #tpu.memory_space<vmem>>, vector<1x16xf32>,
      %swap3A_457 = vector.shape_cast %swap3A_456 : vector<1x16xf32> to vector<16xf32>
      %swap3A_458 = vector.shape_cast %add3A_452 : vector<16xf32> to vector<1x16xf32>
      tpu.vector_store %arg18[%swap3A, %swap3A_455], %swap3A_458 {strides = array<i32>} : memref<768x16xf32, #tpu.memory_space<vmem>>, vector<1x16xf32>,
      %mul3A_459 = arith.constant 5 : i32
      %mul3A_460 = arith.muli %scan3A_414, %mul3A_459 : i32
      %add3A_461 = arith.constant 0 : i32
      %add3A_462 = arith.addi %mul3A_460, %add3A_461 : i32
      %get3A_463 = arith.index_cast %add3A_462 : i32 to index
      %get3A_464 = arith.constant 0 : index
      %get3A_465 = tpu.vector_load %arg17[%get3A_463, %get3A_464] {strides = array<i32>} : memref<640x64xf32, #tpu.memory_space<vmem>>, vector<1x16xf32>,
      %get3A_466 = vector.shape_cast %get3A_465 : vector<1x16xf32> to vector<16xf32>
      %mul3A_467 = arith.mulf %get3A_417, %get3A_466 : vector<16xf32>
      %get3A_468 = arith.index_cast %add3A_462 : i32 to index
      %get3A_469 = arith.constant 16 : index
      %get3A_470 = tpu.vector_load %arg17[%get3A_468, %get3A_469] {strides = array<i32>} : memref<640x64xf32, #tpu.memory_space<vmem>>, vector<1x16xf32>,
      %get3A_471 = vector.shape_cast %get3A_470 : vector<1x16xf32> to vector<16xf32>
      %mul3A_472 = arith.mulf %get3A_421, %get3A_471 : vector<16xf32>
      %add3A_473 = arith.addf %mul3A_467, %mul3A_472 : vector<16xf32>
      %get3A_474 = arith.index_cast %add3A_462 : i32 to index
      %get3A_475 = arith.constant 32 : index
      %get3A_476 = tpu.vector_load %arg17[%get3A_474, %get3A_475] {strides = array<i32>} : memref<640x64xf32, #tpu.memory_space<vmem>>, vector<1x16xf32>,
      %get3A_477 = vector.shape_cast %get3A_476 : vector<1x16xf32> to vector<16xf32>
      %mul3A_478 = arith.mulf %get3A_425, %get3A_477 : vector<16xf32>
      %add3A_479 = arith.addf %add3A_473, %mul3A_478 : vector<16xf32>
      %get3A_480 = arith.index_cast %add3A_462 : i32 to index
      %get3A_481 = arith.constant 48 : index
      %get3A_482 = tpu.vector_load %arg17[%get3A_480, %get3A_481] {strides = array<i32>} : memref<640x64xf32, #tpu.memory_space<vmem>>, vector<1x16xf32>,
      %get3A_483 = vector.shape_cast %get3A_482 : vector<1x16xf32> to vector<16xf32>
      %mul3A_484 = arith.mulf %get3A_429, %get3A_483 : vector<16xf32>
      %add3A_485 = arith.addf %add3A_479, %mul3A_484 : vector<16xf32>
      %mul3A_486 = arith.constant 6 : i32
      %mul3A_487 = arith.muli %scan3A_414, %mul3A_486 : i32
      %add3A_488 = arith.constant 1 : i32
      %add3A_489 = arith.addi %mul3A_487, %add3A_488 : i32
      %add3A_490 = arith.constant 0 : i32
      %add3A_491 = arith.addi %add3A_489, %add3A_490 : i32
      %swap3A_492 = arith.index_cast %add3A_491 : i32 to index
      %swap3A_493 = arith.constant 0 : index
      %swap3A_494 = tpu.vector_load %arg18[%swap3A_492, %swap3A_493] {strides = array<i32>} : memref<768x16xf32, #tpu.memory_space<vmem>>, vector<1x16xf32>,
      %swap3A_495 = vector.shape_cast %swap3A_494 : vector<1x16xf32> to vector<16xf32>
      %swap3A_496 = vector.shape_cast %add3A_485 : vector<16xf32> to vector<1x16xf32>
      tpu.vector_store %arg18[%swap3A_492, %swap3A_493], %swap3A_496 {strides = array<i32>} : memref<768x16xf32, #tpu.memory_space<vmem>>, vector<1x16xf32>,
      %mul3A_497 = arith.constant 5 : i32
      %mul3A_498 = arith.muli %scan3A_414, %mul3A_497 : i32
      %add3A_499 = arith.constant 1 : i32
      %add3A_500 = arith.addi %mul3A_498, %add3A_499 : i32
      %get3A_501 = arith.index_cast %add3A_500 : i32 to index
      %get3A_502 = arith.constant 0 : index
      %get3A_503 = tpu.vector_load %arg17[%get3A_501, %get3A_502] {strides = array<i32>} : memref<640x64xf32, #tpu.memory_space<vmem>>, vector<1x16xf32>,
      %get3A_504 = vector.shape_cast %get3A_503 : vector<1x16xf32> to vector<16xf32>
      %mul3A_505 = arith.mulf %get3A_417, %get3A_504 : vector<16xf32>
      %get3A_506 = arith.index_cast %add3A_500 : i32 to index
      %get3A_507 = arith.constant 16 : index
      %get3A_508 = tpu.vector_load %arg17[%get3A_506, %get3A_507] {strides = array<i32>} : memref<640x64xf32, #tpu.memory_space<vmem>>, vector<1x16xf32>,
      %get3A_509 = vector.shape_cast %get3A_508 : vector<1x16xf32> to vector<16xf32>
      %mul3A_510 = arith.mulf %get3A_421, %get3A_509 : vector<16xf32>
      %add3A_511 = arith.addf %mul3A_505, %mul3A_510 : vector<16xf32>
      %get3A_512 = arith.index_cast %add3A_500 : i32 to index
      %get3A_513 = arith.constant 32 : index
      %get3A_514 = tpu.vector_load %arg17[%get3A_512, %get3A_513] {strides = array<i32>} : memref<640x64xf32, #tpu.memory_space<vmem>>, vector<1x16xf32>,
      %get3A_515 = vector.shape_cast %get3A_514 : vector<1x16xf32> to vector<16xf32>
      %mul3A_516 = arith.mulf %get3A_425, %get3A_515 : vector<16xf32>
      %add3A_517 = arith.addf %add3A_511, %mul3A_516 : vector<16xf32>
      %get3A_518 = arith.index_cast %add3A_500 : i32 to index
      %get3A_519 = arith.constant 48 : index
      %get3A_520 = tpu.vector_load %arg17[%get3A_518, %get3A_519] {strides = array<i32>} : memref<640x64xf32, #tpu.memory_space<vmem>>, vector<1x16xf32>,
      %get3A_521 = vector.shape_cast %get3A_520 : vector<1x16xf32> to vector<16xf32>
      %mul3A_522 = arith.mulf %get3A_429, %get3A_521 : vector<16xf32>
      %add3A_523 = arith.addf %add3A_517, %mul3A_522 : vector<16xf32>
      %mul3A_524 = arith.constant 6 : i32
      %mul3A_525 = arith.muli %scan3A_414, %mul3A_524 : i32
      %add3A_526 = arith.constant 1 : i32
      %add3A_527 = arith.addi %mul3A_525, %add3A_526 : i32
      %add3A_528 = arith.constant 1 : i32
      %add3A_529 = arith.addi %add3A_527, %add3A_528 : i32
      %swap3A_530 = arith.index_cast %add3A_529 : i32 to index
      %swap3A_531 = arith.constant 0 : index
      %swap3A_532 = tpu.vector_load %arg18[%swap3A_530, %swap3A_531] {strides = array<i32>} : memref<768x16xf32, #tpu.memory_space<vmem>>, vector<1x16xf32>,
      %swap3A_533 = vector.shape_cast %swap3A_532 : vector<1x16xf32> to vector<16xf32>
      %swap3A_534 = vector.shape_cast %add3A_523 : vector<16xf32> to vector<1x16xf32>
      tpu.vector_store %arg18[%swap3A_530, %swap3A_531], %swap3A_534 {strides = array<i32>} : memref<768x16xf32, #tpu.memory_space<vmem>>, vector<1x16xf32>,
      %mul3A_535 = arith.constant 5 : i32
      %mul3A_536 = arith.muli %scan3A_414, %mul3A_535 : i32
      %add3A_537 = arith.constant 2 : i32
      %add3A_538 = arith.addi %mul3A_536, %add3A_537 : i32
      %get3A_539 = arith.index_cast %add3A_538 : i32 to index
      %get3A_540 = arith.constant 0 : index
      %get3A_541 = tpu.vector_load %arg17[%get3A_539, %get3A_540] {strides = array<i32>} : memref<640x64xf32, #tpu.memory_space<vmem>>, vector<1x16xf32>,
      %get3A_542 = vector.shape_cast %get3A_541 : vector<1x16xf32> to vector<16xf32>
      %mul3A_543 = arith.mulf %get3A_417, %get3A_542 : vector<16xf32>
      %get3A_544 = arith.index_cast %add3A_538 : i32 to index
      %get3A_545 = arith.constant 16 : index
      %get3A_546 = tpu.vector_load %arg17[%get3A_544, %get3A_545] {strides = array<i32>} : memref<640x64xf32, #tpu.memory_space<vmem>>, vector<1x16xf32>,
      %get3A_547 = vector.shape_cast %get3A_546 : vector<1x16xf32> to vector<16xf32>
      %mul3A_548 = arith.mulf %get3A_421, %get3A_547 : vector<16xf32>
      %add3A_549 = arith.addf %mul3A_543, %mul3A_548 : vector<16xf32>
      %get3A_550 = arith.index_cast %add3A_538 : i32 to index
      %get3A_551 = arith.constant 32 : index
      %get3A_552 = tpu.vector_load %arg17[%get3A_550, %get3A_551] {strides = array<i32>} : memref<640x64xf32, #tpu.memory_space<vmem>>, vector<1x16xf32>,
      %get3A_553 = vector.shape_cast %get3A_552 : vector<1x16xf32> to vector<16xf32>
      %mul3A_554 = arith.mulf %get3A_425, %get3A_553 : vector<16xf32>
      %add3A_555 = arith.addf %add3A_549, %mul3A_554 : vector<16xf32>
      %get3A_556 = arith.index_cast %add3A_538 : i32 to index
      %get3A_557 = arith.constant 48 : index
      %get3A_558 = tpu.vector_load %arg17[%get3A_556, %get3A_557] {strides = array<i32>} : memref<640x64xf32, #tpu.memory_space<vmem>>, vector<1x16xf32>,
      %get3A_559 = vector.shape_cast %get3A_558 : vector<1x16xf32> to vector<16xf32>
      %mul3A_560 = arith.mulf %get3A_429, %get3A_559 : vector<16xf32>
      %add3A_561 = arith.addf %add3A_555, %mul3A_560 : vector<16xf32>
      %mul3A_562 = arith.constant 6 : i32
      %mul3A_563 = arith.muli %scan3A_414, %mul3A_562 : i32
      %add3A_564 = arith.constant 1 : i32
      %add3A_565 = arith.addi %mul3A_563, %add3A_564 : i32
      %add3A_566 = arith.constant 2 : i32
      %add3A_567 = arith.addi %add3A_565, %add3A_566 : i32
      %swap3A_568 = arith.index_cast %add3A_567 : i32 to index
      %swap3A_569 = arith.constant 0 : index
      %swap3A_570 = tpu.vector_load %arg18[%swap3A_568, %swap3A_569] {strides = array<i32>} : memref<768x16xf32, #tpu.memory_space<vmem>>, vector<1x16xf32>,
      %swap3A_571 = vector.shape_cast %swap3A_570 : vector<1x16xf32> to vector<16xf32>
      %swap3A_572 = vector.shape_cast %add3A_561 : vector<16xf32> to vector<1x16xf32>
      tpu.vector_store %arg18[%swap3A_568, %swap3A_569], %swap3A_572 {strides = array<i32>} : memref<768x16xf32, #tpu.memory_space<vmem>>, vector<1x16xf32>,
      %mul3A_573 = arith.constant 5 : i32
      %mul3A_574 = arith.muli %scan3A_414, %mul3A_573 : i32
      %add3A_575 = arith.constant 3 : i32
      %add3A_576 = arith.addi %mul3A_574, %add3A_575 : i32
      %get3A_577 = arith.index_cast %add3A_576 : i32 to index
      %get3A_578 = arith.constant 0 : index
      %get3A_579 = tpu.vector_load %arg17[%get3A_577, %get3A_578] {strides = array<i32>} : memref<640x64xf32, #tpu.memory_space<vmem>>, vector<1x16xf32>,
      %get3A_580 = vector.shape_cast %get3A_579 : vector<1x16xf32> to vector<16xf32>
      %mul3A_581 = arith.mulf %get3A_417, %get3A_580 : vector<16xf32>
      %get3A_582 = arith.index_cast %add3A_576 : i32 to index
      %get3A_583 = arith.constant 16 : index
      %get3A_584 = tpu.vector_load %arg17[%get3A_582, %get3A_583] {strides = array<i32>} : memref<640x64xf32, #tpu.memory_space<vmem>>, vector<1x16xf32>,
      %get3A_585 = vector.shape_cast %get3A_584 : vector<1x16xf32> to vector<16xf32>
      %mul3A_586 = arith.mulf %get3A_421, %get3A_585 : vector<16xf32>
      %add3A_587 = arith.addf %mul3A_581, %mul3A_586 : vector<16xf32>
      %get3A_588 = arith.index_cast %add3A_576 : i32 to index
      %get3A_589 = arith.constant 32 : index
      %get3A_590 = tpu.vector_load %arg17[%get3A_588, %get3A_589] {strides = array<i32>} : memref<640x64xf32, #tpu.memory_space<vmem>>, vector<1x16xf32>,
      %get3A_591 = vector.shape_cast %get3A_590 : vector<1x16xf32> to vector<16xf32>
      %mul3A_592 = arith.mulf %get3A_425, %get3A_591 : vector<16xf32>
      %add3A_593 = arith.addf %add3A_587, %mul3A_592 : vector<16xf32>
      %get3A_594 = arith.index_cast %add3A_576 : i32 to index
      %get3A_595 = arith.constant 48 : index
      %get3A_596 = tpu.vector_load %arg17[%get3A_594, %get3A_595] {strides = array<i32>} : memref<640x64xf32, #tpu.memory_space<vmem>>, vector<1x16xf32>,
      %get3A_597 = vector.shape_cast %get3A_596 : vector<1x16xf32> to vector<16xf32>
      %mul3A_598 = arith.mulf %get3A_429, %get3A_597 : vector<16xf32>
      %add3A_599 = arith.addf %add3A_593, %mul3A_598 : vector<16xf32>
      %mul3A_600 = arith.constant 6 : i32
      %mul3A_601 = arith.muli %scan3A_414, %mul3A_600 : i32
      %add3A_602 = arith.constant 1 : i32
      %add3A_603 = arith.addi %mul3A_601, %add3A_602 : i32
      %add3A_604 = arith.constant 3 : i32
      %add3A_605 = arith.addi %add3A_603, %add3A_604 : i32
      %swap3A_606 = arith.index_cast %add3A_605 : i32 to index
      %swap3A_607 = arith.constant 0 : index
      %swap3A_608 = tpu.vector_load %arg18[%swap3A_606, %swap3A_607] {strides = array<i32>} : memref<768x16xf32, #tpu.memory_space<vmem>>, vector<1x16xf32>,
      %swap3A_609 = vector.shape_cast %swap3A_608 : vector<1x16xf32> to vector<16xf32>
      %swap3A_610 = vector.shape_cast %add3A_599 : vector<16xf32> to vector<1x16xf32>
      tpu.vector_store %arg18[%swap3A_606, %swap3A_607], %swap3A_610 {strides = array<i32>} : memref<768x16xf32, #tpu.memory_space<vmem>>, vector<1x16xf32>,
      %mul3A_611 = arith.constant 5 : i32
      %mul3A_612 = arith.muli %scan3A_414, %mul3A_611 : i32
      %add3A_613 = arith.constant 4 : i32
      %add3A_614 = arith.addi %mul3A_612, %add3A_613 : i32
      %get3A_615 = arith.index_cast %add3A_614 : i32 to index
      %get3A_616 = arith.constant 0 : index
      %get3A_617 = tpu.vector_load %arg17[%get3A_615, %get3A_616] {strides = array<i32>} : memref<640x64xf32, #tpu.memory_space<vmem>>, vector<1x16xf32>,
      %get3A_618 = vector.shape_cast %get3A_617 : vector<1x16xf32> to vector<16xf32>
      %mul3A_619 = arith.mulf %get3A_417, %get3A_618 : vector<16xf32>
      %get3A_620 = arith.index_cast %add3A_614 : i32 to index
      %get3A_621 = arith.constant 16 : index
      %get3A_622 = tpu.vector_load %arg17[%get3A_620, %get3A_621] {strides = array<i32>} : memref<640x64xf32, #tpu.memory_space<vmem>>, vector<1x16xf32>,
      %get3A_623 = vector.shape_cast %get3A_622 : vector<1x16xf32> to vector<16xf32>
      %mul3A_624 = arith.mulf %get3A_421, %get3A_623 : vector<16xf32>
      %add3A_625 = arith.addf %mul3A_619, %mul3A_624 : vector<16xf32>
      %get3A_626 = arith.index_cast %add3A_614 : i32 to index
      %get3A_627 = arith.constant 32 : index
      %get3A_628 = tpu.vector_load %arg17[%get3A_626, %get3A_627] {strides = array<i32>} : memref<640x64xf32, #tpu.memory_space<vmem>>, vector<1x16xf32>,
      %get3A_629 = vector.shape_cast %get3A_628 : vector<1x16xf32> to vector<16xf32>
      %mul3A_630 = arith.mulf %get3A_425, %get3A_629 : vector<16xf32>
      %add3A_631 = arith.addf %add3A_625, %mul3A_630 : vector<16xf32>
      %get3A_632 = arith.index_cast %add3A_614 : i32 to index
      %get3A_633 = arith.constant 48 : index
      %get3A_634 = tpu.vector_load %arg17[%get3A_632, %get3A_633] {strides = array<i32>} : memref<640x64xf32, #tpu.memory_space<vmem>>, vector<1x16xf32>,
      %get3A_635 = vector.shape_cast %get3A_634 : vector<1x16xf32> to vector<16xf32>
      %mul3A_636 = arith.mulf %get3A_429, %get3A_635 : vector<16xf32>
      %add3A_637 = arith.addf %add3A_631, %mul3A_636 : vector<16xf32>
      %mul3A_638 = arith.constant 6 : i32
      %mul3A_639 = arith.muli %scan3A_414, %mul3A_638 : i32
      %add3A_640 = arith.constant 1 : i32
      %add3A_641 = arith.addi %mul3A_639, %add3A_640 : i32
      %add3A_642 = arith.constant 4 : i32
      %add3A_643 = arith.addi %add3A_641, %add3A_642 : i32
      %swap3A_644 = arith.index_cast %add3A_643 : i32 to index
      %swap3A_645 = arith.constant 0 : index
      %swap3A_646 = tpu.vector_load %arg18[%swap3A_644, %swap3A_645] {strides = array<i32>} : memref<768x16xf32, #tpu.memory_space<vmem>>, vector<1x16xf32>,
      %swap3A_647 = vector.shape_cast %swap3A_646 : vector<1x16xf32> to vector<16xf32>
      %swap3A_648 = vector.shape_cast %add3A_637 : vector<16xf32> to vector<1x16xf32>
      tpu.vector_store %arg18[%swap3A_644, %swap3A_645], %swap3A_648 {strides = array<i32>} : memref<768x16xf32, #tpu.memory_space<vmem>>, vector<1x16xf32>,
    }
    %scan3A_203 = arith.constant 128 : i32
    %mul3A_204 = arith.constant 6 : i32
    %mul3A_205 = arith.muli %add3A_105, %mul3A_204 : i32
    "tpu.region"() ({
      %run_scoped3A = tpu.sem_alloc : memref<!tpu.dma_semaphore, #tpu.memory_space<semaphore_mem>>
      %dma_start3A_414 = arith.constant 0 : i32
      %dma_start3A_415 = tpu.memref_slice %arg7[%mul3A_205, %dma_start3A_414] : memref<98304x16xf32, #tpu.memory_space<hbm>> -> memref<768x16xf32, #tpu.memory_space<hbm>>
      %dma_start3A_416 = arith.constant 0 : i32
      %dma_start3A_417 = tpu.memref_slice %arg7[%mul3A_205, %dma_start3A_416] : memref<98304x16xf32, #tpu.memory_space<hbm>> -> memref<768x16xf32, #tpu.memory_space<hbm>>
      tpu.enqueue_dma source(%arg18 : memref<768x16xf32, #tpu.memory_space<vmem>>) target(%dma_start3A_417 : memref<768x16xf32, #tpu.memory_space<hbm>>) target_semaphore(%run_scoped3A : memref<!tpu.dma_semaphore, #tpu.memory_space<semaphore_mem>>)
      %dma_wait3A_418 = arith.constant 0 : i32
      %dma_wait3A_419 = tpu.memref_slice %arg7[%mul3A_205, %dma_wait3A_418] : memref<98304x16xf32, #tpu.memory_space<hbm>> -> memref<768x16xf32, #tpu.memory_space<hbm>>
      %dma_wait3A_420 = arith.constant 0 : i32
      %dma_wait3A_421 = tpu.memref_slice %arg7[%mul3A_205, %dma_wait3A_420] : memref<98304x16xf32, #tpu.memory_space<hbm>> -> memref<768x16xf32, #tpu.memory_space<hbm>>
      tpu.wait_dma2 semaphore(%run_scoped3A : memref<!tpu.dma_semaphore, #tpu.memory_space<semaphore_mem>>) src(%arg18 : memref<768x16xf32, #tpu.memory_space<vmem>>) dst(%dma_wait3A_421 : memref<768x16xf32, #tpu.memory_space<hbm>>)
      tpu.yield
    }) : () -> ()
    %mul3A_206 = arith.constant 512 : i32
    %mul3A_207 = arith.muli %add3A, %mul3A_206 : i32
    %add3A_208 = arith.constant 256 : i32
    %add3A_209 = arith.addi %mul3A_207, %add3A_208 : i32
    "tpu.region"() ({
      %run_scoped3A = tpu.sem_alloc : memref<!tpu.dma_semaphore, #tpu.memory_space<semaphore_mem>>
      %dma_start3A_414 = tpu.memref_slice %arg2[%add3A_209] : memref<16384xi32, #tpu.memory_space<hbm>> -> memref<128xi32, #tpu.memory_space<hbm>>
      %dma_start3A_415 = tpu.memref_slice %arg2[%add3A_209] : memref<16384xi32, #tpu.memory_space<hbm>> -> memref<128xi32, #tpu.memory_space<hbm>>
      tpu.enqueue_dma source(%dma_start3A_415 : memref<128xi32, #tpu.memory_space<hbm>>) target(%arg8 : memref<128xi32, #tpu.memory_space<vmem>>) target_semaphore(%run_scoped3A : memref<!tpu.dma_semaphore, #tpu.memory_space<semaphore_mem>>)
      %dma_wait3A_416 = tpu.memref_slice %arg2[%add3A_209] : memref<16384xi32, #tpu.memory_space<hbm>> -> memref<128xi32, #tpu.memory_space<hbm>>
      %dma_wait3A_417 = tpu.memref_slice %arg2[%add3A_209] : memref<16384xi32, #tpu.memory_space<hbm>> -> memref<128xi32, #tpu.memory_space<hbm>>
      tpu.wait_dma2 semaphore(%run_scoped3A : memref<!tpu.dma_semaphore, #tpu.memory_space<semaphore_mem>>) src(%dma_wait3A_417 : memref<128xi32, #tpu.memory_space<hbm>>) dst(%arg8 : memref<128xi32, #tpu.memory_space<vmem>>)
      tpu.yield
    }) : () -> ()
    "tpu.region"() ({
      %run_scoped3A = tpu.sem_alloc : memref<!tpu.dma_semaphore, #tpu.memory_space<semaphore_mem>>
      %dma_start3A_414 = tpu.memref_slice %arg3[%add3A_209] : memref<16384xi32, #tpu.memory_space<hbm>> -> memref<128xi32, #tpu.memory_space<hbm>>
      %dma_start3A_415 = tpu.memref_slice %arg3[%add3A_209] : memref<16384xi32, #tpu.memory_space<hbm>> -> memref<128xi32, #tpu.memory_space<hbm>>
      tpu.enqueue_dma source(%dma_start3A_415 : memref<128xi32, #tpu.memory_space<hbm>>) target(%arg9 : memref<128xi32, #tpu.memory_space<vmem>>) target_semaphore(%run_scoped3A : memref<!tpu.dma_semaphore, #tpu.memory_space<semaphore_mem>>)
      %dma_wait3A_416 = tpu.memref_slice %arg3[%add3A_209] : memref<16384xi32, #tpu.memory_space<hbm>> -> memref<128xi32, #tpu.memory_space<hbm>>
      %dma_wait3A_417 = tpu.memref_slice %arg3[%add3A_209] : memref<16384xi32, #tpu.memory_space<hbm>> -> memref<128xi32, #tpu.memory_space<hbm>>
      tpu.wait_dma2 semaphore(%run_scoped3A : memref<!tpu.dma_semaphore, #tpu.memory_space<semaphore_mem>>) src(%dma_wait3A_417 : memref<128xi32, #tpu.memory_space<hbm>>) dst(%arg9 : memref<128xi32, #tpu.memory_space<vmem>>)
      tpu.yield
    }) : () -> ()
    %mul3A_210 = arith.constant 5 : i32
    %mul3A_211 = arith.muli %add3A_209, %mul3A_210 : i32
    %add3A_212 = arith.constant 0 : i32
    %add3A_213 = arith.addi %mul3A_211, %add3A_212 : i32
    "tpu.region"() ({
      %run_scoped3A = tpu.sem_alloc : memref<!tpu.dma_semaphore, #tpu.memory_space<semaphore_mem>>
      %dma_start3A_414 = tpu.memref_slice %arg4[%add3A_213] : memref<81920xi32, #tpu.memory_space<hbm>> -> memref<128xi32, #tpu.memory_space<hbm>>
      %dma_start3A_415 = tpu.memref_slice %arg4[%add3A_213] : memref<81920xi32, #tpu.memory_space<hbm>> -> memref<128xi32, #tpu.memory_space<hbm>>
      tpu.enqueue_dma source(%dma_start3A_415 : memref<128xi32, #tpu.memory_space<hbm>>) target(%arg10 : memref<128xi32, #tpu.memory_space<vmem>>) target_semaphore(%run_scoped3A : memref<!tpu.dma_semaphore, #tpu.memory_space<semaphore_mem>>)
      %dma_wait3A_416 = tpu.memref_slice %arg4[%add3A_213] : memref<81920xi32, #tpu.memory_space<hbm>> -> memref<128xi32, #tpu.memory_space<hbm>>
      %dma_wait3A_417 = tpu.memref_slice %arg4[%add3A_213] : memref<81920xi32, #tpu.memory_space<hbm>> -> memref<128xi32, #tpu.memory_space<hbm>>
      tpu.wait_dma2 semaphore(%run_scoped3A : memref<!tpu.dma_semaphore, #tpu.memory_space<semaphore_mem>>) src(%dma_wait3A_417 : memref<128xi32, #tpu.memory_space<hbm>>) dst(%arg10 : memref<128xi32, #tpu.memory_space<vmem>>)
      tpu.yield
    }) : () -> ()
    %mul3A_214 = arith.constant 5 : i32
    %mul3A_215 = arith.muli %add3A_209, %mul3A_214 : i32
    %add3A_216 = arith.constant 128 : i32
    %add3A_217 = arith.addi %mul3A_215, %add3A_216 : i32
    "tpu.region"() ({
      %run_scoped3A = tpu.sem_alloc : memref<!tpu.dma_semaphore, #tpu.memory_space<semaphore_mem>>
      %dma_start3A_414 = tpu.memref_slice %arg4[%add3A_217] : memref<81920xi32, #tpu.memory_space<hbm>> -> memref<128xi32, #tpu.memory_space<hbm>>
      %dma_start3A_415 = tpu.memref_slice %arg4[%add3A_217] : memref<81920xi32, #tpu.memory_space<hbm>> -> memref<128xi32, #tpu.memory_space<hbm>>
      tpu.enqueue_dma source(%dma_start3A_415 : memref<128xi32, #tpu.memory_space<hbm>>) target(%arg11 : memref<128xi32, #tpu.memory_space<vmem>>) target_semaphore(%run_scoped3A : memref<!tpu.dma_semaphore, #tpu.memory_space<semaphore_mem>>)
      %dma_wait3A_416 = tpu.memref_slice %arg4[%add3A_217] : memref<81920xi32, #tpu.memory_space<hbm>> -> memref<128xi32, #tpu.memory_space<hbm>>
      %dma_wait3A_417 = tpu.memref_slice %arg4[%add3A_217] : memref<81920xi32, #tpu.memory_space<hbm>> -> memref<128xi32, #tpu.memory_space<hbm>>
      tpu.wait_dma2 semaphore(%run_scoped3A : memref<!tpu.dma_semaphore, #tpu.memory_space<semaphore_mem>>) src(%dma_wait3A_417 : memref<128xi32, #tpu.memory_space<hbm>>) dst(%arg11 : memref<128xi32, #tpu.memory_space<vmem>>)
      tpu.yield
    }) : () -> ()
    %mul3A_218 = arith.constant 5 : i32
    %mul3A_219 = arith.muli %add3A_209, %mul3A_218 : i32
    %add3A_220 = arith.constant 256 : i32
    %add3A_221 = arith.addi %mul3A_219, %add3A_220 : i32
    "tpu.region"() ({
      %run_scoped3A = tpu.sem_alloc : memref<!tpu.dma_semaphore, #tpu.memory_space<semaphore_mem>>
      %dma_start3A_414 = tpu.memref_slice %arg4[%add3A_221] : memref<81920xi32, #tpu.memory_space<hbm>> -> memref<128xi32, #tpu.memory_space<hbm>>
      %dma_start3A_415 = tpu.memref_slice %arg4[%add3A_221] : memref<81920xi32, #tpu.memory_space<hbm>> -> memref<128xi32, #tpu.memory_space<hbm>>
      tpu.enqueue_dma source(%dma_start3A_415 : memref<128xi32, #tpu.memory_space<hbm>>) target(%arg12 : memref<128xi32, #tpu.memory_space<vmem>>) target_semaphore(%run_scoped3A : memref<!tpu.dma_semaphore, #tpu.memory_space<semaphore_mem>>)
      %dma_wait3A_416 = tpu.memref_slice %arg4[%add3A_221] : memref<81920xi32, #tpu.memory_space<hbm>> -> memref<128xi32, #tpu.memory_space<hbm>>
      %dma_wait3A_417 = tpu.memref_slice %arg4[%add3A_221] : memref<81920xi32, #tpu.memory_space<hbm>> -> memref<128xi32, #tpu.memory_space<hbm>>
      tpu.wait_dma2 semaphore(%run_scoped3A : memref<!tpu.dma_semaphore, #tpu.memory_space<semaphore_mem>>) src(%dma_wait3A_417 : memref<128xi32, #tpu.memory_space<hbm>>) dst(%arg12 : memref<128xi32, #tpu.memory_space<vmem>>)
      tpu.yield
    }) : () -> ()
    %mul3A_222 = arith.constant 5 : i32
    %mul3A_223 = arith.muli %add3A_209, %mul3A_222 : i32
    %add3A_224 = arith.constant 384 : i32
    %add3A_225 = arith.addi %mul3A_223, %add3A_224 : i32
    "tpu.region"() ({
      %run_scoped3A = tpu.sem_alloc : memref<!tpu.dma_semaphore, #tpu.memory_space<semaphore_mem>>
      %dma_start3A_414 = tpu.memref_slice %arg4[%add3A_225] : memref<81920xi32, #tpu.memory_space<hbm>> -> memref<128xi32, #tpu.memory_space<hbm>>
      %dma_start3A_415 = tpu.memref_slice %arg4[%add3A_225] : memref<81920xi32, #tpu.memory_space<hbm>> -> memref<128xi32, #tpu.memory_space<hbm>>
      tpu.enqueue_dma source(%dma_start3A_415 : memref<128xi32, #tpu.memory_space<hbm>>) target(%arg13 : memref<128xi32, #tpu.memory_space<vmem>>) target_semaphore(%run_scoped3A : memref<!tpu.dma_semaphore, #tpu.memory_space<semaphore_mem>>)
      %dma_wait3A_416 = tpu.memref_slice %arg4[%add3A_225] : memref<81920xi32, #tpu.memory_space<hbm>> -> memref<128xi32, #tpu.memory_space<hbm>>
      %dma_wait3A_417 = tpu.memref_slice %arg4[%add3A_225] : memref<81920xi32, #tpu.memory_space<hbm>> -> memref<128xi32, #tpu.memory_space<hbm>>
      tpu.wait_dma2 semaphore(%run_scoped3A : memref<!tpu.dma_semaphore, #tpu.memory_space<semaphore_mem>>) src(%dma_wait3A_417 : memref<128xi32, #tpu.memory_space<hbm>>) dst(%arg13 : memref<128xi32, #tpu.memory_space<vmem>>)
      tpu.yield
    }) : () -> ()
    %mul3A_226 = arith.constant 5 : i32
    %mul3A_227 = arith.muli %add3A_209, %mul3A_226 : i32
    %add3A_228 = arith.constant 512 : i32
    %add3A_229 = arith.addi %mul3A_227, %add3A_228 : i32
    "tpu.region"() ({
      %run_scoped3A = tpu.sem_alloc : memref<!tpu.dma_semaphore, #tpu.memory_space<semaphore_mem>>
      %dma_start3A_414 = tpu.memref_slice %arg4[%add3A_229] : memref<81920xi32, #tpu.memory_space<hbm>> -> memref<128xi32, #tpu.memory_space<hbm>>
      %dma_start3A_415 = tpu.memref_slice %arg4[%add3A_229] : memref<81920xi32, #tpu.memory_space<hbm>> -> memref<128xi32, #tpu.memory_space<hbm>>
      tpu.enqueue_dma source(%dma_start3A_415 : memref<128xi32, #tpu.memory_space<hbm>>) target(%arg14 : memref<128xi32, #tpu.memory_space<vmem>>) target_semaphore(%run_scoped3A : memref<!tpu.dma_semaphore, #tpu.memory_space<semaphore_mem>>)
      %dma_wait3A_416 = tpu.memref_slice %arg4[%add3A_229] : memref<81920xi32, #tpu.memory_space<hbm>> -> memref<128xi32, #tpu.memory_space<hbm>>
      %dma_wait3A_417 = tpu.memref_slice %arg4[%add3A_229] : memref<81920xi32, #tpu.memory_space<hbm>> -> memref<128xi32, #tpu.memory_space<hbm>>
      tpu.wait_dma2 semaphore(%run_scoped3A : memref<!tpu.dma_semaphore, #tpu.memory_space<semaphore_mem>>) src(%dma_wait3A_417 : memref<128xi32, #tpu.memory_space<hbm>>) dst(%arg14 : memref<128xi32, #tpu.memory_space<vmem>>)
      tpu.yield
    }) : () -> ()
    %dma_start3A_230 = arith.constant 0 : i32
    %dma_start3A_231 = arith.constant 0 : i32
    %dma_start3A_232 = tpu.memref_slice %arg5[%dma_start3A_230, %dma_start3A_231] : memref<1000000x64xf32, #tpu.memory_space<hbm>> -> memref<1000000x64xf32, #tpu.memory_space<hbm>>
    tpu.enqueue_indirect_dma source(%dma_start3A_232 : memref<1000000x64xf32, #tpu.memory_space<hbm>>) target(%arg15 : memref<128x64xf32, #tpu.memory_space<vmem>>) offsets(%arg8 : memref<128xi32, #tpu.memory_space<vmem>>) semaphore(%arg19 : memref<!tpu.dma_semaphore, #tpu.memory_space<semaphore_mem>>)
    %dma_start3A_233 = arith.constant 0 : i32
    %dma_start3A_234 = arith.constant 0 : i32
    %dma_start3A_235 = tpu.memref_slice %arg6[%dma_start3A_233, %dma_start3A_234] : memref<1000000x64xf32, #tpu.memory_space<hbm>> -> memref<1000000x64xf32, #tpu.memory_space<hbm>>
    tpu.enqueue_indirect_dma source(%dma_start3A_235 : memref<1000000x64xf32, #tpu.memory_space<hbm>>) target(%arg16 : memref<128x64xf32, #tpu.memory_space<vmem>>) offsets(%arg9 : memref<128xi32, #tpu.memory_space<vmem>>) semaphore(%arg19 : memref<!tpu.dma_semaphore, #tpu.memory_space<semaphore_mem>>)
    %dma_start3A_236 = arith.constant 0 : i32
    %dma_start3A_237 = arith.constant 0 : i32
    %dma_start3A_238 = tpu.memref_slice %arg17[%dma_start3A_236, %dma_start3A_237] : memref<640x64xf32, #tpu.memory_space<vmem>> -> memref<128x64xf32, #tpu.memory_space<vmem>>
    %dma_start3A_239 = arith.constant 0 : i32
    %dma_start3A_240 = arith.constant 0 : i32
    %dma_start3A_241 = tpu.memref_slice %arg6[%dma_start3A_239, %dma_start3A_240] : memref<1000000x64xf32, #tpu.memory_space<hbm>> -> memref<1000000x64xf32, #tpu.memory_space<hbm>>
    tpu.enqueue_indirect_dma source(%dma_start3A_241 : memref<1000000x64xf32, #tpu.memory_space<hbm>>) target(%dma_start3A_238 : memref<128x64xf32, #tpu.memory_space<vmem>>) offsets(%arg10 : memref<128xi32, #tpu.memory_space<vmem>>) semaphore(%arg19 : memref<!tpu.dma_semaphore, #tpu.memory_space<semaphore_mem>>)
    %dma_start3A_242 = arith.constant 128 : i32
    %dma_start3A_243 = arith.constant 0 : i32
    %dma_start3A_244 = tpu.memref_slice %arg17[%dma_start3A_242, %dma_start3A_243] : memref<640x64xf32, #tpu.memory_space<vmem>> -> memref<128x64xf32, #tpu.memory_space<vmem>>
    %dma_start3A_245 = arith.constant 0 : i32
    %dma_start3A_246 = arith.constant 0 : i32
    %dma_start3A_247 = tpu.memref_slice %arg6[%dma_start3A_245, %dma_start3A_246] : memref<1000000x64xf32, #tpu.memory_space<hbm>> -> memref<1000000x64xf32, #tpu.memory_space<hbm>>
    tpu.enqueue_indirect_dma source(%dma_start3A_247 : memref<1000000x64xf32, #tpu.memory_space<hbm>>) target(%dma_start3A_244 : memref<128x64xf32, #tpu.memory_space<vmem>>) offsets(%arg11 : memref<128xi32, #tpu.memory_space<vmem>>) semaphore(%arg19 : memref<!tpu.dma_semaphore, #tpu.memory_space<semaphore_mem>>)
    %dma_start3A_248 = arith.constant 256 : i32
    %dma_start3A_249 = arith.constant 0 : i32
    %dma_start3A_250 = tpu.memref_slice %arg17[%dma_start3A_248, %dma_start3A_249] : memref<640x64xf32, #tpu.memory_space<vmem>> -> memref<128x64xf32, #tpu.memory_space<vmem>>
    %dma_start3A_251 = arith.constant 0 : i32
    %dma_start3A_252 = arith.constant 0 : i32
    %dma_start3A_253 = tpu.memref_slice %arg6[%dma_start3A_251, %dma_start3A_252] : memref<1000000x64xf32, #tpu.memory_space<hbm>> -> memref<1000000x64xf32, #tpu.memory_space<hbm>>
    tpu.enqueue_indirect_dma source(%dma_start3A_253 : memref<1000000x64xf32, #tpu.memory_space<hbm>>) target(%dma_start3A_250 : memref<128x64xf32, #tpu.memory_space<vmem>>) offsets(%arg12 : memref<128xi32, #tpu.memory_space<vmem>>) semaphore(%arg19 : memref<!tpu.dma_semaphore, #tpu.memory_space<semaphore_mem>>)
    %dma_start3A_254 = arith.constant 384 : i32
    %dma_start3A_255 = arith.constant 0 : i32
    %dma_start3A_256 = tpu.memref_slice %arg17[%dma_start3A_254, %dma_start3A_255] : memref<640x64xf32, #tpu.memory_space<vmem>> -> memref<128x64xf32, #tpu.memory_space<vmem>>
    %dma_start3A_257 = arith.constant 0 : i32
    %dma_start3A_258 = arith.constant 0 : i32
    %dma_start3A_259 = tpu.memref_slice %arg6[%dma_start3A_257, %dma_start3A_258] : memref<1000000x64xf32, #tpu.memory_space<hbm>> -> memref<1000000x64xf32, #tpu.memory_space<hbm>>
    tpu.enqueue_indirect_dma source(%dma_start3A_259 : memref<1000000x64xf32, #tpu.memory_space<hbm>>) target(%dma_start3A_256 : memref<128x64xf32, #tpu.memory_space<vmem>>) offsets(%arg13 : memref<128xi32, #tpu.memory_space<vmem>>) semaphore(%arg19 : memref<!tpu.dma_semaphore, #tpu.memory_space<semaphore_mem>>)
    %dma_start3A_260 = arith.constant 512 : i32
    %dma_start3A_261 = arith.constant 0 : i32
    %dma_start3A_262 = tpu.memref_slice %arg17[%dma_start3A_260, %dma_start3A_261] : memref<640x64xf32, #tpu.memory_space<vmem>> -> memref<128x64xf32, #tpu.memory_space<vmem>>
    %dma_start3A_263 = arith.constant 0 : i32
    %dma_start3A_264 = arith.constant 0 : i32
    %dma_start3A_265 = tpu.memref_slice %arg6[%dma_start3A_263, %dma_start3A_264] : memref<1000000x64xf32, #tpu.memory_space<hbm>> -> memref<1000000x64xf32, #tpu.memory_space<hbm>>
    tpu.enqueue_indirect_dma source(%dma_start3A_265 : memref<1000000x64xf32, #tpu.memory_space<hbm>>) target(%dma_start3A_262 : memref<128x64xf32, #tpu.memory_space<vmem>>) offsets(%arg14 : memref<128xi32, #tpu.memory_space<vmem>>) semaphore(%arg19 : memref<!tpu.dma_semaphore, #tpu.memory_space<semaphore_mem>>)
    %dma_wait3A_266 = arith.constant 0 : i32
    %dma_wait3A_267 = arith.constant 0 : i32
    %dma_wait3A_268 = tpu.memref_slice %arg5[%dma_wait3A_266, %dma_wait3A_267] : memref<1000000x64xf32, #tpu.memory_space<hbm>> -> memref<1000000x64xf32, #tpu.memory_space<hbm>>
    tpu.wait_indirect_dma semaphore(%arg19 : memref<!tpu.dma_semaphore, #tpu.memory_space<semaphore_mem>>) src(%dma_wait3A_268 : memref<1000000x64xf32, #tpu.memory_space<hbm>>) dst(%arg15 : memref<128x64xf32, #tpu.memory_space<vmem>>)
    %dma_wait3A_269 = arith.constant 0 : i32
    %dma_wait3A_270 = arith.constant 0 : i32
    %dma_wait3A_271 = tpu.memref_slice %arg6[%dma_wait3A_269, %dma_wait3A_270] : memref<1000000x64xf32, #tpu.memory_space<hbm>> -> memref<1000000x64xf32, #tpu.memory_space<hbm>>
    tpu.wait_indirect_dma semaphore(%arg19 : memref<!tpu.dma_semaphore, #tpu.memory_space<semaphore_mem>>) src(%dma_wait3A_271 : memref<1000000x64xf32, #tpu.memory_space<hbm>>) dst(%arg16 : memref<128x64xf32, #tpu.memory_space<vmem>>)
    %dma_wait3A_272 = arith.constant 0 : i32
    %dma_wait3A_273 = arith.constant 0 : i32
    %dma_wait3A_274 = tpu.memref_slice %arg17[%dma_wait3A_272, %dma_wait3A_273] : memref<640x64xf32, #tpu.memory_space<vmem>> -> memref<128x64xf32, #tpu.memory_space<vmem>>
    %dma_wait3A_275 = arith.constant 0 : i32
    %dma_wait3A_276 = arith.constant 0 : i32
    %dma_wait3A_277 = tpu.memref_slice %arg6[%dma_wait3A_275, %dma_wait3A_276] : memref<1000000x64xf32, #tpu.memory_space<hbm>> -> memref<1000000x64xf32, #tpu.memory_space<hbm>>
    tpu.wait_indirect_dma semaphore(%arg19 : memref<!tpu.dma_semaphore, #tpu.memory_space<semaphore_mem>>) src(%dma_wait3A_277 : memref<1000000x64xf32, #tpu.memory_space<hbm>>) dst(%dma_wait3A_274 : memref<128x64xf32, #tpu.memory_space<vmem>>)
    %dma_wait3A_278 = arith.constant 128 : i32
    %dma_wait3A_279 = arith.constant 0 : i32
    %dma_wait3A_280 = tpu.memref_slice %arg17[%dma_wait3A_278, %dma_wait3A_279] : memref<640x64xf32, #tpu.memory_space<vmem>> -> memref<128x64xf32, #tpu.memory_space<vmem>>
    %dma_wait3A_281 = arith.constant 0 : i32
    %dma_wait3A_282 = arith.constant 0 : i32
    %dma_wait3A_283 = tpu.memref_slice %arg6[%dma_wait3A_281, %dma_wait3A_282] : memref<1000000x64xf32, #tpu.memory_space<hbm>> -> memref<1000000x64xf32, #tpu.memory_space<hbm>>
    tpu.wait_indirect_dma semaphore(%arg19 : memref<!tpu.dma_semaphore, #tpu.memory_space<semaphore_mem>>) src(%dma_wait3A_283 : memref<1000000x64xf32, #tpu.memory_space<hbm>>) dst(%dma_wait3A_280 : memref<128x64xf32, #tpu.memory_space<vmem>>)
    %dma_wait3A_284 = arith.constant 256 : i32
    %dma_wait3A_285 = arith.constant 0 : i32
    %dma_wait3A_286 = tpu.memref_slice %arg17[%dma_wait3A_284, %dma_wait3A_285] : memref<640x64xf32, #tpu.memory_space<vmem>> -> memref<128x64xf32, #tpu.memory_space<vmem>>
    %dma_wait3A_287 = arith.constant 0 : i32
    %dma_wait3A_288 = arith.constant 0 : i32
    %dma_wait3A_289 = tpu.memref_slice %arg6[%dma_wait3A_287, %dma_wait3A_288] : memref<1000000x64xf32, #tpu.memory_space<hbm>> -> memref<1000000x64xf32, #tpu.memory_space<hbm>>
    tpu.wait_indirect_dma semaphore(%arg19 : memref<!tpu.dma_semaphore, #tpu.memory_space<semaphore_mem>>) src(%dma_wait3A_289 : memref<1000000x64xf32, #tpu.memory_space<hbm>>) dst(%dma_wait3A_286 : memref<128x64xf32, #tpu.memory_space<vmem>>)
    %dma_wait3A_290 = arith.constant 384 : i32
    %dma_wait3A_291 = arith.constant 0 : i32
    %dma_wait3A_292 = tpu.memref_slice %arg17[%dma_wait3A_290, %dma_wait3A_291] : memref<640x64xf32, #tpu.memory_space<vmem>> -> memref<128x64xf32, #tpu.memory_space<vmem>>
    %dma_wait3A_293 = arith.constant 0 : i32
    %dma_wait3A_294 = arith.constant 0 : i32
    %dma_wait3A_295 = tpu.memref_slice %arg6[%dma_wait3A_293, %dma_wait3A_294] : memref<1000000x64xf32, #tpu.memory_space<hbm>> -> memref<1000000x64xf32, #tpu.memory_space<hbm>>
    tpu.wait_indirect_dma semaphore(%arg19 : memref<!tpu.dma_semaphore, #tpu.memory_space<semaphore_mem>>) src(%dma_wait3A_295 : memref<1000000x64xf32, #tpu.memory_space<hbm>>) dst(%dma_wait3A_292 : memref<128x64xf32, #tpu.memory_space<vmem>>)
    %dma_wait3A_296 = arith.constant 512 : i32
    %dma_wait3A_297 = arith.constant 0 : i32
    %dma_wait3A_298 = tpu.memref_slice %arg17[%dma_wait3A_296, %dma_wait3A_297] : memref<640x64xf32, #tpu.memory_space<vmem>> -> memref<128x64xf32, #tpu.memory_space<vmem>>
    %dma_wait3A_299 = arith.constant 0 : i32
    %dma_wait3A_300 = arith.constant 0 : i32
    %dma_wait3A_301 = tpu.memref_slice %arg6[%dma_wait3A_299, %dma_wait3A_300] : memref<1000000x64xf32, #tpu.memory_space<hbm>> -> memref<1000000x64xf32, #tpu.memory_space<hbm>>
    tpu.wait_indirect_dma semaphore(%arg19 : memref<!tpu.dma_semaphore, #tpu.memory_space<semaphore_mem>>) src(%dma_wait3A_301 : memref<1000000x64xf32, #tpu.memory_space<hbm>>) dst(%dma_wait3A_298 : memref<128x64xf32, #tpu.memory_space<vmem>>)
    %scan3A_302 = arith.constant 0 : i32
    %scan3A_303 = arith.constant 0 : i32
    %scan3A_304 = arith.constant 128 : i32
    %scan3A_305 = arith.addi %scan3A_303, %scan3A_304 : i32
    %scan3A_306 = arith.constant 1 : i32
    scf.for %scan3A_414 = %scan3A_303 to %scan3A_305 step %scan3A_306  : i32 {
      %get3A = arith.index_cast %scan3A_414 : i32 to index
      %get3A_415 = arith.constant 0 : index
      %get3A_416 = tpu.vector_load %arg15[%get3A, %get3A_415] {strides = array<i32>} : memref<128x64xf32, #tpu.memory_space<vmem>>, vector<1x16xf32>,
      %get3A_417 = vector.shape_cast %get3A_416 : vector<1x16xf32> to vector<16xf32>
      %get3A_418 = arith.index_cast %scan3A_414 : i32 to index
      %get3A_419 = arith.constant 16 : index
      %get3A_420 = tpu.vector_load %arg15[%get3A_418, %get3A_419] {strides = array<i32>} : memref<128x64xf32, #tpu.memory_space<vmem>>, vector<1x16xf32>,
      %get3A_421 = vector.shape_cast %get3A_420 : vector<1x16xf32> to vector<16xf32>
      %get3A_422 = arith.index_cast %scan3A_414 : i32 to index
      %get3A_423 = arith.constant 32 : index
      %get3A_424 = tpu.vector_load %arg15[%get3A_422, %get3A_423] {strides = array<i32>} : memref<128x64xf32, #tpu.memory_space<vmem>>, vector<1x16xf32>,
      %get3A_425 = vector.shape_cast %get3A_424 : vector<1x16xf32> to vector<16xf32>
      %get3A_426 = arith.index_cast %scan3A_414 : i32 to index
      %get3A_427 = arith.constant 48 : index
      %get3A_428 = tpu.vector_load %arg15[%get3A_426, %get3A_427] {strides = array<i32>} : memref<128x64xf32, #tpu.memory_space<vmem>>, vector<1x16xf32>,
      %get3A_429 = vector.shape_cast %get3A_428 : vector<1x16xf32> to vector<16xf32>
      %get3A_430 = arith.index_cast %scan3A_414 : i32 to index
      %get3A_431 = arith.constant 0 : index
      %get3A_432 = tpu.vector_load %arg16[%get3A_430, %get3A_431] {strides = array<i32>} : memref<128x64xf32, #tpu.memory_space<vmem>>, vector<1x16xf32>,
      %get3A_433 = vector.shape_cast %get3A_432 : vector<1x16xf32> to vector<16xf32>
      %mul3A_434 = arith.mulf %get3A_417, %get3A_433 : vector<16xf32>
      %get3A_435 = arith.index_cast %scan3A_414 : i32 to index
      %get3A_436 = arith.constant 16 : index
      %get3A_437 = tpu.vector_load %arg16[%get3A_435, %get3A_436] {strides = array<i32>} : memref<128x64xf32, #tpu.memory_space<vmem>>, vector<1x16xf32>,
      %get3A_438 = vector.shape_cast %get3A_437 : vector<1x16xf32> to vector<16xf32>
      %mul3A_439 = arith.mulf %get3A_421, %get3A_438 : vector<16xf32>
      %add3A_440 = arith.addf %mul3A_434, %mul3A_439 : vector<16xf32>
      %get3A_441 = arith.index_cast %scan3A_414 : i32 to index
      %get3A_442 = arith.constant 32 : index
      %get3A_443 = tpu.vector_load %arg16[%get3A_441, %get3A_442] {strides = array<i32>} : memref<128x64xf32, #tpu.memory_space<vmem>>, vector<1x16xf32>,
      %get3A_444 = vector.shape_cast %get3A_443 : vector<1x16xf32> to vector<16xf32>
      %mul3A_445 = arith.mulf %get3A_425, %get3A_444 : vector<16xf32>
      %add3A_446 = arith.addf %add3A_440, %mul3A_445 : vector<16xf32>
      %get3A_447 = arith.index_cast %scan3A_414 : i32 to index
      %get3A_448 = arith.constant 48 : index
      %get3A_449 = tpu.vector_load %arg16[%get3A_447, %get3A_448] {strides = array<i32>} : memref<128x64xf32, #tpu.memory_space<vmem>>, vector<1x16xf32>,
      %get3A_450 = vector.shape_cast %get3A_449 : vector<1x16xf32> to vector<16xf32>
      %mul3A_451 = arith.mulf %get3A_429, %get3A_450 : vector<16xf32>
      %add3A_452 = arith.addf %add3A_446, %mul3A_451 : vector<16xf32>
      %mul3A_453 = arith.constant 6 : i32
      %mul3A_454 = arith.muli %scan3A_414, %mul3A_453 : i32
      %swap3A = arith.index_cast %mul3A_454 : i32 to index
      %swap3A_455 = arith.constant 0 : index
      %swap3A_456 = tpu.vector_load %arg18[%swap3A, %swap3A_455] {strides = array<i32>} : memref<768x16xf32, #tpu.memory_space<vmem>>, vector<1x16xf32>,
      %swap3A_457 = vector.shape_cast %swap3A_456 : vector<1x16xf32> to vector<16xf32>
      %swap3A_458 = vector.shape_cast %add3A_452 : vector<16xf32> to vector<1x16xf32>
      tpu.vector_store %arg18[%swap3A, %swap3A_455], %swap3A_458 {strides = array<i32>} : memref<768x16xf32, #tpu.memory_space<vmem>>, vector<1x16xf32>,
      %mul3A_459 = arith.constant 5 : i32
      %mul3A_460 = arith.muli %scan3A_414, %mul3A_459 : i32
      %add3A_461 = arith.constant 0 : i32
      %add3A_462 = arith.addi %mul3A_460, %add3A_461 : i32
      %get3A_463 = arith.index_cast %add3A_462 : i32 to index
      %get3A_464 = arith.constant 0 : index
      %get3A_465 = tpu.vector_load %arg17[%get3A_463, %get3A_464] {strides = array<i32>} : memref<640x64xf32, #tpu.memory_space<vmem>>, vector<1x16xf32>,
      %get3A_466 = vector.shape_cast %get3A_465 : vector<1x16xf32> to vector<16xf32>
      %mul3A_467 = arith.mulf %get3A_417, %get3A_466 : vector<16xf32>
      %get3A_468 = arith.index_cast %add3A_462 : i32 to index
      %get3A_469 = arith.constant 16 : index
      %get3A_470 = tpu.vector_load %arg17[%get3A_468, %get3A_469] {strides = array<i32>} : memref<640x64xf32, #tpu.memory_space<vmem>>, vector<1x16xf32>,
      %get3A_471 = vector.shape_cast %get3A_470 : vector<1x16xf32> to vector<16xf32>
      %mul3A_472 = arith.mulf %get3A_421, %get3A_471 : vector<16xf32>
      %add3A_473 = arith.addf %mul3A_467, %mul3A_472 : vector<16xf32>
      %get3A_474 = arith.index_cast %add3A_462 : i32 to index
      %get3A_475 = arith.constant 32 : index
      %get3A_476 = tpu.vector_load %arg17[%get3A_474, %get3A_475] {strides = array<i32>} : memref<640x64xf32, #tpu.memory_space<vmem>>, vector<1x16xf32>,
      %get3A_477 = vector.shape_cast %get3A_476 : vector<1x16xf32> to vector<16xf32>
      %mul3A_478 = arith.mulf %get3A_425, %get3A_477 : vector<16xf32>
      %add3A_479 = arith.addf %add3A_473, %mul3A_478 : vector<16xf32>
      %get3A_480 = arith.index_cast %add3A_462 : i32 to index
      %get3A_481 = arith.constant 48 : index
      %get3A_482 = tpu.vector_load %arg17[%get3A_480, %get3A_481] {strides = array<i32>} : memref<640x64xf32, #tpu.memory_space<vmem>>, vector<1x16xf32>,
      %get3A_483 = vector.shape_cast %get3A_482 : vector<1x16xf32> to vector<16xf32>
      %mul3A_484 = arith.mulf %get3A_429, %get3A_483 : vector<16xf32>
      %add3A_485 = arith.addf %add3A_479, %mul3A_484 : vector<16xf32>
      %mul3A_486 = arith.constant 6 : i32
      %mul3A_487 = arith.muli %scan3A_414, %mul3A_486 : i32
      %add3A_488 = arith.constant 1 : i32
      %add3A_489 = arith.addi %mul3A_487, %add3A_488 : i32
      %add3A_490 = arith.constant 0 : i32
      %add3A_491 = arith.addi %add3A_489, %add3A_490 : i32
      %swap3A_492 = arith.index_cast %add3A_491 : i32 to index
      %swap3A_493 = arith.constant 0 : index
      %swap3A_494 = tpu.vector_load %arg18[%swap3A_492, %swap3A_493] {strides = array<i32>} : memref<768x16xf32, #tpu.memory_space<vmem>>, vector<1x16xf32>,
      %swap3A_495 = vector.shape_cast %swap3A_494 : vector<1x16xf32> to vector<16xf32>
      %swap3A_496 = vector.shape_cast %add3A_485 : vector<16xf32> to vector<1x16xf32>
      tpu.vector_store %arg18[%swap3A_492, %swap3A_493], %swap3A_496 {strides = array<i32>} : memref<768x16xf32, #tpu.memory_space<vmem>>, vector<1x16xf32>,
      %mul3A_497 = arith.constant 5 : i32
      %mul3A_498 = arith.muli %scan3A_414, %mul3A_497 : i32
      %add3A_499 = arith.constant 1 : i32
      %add3A_500 = arith.addi %mul3A_498, %add3A_499 : i32
      %get3A_501 = arith.index_cast %add3A_500 : i32 to index
      %get3A_502 = arith.constant 0 : index
      %get3A_503 = tpu.vector_load %arg17[%get3A_501, %get3A_502] {strides = array<i32>} : memref<640x64xf32, #tpu.memory_space<vmem>>, vector<1x16xf32>,
      %get3A_504 = vector.shape_cast %get3A_503 : vector<1x16xf32> to vector<16xf32>
      %mul3A_505 = arith.mulf %get3A_417, %get3A_504 : vector<16xf32>
      %get3A_506 = arith.index_cast %add3A_500 : i32 to index
      %get3A_507 = arith.constant 16 : index
      %get3A_508 = tpu.vector_load %arg17[%get3A_506, %get3A_507] {strides = array<i32>} : memref<640x64xf32, #tpu.memory_space<vmem>>, vector<1x16xf32>,
      %get3A_509 = vector.shape_cast %get3A_508 : vector<1x16xf32> to vector<16xf32>
      %mul3A_510 = arith.mulf %get3A_421, %get3A_509 : vector<16xf32>
      %add3A_511 = arith.addf %mul3A_505, %mul3A_510 : vector<16xf32>
      %get3A_512 = arith.index_cast %add3A_500 : i32 to index
      %get3A_513 = arith.constant 32 : index
      %get3A_514 = tpu.vector_load %arg17[%get3A_512, %get3A_513] {strides = array<i32>} : memref<640x64xf32, #tpu.memory_space<vmem>>, vector<1x16xf32>,
      %get3A_515 = vector.shape_cast %get3A_514 : vector<1x16xf32> to vector<16xf32>
      %mul3A_516 = arith.mulf %get3A_425, %get3A_515 : vector<16xf32>
      %add3A_517 = arith.addf %add3A_511, %mul3A_516 : vector<16xf32>
      %get3A_518 = arith.index_cast %add3A_500 : i32 to index
      %get3A_519 = arith.constant 48 : index
      %get3A_520 = tpu.vector_load %arg17[%get3A_518, %get3A_519] {strides = array<i32>} : memref<640x64xf32, #tpu.memory_space<vmem>>, vector<1x16xf32>,
      %get3A_521 = vector.shape_cast %get3A_520 : vector<1x16xf32> to vector<16xf32>
      %mul3A_522 = arith.mulf %get3A_429, %get3A_521 : vector<16xf32>
      %add3A_523 = arith.addf %add3A_517, %mul3A_522 : vector<16xf32>
      %mul3A_524 = arith.constant 6 : i32
      %mul3A_525 = arith.muli %scan3A_414, %mul3A_524 : i32
      %add3A_526 = arith.constant 1 : i32
      %add3A_527 = arith.addi %mul3A_525, %add3A_526 : i32
      %add3A_528 = arith.constant 1 : i32
      %add3A_529 = arith.addi %add3A_527, %add3A_528 : i32
      %swap3A_530 = arith.index_cast %add3A_529 : i32 to index
      %swap3A_531 = arith.constant 0 : index
      %swap3A_532 = tpu.vector_load %arg18[%swap3A_530, %swap3A_531] {strides = array<i32>} : memref<768x16xf32, #tpu.memory_space<vmem>>, vector<1x16xf32>,
      %swap3A_533 = vector.shape_cast %swap3A_532 : vector<1x16xf32> to vector<16xf32>
      %swap3A_534 = vector.shape_cast %add3A_523 : vector<16xf32> to vector<1x16xf32>
      tpu.vector_store %arg18[%swap3A_530, %swap3A_531], %swap3A_534 {strides = array<i32>} : memref<768x16xf32, #tpu.memory_space<vmem>>, vector<1x16xf32>,
      %mul3A_535 = arith.constant 5 : i32
      %mul3A_536 = arith.muli %scan3A_414, %mul3A_535 : i32
      %add3A_537 = arith.constant 2 : i32
      %add3A_538 = arith.addi %mul3A_536, %add3A_537 : i32
      %get3A_539 = arith.index_cast %add3A_538 : i32 to index
      %get3A_540 = arith.constant 0 : index
      %get3A_541 = tpu.vector_load %arg17[%get3A_539, %get3A_540] {strides = array<i32>} : memref<640x64xf32, #tpu.memory_space<vmem>>, vector<1x16xf32>,
      %get3A_542 = vector.shape_cast %get3A_541 : vector<1x16xf32> to vector<16xf32>
      %mul3A_543 = arith.mulf %get3A_417, %get3A_542 : vector<16xf32>
      %get3A_544 = arith.index_cast %add3A_538 : i32 to index
      %get3A_545 = arith.constant 16 : index
      %get3A_546 = tpu.vector_load %arg17[%get3A_544, %get3A_545] {strides = array<i32>} : memref<640x64xf32, #tpu.memory_space<vmem>>, vector<1x16xf32>,
      %get3A_547 = vector.shape_cast %get3A_546 : vector<1x16xf32> to vector<16xf32>
      %mul3A_548 = arith.mulf %get3A_421, %get3A_547 : vector<16xf32>
      %add3A_549 = arith.addf %mul3A_543, %mul3A_548 : vector<16xf32>
      %get3A_550 = arith.index_cast %add3A_538 : i32 to index
      %get3A_551 = arith.constant 32 : index
      %get3A_552 = tpu.vector_load %arg17[%get3A_550, %get3A_551] {strides = array<i32>} : memref<640x64xf32, #tpu.memory_space<vmem>>, vector<1x16xf32>,
      %get3A_553 = vector.shape_cast %get3A_552 : vector<1x16xf32> to vector<16xf32>
      %mul3A_554 = arith.mulf %get3A_425, %get3A_553 : vector<16xf32>
      %add3A_555 = arith.addf %add3A_549, %mul3A_554 : vector<16xf32>
      %get3A_556 = arith.index_cast %add3A_538 : i32 to index
      %get3A_557 = arith.constant 48 : index
      %get3A_558 = tpu.vector_load %arg17[%get3A_556, %get3A_557] {strides = array<i32>} : memref<640x64xf32, #tpu.memory_space<vmem>>, vector<1x16xf32>,
      %get3A_559 = vector.shape_cast %get3A_558 : vector<1x16xf32> to vector<16xf32>
      %mul3A_560 = arith.mulf %get3A_429, %get3A_559 : vector<16xf32>
      %add3A_561 = arith.addf %add3A_555, %mul3A_560 : vector<16xf32>
      %mul3A_562 = arith.constant 6 : i32
      %mul3A_563 = arith.muli %scan3A_414, %mul3A_562 : i32
      %add3A_564 = arith.constant 1 : i32
      %add3A_565 = arith.addi %mul3A_563, %add3A_564 : i32
      %add3A_566 = arith.constant 2 : i32
      %add3A_567 = arith.addi %add3A_565, %add3A_566 : i32
      %swap3A_568 = arith.index_cast %add3A_567 : i32 to index
      %swap3A_569 = arith.constant 0 : index
      %swap3A_570 = tpu.vector_load %arg18[%swap3A_568, %swap3A_569] {strides = array<i32>} : memref<768x16xf32, #tpu.memory_space<vmem>>, vector<1x16xf32>,
      %swap3A_571 = vector.shape_cast %swap3A_570 : vector<1x16xf32> to vector<16xf32>
      %swap3A_572 = vector.shape_cast %add3A_561 : vector<16xf32> to vector<1x16xf32>
      tpu.vector_store %arg18[%swap3A_568, %swap3A_569], %swap3A_572 {strides = array<i32>} : memref<768x16xf32, #tpu.memory_space<vmem>>, vector<1x16xf32>,
      %mul3A_573 = arith.constant 5 : i32
      %mul3A_574 = arith.muli %scan3A_414, %mul3A_573 : i32
      %add3A_575 = arith.constant 3 : i32
      %add3A_576 = arith.addi %mul3A_574, %add3A_575 : i32
      %get3A_577 = arith.index_cast %add3A_576 : i32 to index
      %get3A_578 = arith.constant 0 : index
      %get3A_579 = tpu.vector_load %arg17[%get3A_577, %get3A_578] {strides = array<i32>} : memref<640x64xf32, #tpu.memory_space<vmem>>, vector<1x16xf32>,
      %get3A_580 = vector.shape_cast %get3A_579 : vector<1x16xf32> to vector<16xf32>
      %mul3A_581 = arith.mulf %get3A_417, %get3A_580 : vector<16xf32>
      %get3A_582 = arith.index_cast %add3A_576 : i32 to index
      %get3A_583 = arith.constant 16 : index
      %get3A_584 = tpu.vector_load %arg17[%get3A_582, %get3A_583] {strides = array<i32>} : memref<640x64xf32, #tpu.memory_space<vmem>>, vector<1x16xf32>,
      %get3A_585 = vector.shape_cast %get3A_584 : vector<1x16xf32> to vector<16xf32>
      %mul3A_586 = arith.mulf %get3A_421, %get3A_585 : vector<16xf32>
      %add3A_587 = arith.addf %mul3A_581, %mul3A_586 : vector<16xf32>
      %get3A_588 = arith.index_cast %add3A_576 : i32 to index
      %get3A_589 = arith.constant 32 : index
      %get3A_590 = tpu.vector_load %arg17[%get3A_588, %get3A_589] {strides = array<i32>} : memref<640x64xf32, #tpu.memory_space<vmem>>, vector<1x16xf32>,
      %get3A_591 = vector.shape_cast %get3A_590 : vector<1x16xf32> to vector<16xf32>
      %mul3A_592 = arith.mulf %get3A_425, %get3A_591 : vector<16xf32>
      %add3A_593 = arith.addf %add3A_587, %mul3A_592 : vector<16xf32>
      %get3A_594 = arith.index_cast %add3A_576 : i32 to index
      %get3A_595 = arith.constant 48 : index
      %get3A_596 = tpu.vector_load %arg17[%get3A_594, %get3A_595] {strides = array<i32>} : memref<640x64xf32, #tpu.memory_space<vmem>>, vector<1x16xf32>,
      %get3A_597 = vector.shape_cast %get3A_596 : vector<1x16xf32> to vector<16xf32>
      %mul3A_598 = arith.mulf %get3A_429, %get3A_597 : vector<16xf32>
      %add3A_599 = arith.addf %add3A_593, %mul3A_598 : vector<16xf32>
      %mul3A_600 = arith.constant 6 : i32
      %mul3A_601 = arith.muli %scan3A_414, %mul3A_600 : i32
      %add3A_602 = arith.constant 1 : i32
      %add3A_603 = arith.addi %mul3A_601, %add3A_602 : i32
      %add3A_604 = arith.constant 3 : i32
      %add3A_605 = arith.addi %add3A_603, %add3A_604 : i32
      %swap3A_606 = arith.index_cast %add3A_605 : i32 to index
      %swap3A_607 = arith.constant 0 : index
      %swap3A_608 = tpu.vector_load %arg18[%swap3A_606, %swap3A_607] {strides = array<i32>} : memref<768x16xf32, #tpu.memory_space<vmem>>, vector<1x16xf32>,
      %swap3A_609 = vector.shape_cast %swap3A_608 : vector<1x16xf32> to vector<16xf32>
      %swap3A_610 = vector.shape_cast %add3A_599 : vector<16xf32> to vector<1x16xf32>
      tpu.vector_store %arg18[%swap3A_606, %swap3A_607], %swap3A_610 {strides = array<i32>} : memref<768x16xf32, #tpu.memory_space<vmem>>, vector<1x16xf32>,
      %mul3A_611 = arith.constant 5 : i32
      %mul3A_612 = arith.muli %scan3A_414, %mul3A_611 : i32
      %add3A_613 = arith.constant 4 : i32
      %add3A_614 = arith.addi %mul3A_612, %add3A_613 : i32
      %get3A_615 = arith.index_cast %add3A_614 : i32 to index
      %get3A_616 = arith.constant 0 : index
      %get3A_617 = tpu.vector_load %arg17[%get3A_615, %get3A_616] {strides = array<i32>} : memref<640x64xf32, #tpu.memory_space<vmem>>, vector<1x16xf32>,
      %get3A_618 = vector.shape_cast %get3A_617 : vector<1x16xf32> to vector<16xf32>
      %mul3A_619 = arith.mulf %get3A_417, %get3A_618 : vector<16xf32>
      %get3A_620 = arith.index_cast %add3A_614 : i32 to index
      %get3A_621 = arith.constant 16 : index
      %get3A_622 = tpu.vector_load %arg17[%get3A_620, %get3A_621] {strides = array<i32>} : memref<640x64xf32, #tpu.memory_space<vmem>>, vector<1x16xf32>,
      %get3A_623 = vector.shape_cast %get3A_622 : vector<1x16xf32> to vector<16xf32>
      %mul3A_624 = arith.mulf %get3A_421, %get3A_623 : vector<16xf32>
      %add3A_625 = arith.addf %mul3A_619, %mul3A_624 : vector<16xf32>
      %get3A_626 = arith.index_cast %add3A_614 : i32 to index
      %get3A_627 = arith.constant 32 : index
      %get3A_628 = tpu.vector_load %arg17[%get3A_626, %get3A_627] {strides = array<i32>} : memref<640x64xf32, #tpu.memory_space<vmem>>, vector<1x16xf32>,
      %get3A_629 = vector.shape_cast %get3A_628 : vector<1x16xf32> to vector<16xf32>
      %mul3A_630 = arith.mulf %get3A_425, %get3A_629 : vector<16xf32>
      %add3A_631 = arith.addf %add3A_625, %mul3A_630 : vector<16xf32>
      %get3A_632 = arith.index_cast %add3A_614 : i32 to index
      %get3A_633 = arith.constant 48 : index
      %get3A_634 = tpu.vector_load %arg17[%get3A_632, %get3A_633] {strides = array<i32>} : memref<640x64xf32, #tpu.memory_space<vmem>>, vector<1x16xf32>,
      %get3A_635 = vector.shape_cast %get3A_634 : vector<1x16xf32> to vector<16xf32>
      %mul3A_636 = arith.mulf %get3A_429, %get3A_635 : vector<16xf32>
      %add3A_637 = arith.addf %add3A_631, %mul3A_636 : vector<16xf32>
      %mul3A_638 = arith.constant 6 : i32
      %mul3A_639 = arith.muli %scan3A_414, %mul3A_638 : i32
      %add3A_640 = arith.constant 1 : i32
      %add3A_641 = arith.addi %mul3A_639, %add3A_640 : i32
      %add3A_642 = arith.constant 4 : i32
      %add3A_643 = arith.addi %add3A_641, %add3A_642 : i32
      %swap3A_644 = arith.index_cast %add3A_643 : i32 to index
      %swap3A_645 = arith.constant 0 : index
      %swap3A_646 = tpu.vector_load %arg18[%swap3A_644, %swap3A_645] {strides = array<i32>} : memref<768x16xf32, #tpu.memory_space<vmem>>, vector<1x16xf32>,
      %swap3A_647 = vector.shape_cast %swap3A_646 : vector<1x16xf32> to vector<16xf32>
      %swap3A_648 = vector.shape_cast %add3A_637 : vector<16xf32> to vector<1x16xf32>
      tpu.vector_store %arg18[%swap3A_644, %swap3A_645], %swap3A_648 {strides = array<i32>} : memref<768x16xf32, #tpu.memory_space<vmem>>, vector<1x16xf32>,
    }
    %scan3A_307 = arith.constant 128 : i32
    %mul3A_308 = arith.constant 6 : i32
    %mul3A_309 = arith.muli %add3A_209, %mul3A_308 : i32
    "tpu.region"() ({
      %run_scoped3A = tpu.sem_alloc : memref<!tpu.dma_semaphore, #tpu.memory_space<semaphore_mem>>
      %dma_start3A_414 = arith.constant 0 : i32
      %dma_start3A_415 = tpu.memref_slice %arg7[%mul3A_309, %dma_start3A_414] : memref<98304x16xf32, #tpu.memory_space<hbm>> -> memref<768x16xf32, #tpu.memory_space<hbm>>
      %dma_start3A_416 = arith.constant 0 : i32
      %dma_start3A_417 = tpu.memref_slice %arg7[%mul3A_309, %dma_start3A_416] : memref<98304x16xf32, #tpu.memory_space<hbm>> -> memref<768x16xf32, #tpu.memory_space<hbm>>
      tpu.enqueue_dma source(%arg18 : memref<768x16xf32, #tpu.memory_space<vmem>>) target(%dma_start3A_417 : memref<768x16xf32, #tpu.memory_space<hbm>>) target_semaphore(%run_scoped3A : memref<!tpu.dma_semaphore, #tpu.memory_space<semaphore_mem>>)
      %dma_wait3A_418 = arith.constant 0 : i32
      %dma_wait3A_419 = tpu.memref_slice %arg7[%mul3A_309, %dma_wait3A_418] : memref<98304x16xf32, #tpu.memory_space<hbm>> -> memref<768x16xf32, #tpu.memory_space<hbm>>
      %dma_wait3A_420 = arith.constant 0 : i32
      %dma_wait3A_421 = tpu.memref_slice %arg7[%mul3A_309, %dma_wait3A_420] : memref<98304x16xf32, #tpu.memory_space<hbm>> -> memref<768x16xf32, #tpu.memory_space<hbm>>
      tpu.wait_dma2 semaphore(%run_scoped3A : memref<!tpu.dma_semaphore, #tpu.memory_space<semaphore_mem>>) src(%arg18 : memref<768x16xf32, #tpu.memory_space<vmem>>) dst(%dma_wait3A_421 : memref<768x16xf32, #tpu.memory_space<hbm>>)
      tpu.yield
    }) : () -> ()
    %mul3A_310 = arith.constant 512 : i32
    %mul3A_311 = arith.muli %add3A, %mul3A_310 : i32
    %add3A_312 = arith.constant 384 : i32
    %add3A_313 = arith.addi %mul3A_311, %add3A_312 : i32
    "tpu.region"() ({
      %run_scoped3A = tpu.sem_alloc : memref<!tpu.dma_semaphore, #tpu.memory_space<semaphore_mem>>
      %dma_start3A_414 = tpu.memref_slice %arg2[%add3A_313] : memref<16384xi32, #tpu.memory_space<hbm>> -> memref<128xi32, #tpu.memory_space<hbm>>
      %dma_start3A_415 = tpu.memref_slice %arg2[%add3A_313] : memref<16384xi32, #tpu.memory_space<hbm>> -> memref<128xi32, #tpu.memory_space<hbm>>
      tpu.enqueue_dma source(%dma_start3A_415 : memref<128xi32, #tpu.memory_space<hbm>>) target(%arg8 : memref<128xi32, #tpu.memory_space<vmem>>) target_semaphore(%run_scoped3A : memref<!tpu.dma_semaphore, #tpu.memory_space<semaphore_mem>>)
      %dma_wait3A_416 = tpu.memref_slice %arg2[%add3A_313] : memref<16384xi32, #tpu.memory_space<hbm>> -> memref<128xi32, #tpu.memory_space<hbm>>
      %dma_wait3A_417 = tpu.memref_slice %arg2[%add3A_313] : memref<16384xi32, #tpu.memory_space<hbm>> -> memref<128xi32, #tpu.memory_space<hbm>>
      tpu.wait_dma2 semaphore(%run_scoped3A : memref<!tpu.dma_semaphore, #tpu.memory_space<semaphore_mem>>) src(%dma_wait3A_417 : memref<128xi32, #tpu.memory_space<hbm>>) dst(%arg8 : memref<128xi32, #tpu.memory_space<vmem>>)
      tpu.yield
    }) : () -> ()
    "tpu.region"() ({
      %run_scoped3A = tpu.sem_alloc : memref<!tpu.dma_semaphore, #tpu.memory_space<semaphore_mem>>
      %dma_start3A_414 = tpu.memref_slice %arg3[%add3A_313] : memref<16384xi32, #tpu.memory_space<hbm>> -> memref<128xi32, #tpu.memory_space<hbm>>
      %dma_start3A_415 = tpu.memref_slice %arg3[%add3A_313] : memref<16384xi32, #tpu.memory_space<hbm>> -> memref<128xi32, #tpu.memory_space<hbm>>
      tpu.enqueue_dma source(%dma_start3A_415 : memref<128xi32, #tpu.memory_space<hbm>>) target(%arg9 : memref<128xi32, #tpu.memory_space<vmem>>) target_semaphore(%run_scoped3A : memref<!tpu.dma_semaphore, #tpu.memory_space<semaphore_mem>>)
      %dma_wait3A_416 = tpu.memref_slice %arg3[%add3A_313] : memref<16384xi32, #tpu.memory_space<hbm>> -> memref<128xi32, #tpu.memory_space<hbm>>
      %dma_wait3A_417 = tpu.memref_slice %arg3[%add3A_313] : memref<16384xi32, #tpu.memory_space<hbm>> -> memref<128xi32, #tpu.memory_space<hbm>>
      tpu.wait_dma2 semaphore(%run_scoped3A : memref<!tpu.dma_semaphore, #tpu.memory_space<semaphore_mem>>) src(%dma_wait3A_417 : memref<128xi32, #tpu.memory_space<hbm>>) dst(%arg9 : memref<128xi32, #tpu.memory_space<vmem>>)
      tpu.yield
    }) : () -> ()
    %mul3A_314 = arith.constant 5 : i32
    %mul3A_315 = arith.muli %add3A_313, %mul3A_314 : i32
    %add3A_316 = arith.constant 0 : i32
    %add3A_317 = arith.addi %mul3A_315, %add3A_316 : i32
    "tpu.region"() ({
      %run_scoped3A = tpu.sem_alloc : memref<!tpu.dma_semaphore, #tpu.memory_space<semaphore_mem>>
      %dma_start3A_414 = tpu.memref_slice %arg4[%add3A_317] : memref<81920xi32, #tpu.memory_space<hbm>> -> memref<128xi32, #tpu.memory_space<hbm>>
      %dma_start3A_415 = tpu.memref_slice %arg4[%add3A_317] : memref<81920xi32, #tpu.memory_space<hbm>> -> memref<128xi32, #tpu.memory_space<hbm>>
      tpu.enqueue_dma source(%dma_start3A_415 : memref<128xi32, #tpu.memory_space<hbm>>) target(%arg10 : memref<128xi32, #tpu.memory_space<vmem>>) target_semaphore(%run_scoped3A : memref<!tpu.dma_semaphore, #tpu.memory_space<semaphore_mem>>)
      %dma_wait3A_416 = tpu.memref_slice %arg4[%add3A_317] : memref<81920xi32, #tpu.memory_space<hbm>> -> memref<128xi32, #tpu.memory_space<hbm>>
      %dma_wait3A_417 = tpu.memref_slice %arg4[%add3A_317] : memref<81920xi32, #tpu.memory_space<hbm>> -> memref<128xi32, #tpu.memory_space<hbm>>
      tpu.wait_dma2 semaphore(%run_scoped3A : memref<!tpu.dma_semaphore, #tpu.memory_space<semaphore_mem>>) src(%dma_wait3A_417 : memref<128xi32, #tpu.memory_space<hbm>>) dst(%arg10 : memref<128xi32, #tpu.memory_space<vmem>>)
      tpu.yield
    }) : () -> ()
    %mul3A_318 = arith.constant 5 : i32
    %mul3A_319 = arith.muli %add3A_313, %mul3A_318 : i32
    %add3A_320 = arith.constant 128 : i32
    %add3A_321 = arith.addi %mul3A_319, %add3A_320 : i32
    "tpu.region"() ({
      %run_scoped3A = tpu.sem_alloc : memref<!tpu.dma_semaphore, #tpu.memory_space<semaphore_mem>>
      %dma_start3A_414 = tpu.memref_slice %arg4[%add3A_321] : memref<81920xi32, #tpu.memory_space<hbm>> -> memref<128xi32, #tpu.memory_space<hbm>>
      %dma_start3A_415 = tpu.memref_slice %arg4[%add3A_321] : memref<81920xi32, #tpu.memory_space<hbm>> -> memref<128xi32, #tpu.memory_space<hbm>>
      tpu.enqueue_dma source(%dma_start3A_415 : memref<128xi32, #tpu.memory_space<hbm>>) target(%arg11 : memref<128xi32, #tpu.memory_space<vmem>>) target_semaphore(%run_scoped3A : memref<!tpu.dma_semaphore, #tpu.memory_space<semaphore_mem>>)
      %dma_wait3A_416 = tpu.memref_slice %arg4[%add3A_321] : memref<81920xi32, #tpu.memory_space<hbm>> -> memref<128xi32, #tpu.memory_space<hbm>>
      %dma_wait3A_417 = tpu.memref_slice %arg4[%add3A_321] : memref<81920xi32, #tpu.memory_space<hbm>> -> memref<128xi32, #tpu.memory_space<hbm>>
      tpu.wait_dma2 semaphore(%run_scoped3A : memref<!tpu.dma_semaphore, #tpu.memory_space<semaphore_mem>>) src(%dma_wait3A_417 : memref<128xi32, #tpu.memory_space<hbm>>) dst(%arg11 : memref<128xi32, #tpu.memory_space<vmem>>)
      tpu.yield
    }) : () -> ()
    %mul3A_322 = arith.constant 5 : i32
    %mul3A_323 = arith.muli %add3A_313, %mul3A_322 : i32
    %add3A_324 = arith.constant 256 : i32
    %add3A_325 = arith.addi %mul3A_323, %add3A_324 : i32
    "tpu.region"() ({
      %run_scoped3A = tpu.sem_alloc : memref<!tpu.dma_semaphore, #tpu.memory_space<semaphore_mem>>
      %dma_start3A_414 = tpu.memref_slice %arg4[%add3A_325] : memref<81920xi32, #tpu.memory_space<hbm>> -> memref<128xi32, #tpu.memory_space<hbm>>
      %dma_start3A_415 = tpu.memref_slice %arg4[%add3A_325] : memref<81920xi32, #tpu.memory_space<hbm>> -> memref<128xi32, #tpu.memory_space<hbm>>
      tpu.enqueue_dma source(%dma_start3A_415 : memref<128xi32, #tpu.memory_space<hbm>>) target(%arg12 : memref<128xi32, #tpu.memory_space<vmem>>) target_semaphore(%run_scoped3A : memref<!tpu.dma_semaphore, #tpu.memory_space<semaphore_mem>>)
      %dma_wait3A_416 = tpu.memref_slice %arg4[%add3A_325] : memref<81920xi32, #tpu.memory_space<hbm>> -> memref<128xi32, #tpu.memory_space<hbm>>
      %dma_wait3A_417 = tpu.memref_slice %arg4[%add3A_325] : memref<81920xi32, #tpu.memory_space<hbm>> -> memref<128xi32, #tpu.memory_space<hbm>>
      tpu.wait_dma2 semaphore(%run_scoped3A : memref<!tpu.dma_semaphore, #tpu.memory_space<semaphore_mem>>) src(%dma_wait3A_417 : memref<128xi32, #tpu.memory_space<hbm>>) dst(%arg12 : memref<128xi32, #tpu.memory_space<vmem>>)
      tpu.yield
    }) : () -> ()
    %mul3A_326 = arith.constant 5 : i32
    %mul3A_327 = arith.muli %add3A_313, %mul3A_326 : i32
    %add3A_328 = arith.constant 384 : i32
    %add3A_329 = arith.addi %mul3A_327, %add3A_328 : i32
    "tpu.region"() ({
      %run_scoped3A = tpu.sem_alloc : memref<!tpu.dma_semaphore, #tpu.memory_space<semaphore_mem>>
      %dma_start3A_414 = tpu.memref_slice %arg4[%add3A_329] : memref<81920xi32, #tpu.memory_space<hbm>> -> memref<128xi32, #tpu.memory_space<hbm>>
      %dma_start3A_415 = tpu.memref_slice %arg4[%add3A_329] : memref<81920xi32, #tpu.memory_space<hbm>> -> memref<128xi32, #tpu.memory_space<hbm>>
      tpu.enqueue_dma source(%dma_start3A_415 : memref<128xi32, #tpu.memory_space<hbm>>) target(%arg13 : memref<128xi32, #tpu.memory_space<vmem>>) target_semaphore(%run_scoped3A : memref<!tpu.dma_semaphore, #tpu.memory_space<semaphore_mem>>)
      %dma_wait3A_416 = tpu.memref_slice %arg4[%add3A_329] : memref<81920xi32, #tpu.memory_space<hbm>> -> memref<128xi32, #tpu.memory_space<hbm>>
      %dma_wait3A_417 = tpu.memref_slice %arg4[%add3A_329] : memref<81920xi32, #tpu.memory_space<hbm>> -> memref<128xi32, #tpu.memory_space<hbm>>
      tpu.wait_dma2 semaphore(%run_scoped3A : memref<!tpu.dma_semaphore, #tpu.memory_space<semaphore_mem>>) src(%dma_wait3A_417 : memref<128xi32, #tpu.memory_space<hbm>>) dst(%arg13 : memref<128xi32, #tpu.memory_space<vmem>>)
      tpu.yield
    }) : () -> ()
    %mul3A_330 = arith.constant 5 : i32
    %mul3A_331 = arith.muli %add3A_313, %mul3A_330 : i32
    %add3A_332 = arith.constant 512 : i32
    %add3A_333 = arith.addi %mul3A_331, %add3A_332 : i32
    "tpu.region"() ({
      %run_scoped3A = tpu.sem_alloc : memref<!tpu.dma_semaphore, #tpu.memory_space<semaphore_mem>>
      %dma_start3A_414 = tpu.memref_slice %arg4[%add3A_333] : memref<81920xi32, #tpu.memory_space<hbm>> -> memref<128xi32, #tpu.memory_space<hbm>>
      %dma_start3A_415 = tpu.memref_slice %arg4[%add3A_333] : memref<81920xi32, #tpu.memory_space<hbm>> -> memref<128xi32, #tpu.memory_space<hbm>>
      tpu.enqueue_dma source(%dma_start3A_415 : memref<128xi32, #tpu.memory_space<hbm>>) target(%arg14 : memref<128xi32, #tpu.memory_space<vmem>>) target_semaphore(%run_scoped3A : memref<!tpu.dma_semaphore, #tpu.memory_space<semaphore_mem>>)
      %dma_wait3A_416 = tpu.memref_slice %arg4[%add3A_333] : memref<81920xi32, #tpu.memory_space<hbm>> -> memref<128xi32, #tpu.memory_space<hbm>>
      %dma_wait3A_417 = tpu.memref_slice %arg4[%add3A_333] : memref<81920xi32, #tpu.memory_space<hbm>> -> memref<128xi32, #tpu.memory_space<hbm>>
      tpu.wait_dma2 semaphore(%run_scoped3A : memref<!tpu.dma_semaphore, #tpu.memory_space<semaphore_mem>>) src(%dma_wait3A_417 : memref<128xi32, #tpu.memory_space<hbm>>) dst(%arg14 : memref<128xi32, #tpu.memory_space<vmem>>)
      tpu.yield
    }) : () -> ()
    %dma_start3A_334 = arith.constant 0 : i32
    %dma_start3A_335 = arith.constant 0 : i32
    %dma_start3A_336 = tpu.memref_slice %arg5[%dma_start3A_334, %dma_start3A_335] : memref<1000000x64xf32, #tpu.memory_space<hbm>> -> memref<1000000x64xf32, #tpu.memory_space<hbm>>
    tpu.enqueue_indirect_dma source(%dma_start3A_336 : memref<1000000x64xf32, #tpu.memory_space<hbm>>) target(%arg15 : memref<128x64xf32, #tpu.memory_space<vmem>>) offsets(%arg8 : memref<128xi32, #tpu.memory_space<vmem>>) semaphore(%arg19 : memref<!tpu.dma_semaphore, #tpu.memory_space<semaphore_mem>>)
    %dma_start3A_337 = arith.constant 0 : i32
    %dma_start3A_338 = arith.constant 0 : i32
    %dma_start3A_339 = tpu.memref_slice %arg6[%dma_start3A_337, %dma_start3A_338] : memref<1000000x64xf32, #tpu.memory_space<hbm>> -> memref<1000000x64xf32, #tpu.memory_space<hbm>>
    tpu.enqueue_indirect_dma source(%dma_start3A_339 : memref<1000000x64xf32, #tpu.memory_space<hbm>>) target(%arg16 : memref<128x64xf32, #tpu.memory_space<vmem>>) offsets(%arg9 : memref<128xi32, #tpu.memory_space<vmem>>) semaphore(%arg19 : memref<!tpu.dma_semaphore, #tpu.memory_space<semaphore_mem>>)
    %dma_start3A_340 = arith.constant 0 : i32
    %dma_start3A_341 = arith.constant 0 : i32
    %dma_start3A_342 = tpu.memref_slice %arg17[%dma_start3A_340, %dma_start3A_341] : memref<640x64xf32, #tpu.memory_space<vmem>> -> memref<128x64xf32, #tpu.memory_space<vmem>>
    %dma_start3A_343 = arith.constant 0 : i32
    %dma_start3A_344 = arith.constant 0 : i32
    %dma_start3A_345 = tpu.memref_slice %arg6[%dma_start3A_343, %dma_start3A_344] : memref<1000000x64xf32, #tpu.memory_space<hbm>> -> memref<1000000x64xf32, #tpu.memory_space<hbm>>
    tpu.enqueue_indirect_dma source(%dma_start3A_345 : memref<1000000x64xf32, #tpu.memory_space<hbm>>) target(%dma_start3A_342 : memref<128x64xf32, #tpu.memory_space<vmem>>) offsets(%arg10 : memref<128xi32, #tpu.memory_space<vmem>>) semaphore(%arg19 : memref<!tpu.dma_semaphore, #tpu.memory_space<semaphore_mem>>)
    %dma_start3A_346 = arith.constant 128 : i32
    %dma_start3A_347 = arith.constant 0 : i32
    %dma_start3A_348 = tpu.memref_slice %arg17[%dma_start3A_346, %dma_start3A_347] : memref<640x64xf32, #tpu.memory_space<vmem>> -> memref<128x64xf32, #tpu.memory_space<vmem>>
    %dma_start3A_349 = arith.constant 0 : i32
    %dma_start3A_350 = arith.constant 0 : i32
    %dma_start3A_351 = tpu.memref_slice %arg6[%dma_start3A_349, %dma_start3A_350] : memref<1000000x64xf32, #tpu.memory_space<hbm>> -> memref<1000000x64xf32, #tpu.memory_space<hbm>>
    tpu.enqueue_indirect_dma source(%dma_start3A_351 : memref<1000000x64xf32, #tpu.memory_space<hbm>>) target(%dma_start3A_348 : memref<128x64xf32, #tpu.memory_space<vmem>>) offsets(%arg11 : memref<128xi32, #tpu.memory_space<vmem>>) semaphore(%arg19 : memref<!tpu.dma_semaphore, #tpu.memory_space<semaphore_mem>>)
    %dma_start3A_352 = arith.constant 256 : i32
    %dma_start3A_353 = arith.constant 0 : i32
    %dma_start3A_354 = tpu.memref_slice %arg17[%dma_start3A_352, %dma_start3A_353] : memref<640x64xf32, #tpu.memory_space<vmem>> -> memref<128x64xf32, #tpu.memory_space<vmem>>
    %dma_start3A_355 = arith.constant 0 : i32
    %dma_start3A_356 = arith.constant 0 : i32
    %dma_start3A_357 = tpu.memref_slice %arg6[%dma_start3A_355, %dma_start3A_356] : memref<1000000x64xf32, #tpu.memory_space<hbm>> -> memref<1000000x64xf32, #tpu.memory_space<hbm>>
    tpu.enqueue_indirect_dma source(%dma_start3A_357 : memref<1000000x64xf32, #tpu.memory_space<hbm>>) target(%dma_start3A_354 : memref<128x64xf32, #tpu.memory_space<vmem>>) offsets(%arg12 : memref<128xi32, #tpu.memory_space<vmem>>) semaphore(%arg19 : memref<!tpu.dma_semaphore, #tpu.memory_space<semaphore_mem>>)
    %dma_start3A_358 = arith.constant 384 : i32
    %dma_start3A_359 = arith.constant 0 : i32
    %dma_start3A_360 = tpu.memref_slice %arg17[%dma_start3A_358, %dma_start3A_359] : memref<640x64xf32, #tpu.memory_space<vmem>> -> memref<128x64xf32, #tpu.memory_space<vmem>>
    %dma_start3A_361 = arith.constant 0 : i32
    %dma_start3A_362 = arith.constant 0 : i32
    %dma_start3A_363 = tpu.memref_slice %arg6[%dma_start3A_361, %dma_start3A_362] : memref<1000000x64xf32, #tpu.memory_space<hbm>> -> memref<1000000x64xf32, #tpu.memory_space<hbm>>
    tpu.enqueue_indirect_dma source(%dma_start3A_363 : memref<1000000x64xf32, #tpu.memory_space<hbm>>) target(%dma_start3A_360 : memref<128x64xf32, #tpu.memory_space<vmem>>) offsets(%arg13 : memref<128xi32, #tpu.memory_space<vmem>>) semaphore(%arg19 : memref<!tpu.dma_semaphore, #tpu.memory_space<semaphore_mem>>)
    %dma_start3A_364 = arith.constant 512 : i32
    %dma_start3A_365 = arith.constant 0 : i32
    %dma_start3A_366 = tpu.memref_slice %arg17[%dma_start3A_364, %dma_start3A_365] : memref<640x64xf32, #tpu.memory_space<vmem>> -> memref<128x64xf32, #tpu.memory_space<vmem>>
    %dma_start3A_367 = arith.constant 0 : i32
    %dma_start3A_368 = arith.constant 0 : i32
    %dma_start3A_369 = tpu.memref_slice %arg6[%dma_start3A_367, %dma_start3A_368] : memref<1000000x64xf32, #tpu.memory_space<hbm>> -> memref<1000000x64xf32, #tpu.memory_space<hbm>>
    tpu.enqueue_indirect_dma source(%dma_start3A_369 : memref<1000000x64xf32, #tpu.memory_space<hbm>>) target(%dma_start3A_366 : memref<128x64xf32, #tpu.memory_space<vmem>>) offsets(%arg14 : memref<128xi32, #tpu.memory_space<vmem>>) semaphore(%arg19 : memref<!tpu.dma_semaphore, #tpu.memory_space<semaphore_mem>>)
    %dma_wait3A_370 = arith.constant 0 : i32
    %dma_wait3A_371 = arith.constant 0 : i32
    %dma_wait3A_372 = tpu.memref_slice %arg5[%dma_wait3A_370, %dma_wait3A_371] : memref<1000000x64xf32, #tpu.memory_space<hbm>> -> memref<1000000x64xf32, #tpu.memory_space<hbm>>
    tpu.wait_indirect_dma semaphore(%arg19 : memref<!tpu.dma_semaphore, #tpu.memory_space<semaphore_mem>>) src(%dma_wait3A_372 : memref<1000000x64xf32, #tpu.memory_space<hbm>>) dst(%arg15 : memref<128x64xf32, #tpu.memory_space<vmem>>)
    %dma_wait3A_373 = arith.constant 0 : i32
    %dma_wait3A_374 = arith.constant 0 : i32
    %dma_wait3A_375 = tpu.memref_slice %arg6[%dma_wait3A_373, %dma_wait3A_374] : memref<1000000x64xf32, #tpu.memory_space<hbm>> -> memref<1000000x64xf32, #tpu.memory_space<hbm>>
    tpu.wait_indirect_dma semaphore(%arg19 : memref<!tpu.dma_semaphore, #tpu.memory_space<semaphore_mem>>) src(%dma_wait3A_375 : memref<1000000x64xf32, #tpu.memory_space<hbm>>) dst(%arg16 : memref<128x64xf32, #tpu.memory_space<vmem>>)
    %dma_wait3A_376 = arith.constant 0 : i32
    %dma_wait3A_377 = arith.constant 0 : i32
    %dma_wait3A_378 = tpu.memref_slice %arg17[%dma_wait3A_376, %dma_wait3A_377] : memref<640x64xf32, #tpu.memory_space<vmem>> -> memref<128x64xf32, #tpu.memory_space<vmem>>
    %dma_wait3A_379 = arith.constant 0 : i32
    %dma_wait3A_380 = arith.constant 0 : i32
    %dma_wait3A_381 = tpu.memref_slice %arg6[%dma_wait3A_379, %dma_wait3A_380] : memref<1000000x64xf32, #tpu.memory_space<hbm>> -> memref<1000000x64xf32, #tpu.memory_space<hbm>>
    tpu.wait_indirect_dma semaphore(%arg19 : memref<!tpu.dma_semaphore, #tpu.memory_space<semaphore_mem>>) src(%dma_wait3A_381 : memref<1000000x64xf32, #tpu.memory_space<hbm>>) dst(%dma_wait3A_378 : memref<128x64xf32, #tpu.memory_space<vmem>>)
    %dma_wait3A_382 = arith.constant 128 : i32
    %dma_wait3A_383 = arith.constant 0 : i32
    %dma_wait3A_384 = tpu.memref_slice %arg17[%dma_wait3A_382, %dma_wait3A_383] : memref<640x64xf32, #tpu.memory_space<vmem>> -> memref<128x64xf32, #tpu.memory_space<vmem>>
    %dma_wait3A_385 = arith.constant 0 : i32
    %dma_wait3A_386 = arith.constant 0 : i32
    %dma_wait3A_387 = tpu.memref_slice %arg6[%dma_wait3A_385, %dma_wait3A_386] : memref<1000000x64xf32, #tpu.memory_space<hbm>> -> memref<1000000x64xf32, #tpu.memory_space<hbm>>
    tpu.wait_indirect_dma semaphore(%arg19 : memref<!tpu.dma_semaphore, #tpu.memory_space<semaphore_mem>>) src(%dma_wait3A_387 : memref<1000000x64xf32, #tpu.memory_space<hbm>>) dst(%dma_wait3A_384 : memref<128x64xf32, #tpu.memory_space<vmem>>)
    %dma_wait3A_388 = arith.constant 256 : i32
    %dma_wait3A_389 = arith.constant 0 : i32
    %dma_wait3A_390 = tpu.memref_slice %arg17[%dma_wait3A_388, %dma_wait3A_389] : memref<640x64xf32, #tpu.memory_space<vmem>> -> memref<128x64xf32, #tpu.memory_space<vmem>>
    %dma_wait3A_391 = arith.constant 0 : i32
    %dma_wait3A_392 = arith.constant 0 : i32
    %dma_wait3A_393 = tpu.memref_slice %arg6[%dma_wait3A_391, %dma_wait3A_392] : memref<1000000x64xf32, #tpu.memory_space<hbm>> -> memref<1000000x64xf32, #tpu.memory_space<hbm>>
    tpu.wait_indirect_dma semaphore(%arg19 : memref<!tpu.dma_semaphore, #tpu.memory_space<semaphore_mem>>) src(%dma_wait3A_393 : memref<1000000x64xf32, #tpu.memory_space<hbm>>) dst(%dma_wait3A_390 : memref<128x64xf32, #tpu.memory_space<vmem>>)
    %dma_wait3A_394 = arith.constant 384 : i32
    %dma_wait3A_395 = arith.constant 0 : i32
    %dma_wait3A_396 = tpu.memref_slice %arg17[%dma_wait3A_394, %dma_wait3A_395] : memref<640x64xf32, #tpu.memory_space<vmem>> -> memref<128x64xf32, #tpu.memory_space<vmem>>
    %dma_wait3A_397 = arith.constant 0 : i32
    %dma_wait3A_398 = arith.constant 0 : i32
    %dma_wait3A_399 = tpu.memref_slice %arg6[%dma_wait3A_397, %dma_wait3A_398] : memref<1000000x64xf32, #tpu.memory_space<hbm>> -> memref<1000000x64xf32, #tpu.memory_space<hbm>>
    tpu.wait_indirect_dma semaphore(%arg19 : memref<!tpu.dma_semaphore, #tpu.memory_space<semaphore_mem>>) src(%dma_wait3A_399 : memref<1000000x64xf32, #tpu.memory_space<hbm>>) dst(%dma_wait3A_396 : memref<128x64xf32, #tpu.memory_space<vmem>>)
    %dma_wait3A_400 = arith.constant 512 : i32
    %dma_wait3A_401 = arith.constant 0 : i32
    %dma_wait3A_402 = tpu.memref_slice %arg17[%dma_wait3A_400, %dma_wait3A_401] : memref<640x64xf32, #tpu.memory_space<vmem>> -> memref<128x64xf32, #tpu.memory_space<vmem>>
    %dma_wait3A_403 = arith.constant 0 : i32
    %dma_wait3A_404 = arith.constant 0 : i32
    %dma_wait3A_405 = tpu.memref_slice %arg6[%dma_wait3A_403, %dma_wait3A_404] : memref<1000000x64xf32, #tpu.memory_space<hbm>> -> memref<1000000x64xf32, #tpu.memory_space<hbm>>
    tpu.wait_indirect_dma semaphore(%arg19 : memref<!tpu.dma_semaphore, #tpu.memory_space<semaphore_mem>>) src(%dma_wait3A_405 : memref<1000000x64xf32, #tpu.memory_space<hbm>>) dst(%dma_wait3A_402 : memref<128x64xf32, #tpu.memory_space<vmem>>)
    %scan3A_406 = arith.constant 0 : i32
    %scan3A_407 = arith.constant 0 : i32
    %scan3A_408 = arith.constant 128 : i32
    %scan3A_409 = arith.addi %scan3A_407, %scan3A_408 : i32
    %scan3A_410 = arith.constant 1 : i32
    scf.for %scan3A_414 = %scan3A_407 to %scan3A_409 step %scan3A_410  : i32 {
      %get3A = arith.index_cast %scan3A_414 : i32 to index
      %get3A_415 = arith.constant 0 : index
      %get3A_416 = tpu.vector_load %arg15[%get3A, %get3A_415] {strides = array<i32>} : memref<128x64xf32, #tpu.memory_space<vmem>>, vector<1x16xf32>,
      %get3A_417 = vector.shape_cast %get3A_416 : vector<1x16xf32> to vector<16xf32>
      %get3A_418 = arith.index_cast %scan3A_414 : i32 to index
      %get3A_419 = arith.constant 16 : index
      %get3A_420 = tpu.vector_load %arg15[%get3A_418, %get3A_419] {strides = array<i32>} : memref<128x64xf32, #tpu.memory_space<vmem>>, vector<1x16xf32>,
      %get3A_421 = vector.shape_cast %get3A_420 : vector<1x16xf32> to vector<16xf32>
      %get3A_422 = arith.index_cast %scan3A_414 : i32 to index
      %get3A_423 = arith.constant 32 : index
      %get3A_424 = tpu.vector_load %arg15[%get3A_422, %get3A_423] {strides = array<i32>} : memref<128x64xf32, #tpu.memory_space<vmem>>, vector<1x16xf32>,
      %get3A_425 = vector.shape_cast %get3A_424 : vector<1x16xf32> to vector<16xf32>
      %get3A_426 = arith.index_cast %scan3A_414 : i32 to index
      %get3A_427 = arith.constant 48 : index
      %get3A_428 = tpu.vector_load %arg15[%get3A_426, %get3A_427] {strides = array<i32>} : memref<128x64xf32, #tpu.memory_space<vmem>>, vector<1x16xf32>,
      %get3A_429 = vector.shape_cast %get3A_428 : vector<1x16xf32> to vector<16xf32>
      %get3A_430 = arith.index_cast %scan3A_414 : i32 to index
      %get3A_431 = arith.constant 0 : index
      %get3A_432 = tpu.vector_load %arg16[%get3A_430, %get3A_431] {strides = array<i32>} : memref<128x64xf32, #tpu.memory_space<vmem>>, vector<1x16xf32>,
      %get3A_433 = vector.shape_cast %get3A_432 : vector<1x16xf32> to vector<16xf32>
      %mul3A_434 = arith.mulf %get3A_417, %get3A_433 : vector<16xf32>
      %get3A_435 = arith.index_cast %scan3A_414 : i32 to index
      %get3A_436 = arith.constant 16 : index
      %get3A_437 = tpu.vector_load %arg16[%get3A_435, %get3A_436] {strides = array<i32>} : memref<128x64xf32, #tpu.memory_space<vmem>>, vector<1x16xf32>,
      %get3A_438 = vector.shape_cast %get3A_437 : vector<1x16xf32> to vector<16xf32>
      %mul3A_439 = arith.mulf %get3A_421, %get3A_438 : vector<16xf32>
      %add3A_440 = arith.addf %mul3A_434, %mul3A_439 : vector<16xf32>
      %get3A_441 = arith.index_cast %scan3A_414 : i32 to index
      %get3A_442 = arith.constant 32 : index
      %get3A_443 = tpu.vector_load %arg16[%get3A_441, %get3A_442] {strides = array<i32>} : memref<128x64xf32, #tpu.memory_space<vmem>>, vector<1x16xf32>,
      %get3A_444 = vector.shape_cast %get3A_443 : vector<1x16xf32> to vector<16xf32>
      %mul3A_445 = arith.mulf %get3A_425, %get3A_444 : vector<16xf32>
      %add3A_446 = arith.addf %add3A_440, %mul3A_445 : vector<16xf32>
      %get3A_447 = arith.index_cast %scan3A_414 : i32 to index
      %get3A_448 = arith.constant 48 : index
      %get3A_449 = tpu.vector_load %arg16[%get3A_447, %get3A_448] {strides = array<i32>} : memref<128x64xf32, #tpu.memory_space<vmem>>, vector<1x16xf32>,
      %get3A_450 = vector.shape_cast %get3A_449 : vector<1x16xf32> to vector<16xf32>
      %mul3A_451 = arith.mulf %get3A_429, %get3A_450 : vector<16xf32>
      %add3A_452 = arith.addf %add3A_446, %mul3A_451 : vector<16xf32>
      %mul3A_453 = arith.constant 6 : i32
      %mul3A_454 = arith.muli %scan3A_414, %mul3A_453 : i32
      %swap3A = arith.index_cast %mul3A_454 : i32 to index
      %swap3A_455 = arith.constant 0 : index
      %swap3A_456 = tpu.vector_load %arg18[%swap3A, %swap3A_455] {strides = array<i32>} : memref<768x16xf32, #tpu.memory_space<vmem>>, vector<1x16xf32>,
      %swap3A_457 = vector.shape_cast %swap3A_456 : vector<1x16xf32> to vector<16xf32>
      %swap3A_458 = vector.shape_cast %add3A_452 : vector<16xf32> to vector<1x16xf32>
      tpu.vector_store %arg18[%swap3A, %swap3A_455], %swap3A_458 {strides = array<i32>} : memref<768x16xf32, #tpu.memory_space<vmem>>, vector<1x16xf32>,
      %mul3A_459 = arith.constant 5 : i32
      %mul3A_460 = arith.muli %scan3A_414, %mul3A_459 : i32
      %add3A_461 = arith.constant 0 : i32
      %add3A_462 = arith.addi %mul3A_460, %add3A_461 : i32
      %get3A_463 = arith.index_cast %add3A_462 : i32 to index
      %get3A_464 = arith.constant 0 : index
      %get3A_465 = tpu.vector_load %arg17[%get3A_463, %get3A_464] {strides = array<i32>} : memref<640x64xf32, #tpu.memory_space<vmem>>, vector<1x16xf32>,
      %get3A_466 = vector.shape_cast %get3A_465 : vector<1x16xf32> to vector<16xf32>
      %mul3A_467 = arith.mulf %get3A_417, %get3A_466 : vector<16xf32>
      %get3A_468 = arith.index_cast %add3A_462 : i32 to index
      %get3A_469 = arith.constant 16 : index
      %get3A_470 = tpu.vector_load %arg17[%get3A_468, %get3A_469] {strides = array<i32>} : memref<640x64xf32, #tpu.memory_space<vmem>>, vector<1x16xf32>,
      %get3A_471 = vector.shape_cast %get3A_470 : vector<1x16xf32> to vector<16xf32>
      %mul3A_472 = arith.mulf %get3A_421, %get3A_471 : vector<16xf32>
      %add3A_473 = arith.addf %mul3A_467, %mul3A_472 : vector<16xf32>
      %get3A_474 = arith.index_cast %add3A_462 : i32 to index
      %get3A_475 = arith.constant 32 : index
      %get3A_476 = tpu.vector_load %arg17[%get3A_474, %get3A_475] {strides = array<i32>} : memref<640x64xf32, #tpu.memory_space<vmem>>, vector<1x16xf32>,
      %get3A_477 = vector.shape_cast %get3A_476 : vector<1x16xf32> to vector<16xf32>
      %mul3A_478 = arith.mulf %get3A_425, %get3A_477 : vector<16xf32>
      %add3A_479 = arith.addf %add3A_473, %mul3A_478 : vector<16xf32>
      %get3A_480 = arith.index_cast %add3A_462 : i32 to index
      %get3A_481 = arith.constant 48 : index
      %get3A_482 = tpu.vector_load %arg17[%get3A_480, %get3A_481] {strides = array<i32>} : memref<640x64xf32, #tpu.memory_space<vmem>>, vector<1x16xf32>,
      %get3A_483 = vector.shape_cast %get3A_482 : vector<1x16xf32> to vector<16xf32>
      %mul3A_484 = arith.mulf %get3A_429, %get3A_483 : vector<16xf32>
      %add3A_485 = arith.addf %add3A_479, %mul3A_484 : vector<16xf32>
      %mul3A_486 = arith.constant 6 : i32
      %mul3A_487 = arith.muli %scan3A_414, %mul3A_486 : i32
      %add3A_488 = arith.constant 1 : i32
      %add3A_489 = arith.addi %mul3A_487, %add3A_488 : i32
      %add3A_490 = arith.constant 0 : i32
      %add3A_491 = arith.addi %add3A_489, %add3A_490 : i32
      %swap3A_492 = arith.index_cast %add3A_491 : i32 to index
      %swap3A_493 = arith.constant 0 : index
      %swap3A_494 = tpu.vector_load %arg18[%swap3A_492, %swap3A_493] {strides = array<i32>} : memref<768x16xf32, #tpu.memory_space<vmem>>, vector<1x16xf32>,
      %swap3A_495 = vector.shape_cast %swap3A_494 : vector<1x16xf32> to vector<16xf32>
      %swap3A_496 = vector.shape_cast %add3A_485 : vector<16xf32> to vector<1x16xf32>
      tpu.vector_store %arg18[%swap3A_492, %swap3A_493], %swap3A_496 {strides = array<i32>} : memref<768x16xf32, #tpu.memory_space<vmem>>, vector<1x16xf32>,
      %mul3A_497 = arith.constant 5 : i32
      %mul3A_498 = arith.muli %scan3A_414, %mul3A_497 : i32
      %add3A_499 = arith.constant 1 : i32
      %add3A_500 = arith.addi %mul3A_498, %add3A_499 : i32
      %get3A_501 = arith.index_cast %add3A_500 : i32 to index
      %get3A_502 = arith.constant 0 : index
      %get3A_503 = tpu.vector_load %arg17[%get3A_501, %get3A_502] {strides = array<i32>} : memref<640x64xf32, #tpu.memory_space<vmem>>, vector<1x16xf32>,
      %get3A_504 = vector.shape_cast %get3A_503 : vector<1x16xf32> to vector<16xf32>
      %mul3A_505 = arith.mulf %get3A_417, %get3A_504 : vector<16xf32>
      %get3A_506 = arith.index_cast %add3A_500 : i32 to index
      %get3A_507 = arith.constant 16 : index
      %get3A_508 = tpu.vector_load %arg17[%get3A_506, %get3A_507] {strides = array<i32>} : memref<640x64xf32, #tpu.memory_space<vmem>>, vector<1x16xf32>,
      %get3A_509 = vector.shape_cast %get3A_508 : vector<1x16xf32> to vector<16xf32>
      %mul3A_510 = arith.mulf %get3A_421, %get3A_509 : vector<16xf32>
      %add3A_511 = arith.addf %mul3A_505, %mul3A_510 : vector<16xf32>
      %get3A_512 = arith.index_cast %add3A_500 : i32 to index
      %get3A_513 = arith.constant 32 : index
      %get3A_514 = tpu.vector_load %arg17[%get3A_512, %get3A_513] {strides = array<i32>} : memref<640x64xf32, #tpu.memory_space<vmem>>, vector<1x16xf32>,
      %get3A_515 = vector.shape_cast %get3A_514 : vector<1x16xf32> to vector<16xf32>
      %mul3A_516 = arith.mulf %get3A_425, %get3A_515 : vector<16xf32>
      %add3A_517 = arith.addf %add3A_511, %mul3A_516 : vector<16xf32>
      %get3A_518 = arith.index_cast %add3A_500 : i32 to index
      %get3A_519 = arith.constant 48 : index
      %get3A_520 = tpu.vector_load %arg17[%get3A_518, %get3A_519] {strides = array<i32>} : memref<640x64xf32, #tpu.memory_space<vmem>>, vector<1x16xf32>,
      %get3A_521 = vector.shape_cast %get3A_520 : vector<1x16xf32> to vector<16xf32>
      %mul3A_522 = arith.mulf %get3A_429, %get3A_521 : vector<16xf32>
      %add3A_523 = arith.addf %add3A_517, %mul3A_522 : vector<16xf32>
      %mul3A_524 = arith.constant 6 : i32
      %mul3A_525 = arith.muli %scan3A_414, %mul3A_524 : i32
      %add3A_526 = arith.constant 1 : i32
      %add3A_527 = arith.addi %mul3A_525, %add3A_526 : i32
      %add3A_528 = arith.constant 1 : i32
      %add3A_529 = arith.addi %add3A_527, %add3A_528 : i32
      %swap3A_530 = arith.index_cast %add3A_529 : i32 to index
      %swap3A_531 = arith.constant 0 : index
      %swap3A_532 = tpu.vector_load %arg18[%swap3A_530, %swap3A_531] {strides = array<i32>} : memref<768x16xf32, #tpu.memory_space<vmem>>, vector<1x16xf32>,
      %swap3A_533 = vector.shape_cast %swap3A_532 : vector<1x16xf32> to vector<16xf32>
      %swap3A_534 = vector.shape_cast %add3A_523 : vector<16xf32> to vector<1x16xf32>
      tpu.vector_store %arg18[%swap3A_530, %swap3A_531], %swap3A_534 {strides = array<i32>} : memref<768x16xf32, #tpu.memory_space<vmem>>, vector<1x16xf32>,
      %mul3A_535 = arith.constant 5 : i32
      %mul3A_536 = arith.muli %scan3A_414, %mul3A_535 : i32
      %add3A_537 = arith.constant 2 : i32
      %add3A_538 = arith.addi %mul3A_536, %add3A_537 : i32
      %get3A_539 = arith.index_cast %add3A_538 : i32 to index
      %get3A_540 = arith.constant 0 : index
      %get3A_541 = tpu.vector_load %arg17[%get3A_539, %get3A_540] {strides = array<i32>} : memref<640x64xf32, #tpu.memory_space<vmem>>, vector<1x16xf32>,
      %get3A_542 = vector.shape_cast %get3A_541 : vector<1x16xf32> to vector<16xf32>
      %mul3A_543 = arith.mulf %get3A_417, %get3A_542 : vector<16xf32>
      %get3A_544 = arith.index_cast %add3A_538 : i32 to index
      %get3A_545 = arith.constant 16 : index
      %get3A_546 = tpu.vector_load %arg17[%get3A_544, %get3A_545] {strides = array<i32>} : memref<640x64xf32, #tpu.memory_space<vmem>>, vector<1x16xf32>,
      %get3A_547 = vector.shape_cast %get3A_546 : vector<1x16xf32> to vector<16xf32>
      %mul3A_548 = arith.mulf %get3A_421, %get3A_547 : vector<16xf32>
      %add3A_549 = arith.addf %mul3A_543, %mul3A_548 : vector<16xf32>
      %get3A_550 = arith.index_cast %add3A_538 : i32 to index
      %get3A_551 = arith.constant 32 : index
      %get3A_552 = tpu.vector_load %arg17[%get3A_550, %get3A_551] {strides = array<i32>} : memref<640x64xf32, #tpu.memory_space<vmem>>, vector<1x16xf32>,
      %get3A_553 = vector.shape_cast %get3A_552 : vector<1x16xf32> to vector<16xf32>
      %mul3A_554 = arith.mulf %get3A_425, %get3A_553 : vector<16xf32>
      %add3A_555 = arith.addf %add3A_549, %mul3A_554 : vector<16xf32>
      %get3A_556 = arith.index_cast %add3A_538 : i32 to index
      %get3A_557 = arith.constant 48 : index
      %get3A_558 = tpu.vector_load %arg17[%get3A_556, %get3A_557] {strides = array<i32>} : memref<640x64xf32, #tpu.memory_space<vmem>>, vector<1x16xf32>,
      %get3A_559 = vector.shape_cast %get3A_558 : vector<1x16xf32> to vector<16xf32>
      %mul3A_560 = arith.mulf %get3A_429, %get3A_559 : vector<16xf32>
      %add3A_561 = arith.addf %add3A_555, %mul3A_560 : vector<16xf32>
      %mul3A_562 = arith.constant 6 : i32
      %mul3A_563 = arith.muli %scan3A_414, %mul3A_562 : i32
      %add3A_564 = arith.constant 1 : i32
      %add3A_565 = arith.addi %mul3A_563, %add3A_564 : i32
      %add3A_566 = arith.constant 2 : i32
      %add3A_567 = arith.addi %add3A_565, %add3A_566 : i32
      %swap3A_568 = arith.index_cast %add3A_567 : i32 to index
      %swap3A_569 = arith.constant 0 : index
      %swap3A_570 = tpu.vector_load %arg18[%swap3A_568, %swap3A_569] {strides = array<i32>} : memref<768x16xf32, #tpu.memory_space<vmem>>, vector<1x16xf32>,
      %swap3A_571 = vector.shape_cast %swap3A_570 : vector<1x16xf32> to vector<16xf32>
      %swap3A_572 = vector.shape_cast %add3A_561 : vector<16xf32> to vector<1x16xf32>
      tpu.vector_store %arg18[%swap3A_568, %swap3A_569], %swap3A_572 {strides = array<i32>} : memref<768x16xf32, #tpu.memory_space<vmem>>, vector<1x16xf32>,
      %mul3A_573 = arith.constant 5 : i32
      %mul3A_574 = arith.muli %scan3A_414, %mul3A_573 : i32
      %add3A_575 = arith.constant 3 : i32
      %add3A_576 = arith.addi %mul3A_574, %add3A_575 : i32
      %get3A_577 = arith.index_cast %add3A_576 : i32 to index
      %get3A_578 = arith.constant 0 : index
      %get3A_579 = tpu.vector_load %arg17[%get3A_577, %get3A_578] {strides = array<i32>} : memref<640x64xf32, #tpu.memory_space<vmem>>, vector<1x16xf32>,
      %get3A_580 = vector.shape_cast %get3A_579 : vector<1x16xf32> to vector<16xf32>
      %mul3A_581 = arith.mulf %get3A_417, %get3A_580 : vector<16xf32>
      %get3A_582 = arith.index_cast %add3A_576 : i32 to index
      %get3A_583 = arith.constant 16 : index
      %get3A_584 = tpu.vector_load %arg17[%get3A_582, %get3A_583] {strides = array<i32>} : memref<640x64xf32, #tpu.memory_space<vmem>>, vector<1x16xf32>,
      %get3A_585 = vector.shape_cast %get3A_584 : vector<1x16xf32> to vector<16xf32>
      %mul3A_586 = arith.mulf %get3A_421, %get3A_585 : vector<16xf32>
      %add3A_587 = arith.addf %mul3A_581, %mul3A_586 : vector<16xf32>
      %get3A_588 = arith.index_cast %add3A_576 : i32 to index
      %get3A_589 = arith.constant 32 : index
      %get3A_590 = tpu.vector_load %arg17[%get3A_588, %get3A_589] {strides = array<i32>} : memref<640x64xf32, #tpu.memory_space<vmem>>, vector<1x16xf32>,
      %get3A_591 = vector.shape_cast %get3A_590 : vector<1x16xf32> to vector<16xf32>
      %mul3A_592 = arith.mulf %get3A_425, %get3A_591 : vector<16xf32>
      %add3A_593 = arith.addf %add3A_587, %mul3A_592 : vector<16xf32>
      %get3A_594 = arith.index_cast %add3A_576 : i32 to index
      %get3A_595 = arith.constant 48 : index
      %get3A_596 = tpu.vector_load %arg17[%get3A_594, %get3A_595] {strides = array<i32>} : memref<640x64xf32, #tpu.memory_space<vmem>>, vector<1x16xf32>,
      %get3A_597 = vector.shape_cast %get3A_596 : vector<1x16xf32> to vector<16xf32>
      %mul3A_598 = arith.mulf %get3A_429, %get3A_597 : vector<16xf32>
      %add3A_599 = arith.addf %add3A_593, %mul3A_598 : vector<16xf32>
      %mul3A_600 = arith.constant 6 : i32
      %mul3A_601 = arith.muli %scan3A_414, %mul3A_600 : i32
      %add3A_602 = arith.constant 1 : i32
      %add3A_603 = arith.addi %mul3A_601, %add3A_602 : i32
      %add3A_604 = arith.constant 3 : i32
      %add3A_605 = arith.addi %add3A_603, %add3A_604 : i32
      %swap3A_606 = arith.index_cast %add3A_605 : i32 to index
      %swap3A_607 = arith.constant 0 : index
      %swap3A_608 = tpu.vector_load %arg18[%swap3A_606, %swap3A_607] {strides = array<i32>} : memref<768x16xf32, #tpu.memory_space<vmem>>, vector<1x16xf32>,
      %swap3A_609 = vector.shape_cast %swap3A_608 : vector<1x16xf32> to vector<16xf32>
      %swap3A_610 = vector.shape_cast %add3A_599 : vector<16xf32> to vector<1x16xf32>
      tpu.vector_store %arg18[%swap3A_606, %swap3A_607], %swap3A_610 {strides = array<i32>} : memref<768x16xf32, #tpu.memory_space<vmem>>, vector<1x16xf32>,
      %mul3A_611 = arith.constant 5 : i32
      %mul3A_612 = arith.muli %scan3A_414, %mul3A_611 : i32
      %add3A_613 = arith.constant 4 : i32
      %add3A_614 = arith.addi %mul3A_612, %add3A_613 : i32
      %get3A_615 = arith.index_cast %add3A_614 : i32 to index
      %get3A_616 = arith.constant 0 : index
      %get3A_617 = tpu.vector_load %arg17[%get3A_615, %get3A_616] {strides = array<i32>} : memref<640x64xf32, #tpu.memory_space<vmem>>, vector<1x16xf32>,
      %get3A_618 = vector.shape_cast %get3A_617 : vector<1x16xf32> to vector<16xf32>
      %mul3A_619 = arith.mulf %get3A_417, %get3A_618 : vector<16xf32>
      %get3A_620 = arith.index_cast %add3A_614 : i32 to index
      %get3A_621 = arith.constant 16 : index
      %get3A_622 = tpu.vector_load %arg17[%get3A_620, %get3A_621] {strides = array<i32>} : memref<640x64xf32, #tpu.memory_space<vmem>>, vector<1x16xf32>,
      %get3A_623 = vector.shape_cast %get3A_622 : vector<1x16xf32> to vector<16xf32>
      %mul3A_624 = arith.mulf %get3A_421, %get3A_623 : vector<16xf32>
      %add3A_625 = arith.addf %mul3A_619, %mul3A_624 : vector<16xf32>
      %get3A_626 = arith.index_cast %add3A_614 : i32 to index
      %get3A_627 = arith.constant 32 : index
      %get3A_628 = tpu.vector_load %arg17[%get3A_626, %get3A_627] {strides = array<i32>} : memref<640x64xf32, #tpu.memory_space<vmem>>, vector<1x16xf32>,
      %get3A_629 = vector.shape_cast %get3A_628 : vector<1x16xf32> to vector<16xf32>
      %mul3A_630 = arith.mulf %get3A_425, %get3A_629 : vector<16xf32>
      %add3A_631 = arith.addf %add3A_625, %mul3A_630 : vector<16xf32>
      %get3A_632 = arith.index_cast %add3A_614 : i32 to index
      %get3A_633 = arith.constant 48 : index
      %get3A_634 = tpu.vector_load %arg17[%get3A_632, %get3A_633] {strides = array<i32>} : memref<640x64xf32, #tpu.memory_space<vmem>>, vector<1x16xf32>,
      %get3A_635 = vector.shape_cast %get3A_634 : vector<1x16xf32> to vector<16xf32>
      %mul3A_636 = arith.mulf %get3A_429, %get3A_635 : vector<16xf32>
      %add3A_637 = arith.addf %add3A_631, %mul3A_636 : vector<16xf32>
      %mul3A_638 = arith.constant 6 : i32
      %mul3A_639 = arith.muli %scan3A_414, %mul3A_638 : i32
      %add3A_640 = arith.constant 1 : i32
      %add3A_641 = arith.addi %mul3A_639, %add3A_640 : i32
      %add3A_642 = arith.constant 4 : i32
      %add3A_643 = arith.addi %add3A_641, %add3A_642 : i32
      %swap3A_644 = arith.index_cast %add3A_643 : i32 to index
      %swap3A_645 = arith.constant 0 : index
      %swap3A_646 = tpu.vector_load %arg18[%swap3A_644, %swap3A_645] {strides = array<i32>} : memref<768x16xf32, #tpu.memory_space<vmem>>, vector<1x16xf32>,
      %swap3A_647 = vector.shape_cast %swap3A_646 : vector<1x16xf32> to vector<16xf32>
      %swap3A_648 = vector.shape_cast %add3A_637 : vector<16xf32> to vector<1x16xf32>
      tpu.vector_store %arg18[%swap3A_644, %swap3A_645], %swap3A_648 {strides = array<i32>} : memref<768x16xf32, #tpu.memory_space<vmem>>, vector<1x16xf32>,
    }
    %scan3A_411 = arith.constant 128 : i32
    %mul3A_412 = arith.constant 6 : i32
    %mul3A_413 = arith.muli %add3A_313, %mul3A_412 : i32
    "tpu.region"() ({
      %run_scoped3A = tpu.sem_alloc : memref<!tpu.dma_semaphore, #tpu.memory_space<semaphore_mem>>
      %dma_start3A_414 = arith.constant 0 : i32
      %dma_start3A_415 = tpu.memref_slice %arg7[%mul3A_413, %dma_start3A_414] : memref<98304x16xf32, #tpu.memory_space<hbm>> -> memref<768x16xf32, #tpu.memory_space<hbm>>
      %dma_start3A_416 = arith.constant 0 : i32
      %dma_start3A_417 = tpu.memref_slice %arg7[%mul3A_413, %dma_start3A_416] : memref<98304x16xf32, #tpu.memory_space<hbm>> -> memref<768x16xf32, #tpu.memory_space<hbm>>
      tpu.enqueue_dma source(%arg18 : memref<768x16xf32, #tpu.memory_space<vmem>>) target(%dma_start3A_417 : memref<768x16xf32, #tpu.memory_space<hbm>>) target_semaphore(%run_scoped3A : memref<!tpu.dma_semaphore, #tpu.memory_space<semaphore_mem>>)
      %dma_wait3A_418 = arith.constant 0 : i32
      %dma_wait3A_419 = tpu.memref_slice %arg7[%mul3A_413, %dma_wait3A_418] : memref<98304x16xf32, #tpu.memory_space<hbm>> -> memref<768x16xf32, #tpu.memory_space<hbm>>
      %dma_wait3A_420 = arith.constant 0 : i32
      %dma_wait3A_421 = tpu.memref_slice %arg7[%mul3A_413, %dma_wait3A_420] : memref<98304x16xf32, #tpu.memory_space<hbm>> -> memref<768x16xf32, #tpu.memory_space<hbm>>
      tpu.wait_dma2 semaphore(%run_scoped3A : memref<!tpu.dma_semaphore, #tpu.memory_space<semaphore_mem>>) src(%arg18 : memref<768x16xf32, #tpu.memory_space<vmem>>) dst(%dma_wait3A_421 : memref<768x16xf32, #tpu.memory_space<hbm>>)
      tpu.yield
    }) : () -> ()
    return
  }
}

module attributes {stable_mosaic.version = 14 : i64} {
  func.func @body(%arg0: memref<12288x128xf32, #tpu.memory_space<vmem>>, %arg1: memref<1x1xf32, #tpu.memory_space<vmem>>) attributes {dimension_semantics = [], scalar_prefetch = 0 : i64, scratch_operands = 0 : i64, tpu.core_type = #tpu.core_type<tc>} {
    %get3A = arith.constant 0 : index
    %get3A_0 = arith.constant 0 : index
    %get3A_1 = vector.load %arg0[%get3A, %get3A_0] : memref<12288x128xf32, #tpu.memory_space<vmem>>, vector<12288x128xf32>
    %iota3A = tpu.iota {dimensions = array<i32: 0>} : vector<128x8xi32>
    %iota3A_2 = tpu.iota {dimensions = array<i32: 1>} : vector<128x8xi32>
    %jit3A = arith.constant 16 : i32
    %div3A = vector.broadcast %jit3A : i32 to vector<128x8xi32>
    %div3A_3 = arith.divsi %iota3A, %div3A : vector<128x8xi32>
    %sign3A = arith.constant 0 : i32
    %sign3A_4 = vector.broadcast %sign3A : i32 to vector<128x8xi32>
    %sign3A_5 = arith.cmpi sgt, %iota3A, %sign3A_4 : vector<128x8xi32>
    %sign3A_6 = arith.extui %sign3A_5 : vector<128x8xi1> to vector<128x8xi32>
    %sign3A_7 = arith.constant 0 : i32
    %sign3A_8 = vector.broadcast %sign3A_7 : i32 to vector<128x8xi32>
    %sign3A_9 = arith.cmpi slt, %iota3A, %sign3A_8 : vector<128x8xi32>
    %sign3A_10 = arith.extui %sign3A_9 : vector<128x8xi1> to vector<128x8xi32>
    %sign3A_11 = arith.subi %sign3A_6, %sign3A_10 : vector<128x8xi32>
    %sign3A_12 = arith.constant 0 : i32
    %sign3A_13 = arith.cmpi sgt, %jit3A, %sign3A_12 : i32
    %sign3A_14 = arith.extui %sign3A_13 : i1 to i32
    %sign3A_15 = arith.constant 0 : i32
    %sign3A_16 = arith.cmpi slt, %jit3A, %sign3A_15 : i32
    %sign3A_17 = arith.extui %sign3A_16 : i1 to i32
    %sign3A_18 = arith.subi %sign3A_14, %sign3A_17 : i32
    %ne3A = vector.broadcast %sign3A_18 : i32 to vector<128x8xi32>
    %ne3A_19 = arith.cmpi ne, %sign3A_11, %ne3A : vector<128x8xi32>
    %rem3A = vector.broadcast %jit3A : i32 to vector<128x8xi32>
    %rem3A_20 = arith.remsi %iota3A, %rem3A : vector<128x8xi32>
    %ne3A_21 = arith.constant 0 : i32
    %ne3A_22 = vector.broadcast %ne3A_21 : i32 to vector<128x8xi32>
    %ne3A_23 = arith.cmpi ne, %rem3A_20, %ne3A_22 : vector<128x8xi32>
    %and3A = arith.andi %ne3A_19, %ne3A_23 : vector<128x8xi1>
    %sub3A = arith.constant 1 : i32
    %sub3A_24 = vector.broadcast %sub3A : i32 to vector<128x8xi32>
    %sub3A_25 = arith.subi %div3A_3, %sub3A_24 : vector<128x8xi32>
    %select_n3A = arith.select %and3A, %sub3A_25, %div3A_3 : vector<128x8xi1>, vector<128x8xi32>
    %eq3A = arith.cmpi eq, %select_n3A, %iota3A_2 : vector<128x8xi32>
    %convert_element_type3A = arith.extui %eq3A : vector<128x8xi1> to vector<128x8xi32>
    %convert_element_type3A_26 = arith.sitofp %convert_element_type3A : vector<128x8xi32> to vector<128x8xf32>
    %dot_general3A = arith.constant dense<0.000000e+00> : vector<12288x8xf32>
    %dot_general3A_27 = tpu.matmul %get3A_1, %convert_element_type3A_26, %dot_general3A {dimension_numbers = #tpu.dot_dimension_numbers<[1], [0], [0], [1], [0, 0, 1, 1], [], []>, transpose_lhs_hint = false} : vector<12288x128xf32>, vector<128x8xf32>, vector<12288x8xf32> -> vector<12288x8xf32>
    %iota3A_28 = tpu.iota {dimensions = array<i32: 0>} : vector<12288x8xi32>
    %iota3A_29 = tpu.iota {dimensions = array<i32: 1>} : vector<12288x8xi32>
    %mul3A = arith.constant 8 : i32
    %mul3A_30 = vector.broadcast %mul3A : i32 to vector<12288x8xi32>
    %mul3A_31 = arith.muli %iota3A_28, %mul3A_30 : vector<12288x8xi32>
    %add3A = arith.addi %mul3A_31, %iota3A_29 : vector<12288x8xi32>
    %jit3A_32 = arith.constant 6 : i32
    %eq3A_33 = arith.constant 0 : i32
    %eq3A_34 = arith.cmpi eq, %jit3A_32, %eq3A_33 : i32
    %jit3A_35 = arith.constant 1 : i32
    %select_n3A_36 = arith.select %eq3A_34, %jit3A_35, %jit3A_32 : i32
    %rem3A_37 = vector.broadcast %select_n3A_36 : i32 to vector<12288x8xi32>
    %rem3A_38 = arith.remsi %add3A, %rem3A_37 : vector<12288x8xi32>
    %ne3A_39 = arith.constant 0 : i32
    %ne3A_40 = vector.broadcast %ne3A_39 : i32 to vector<12288x8xi32>
    %ne3A_41 = arith.cmpi ne, %rem3A_38, %ne3A_40 : vector<12288x8xi32>
    %lt3A = arith.constant 0 : i32
    %lt3A_42 = vector.broadcast %lt3A : i32 to vector<12288x8xi32>
    %lt3A_43 = arith.cmpi slt, %rem3A_38, %lt3A_42 : vector<12288x8xi32>
    %lt3A_44 = arith.constant 0 : i32
    %lt3A_45 = arith.cmpi slt, %select_n3A_36, %lt3A_44 : i32
    %ne3A_46 = vector.broadcast %lt3A_45 : i1 to vector<12288x8xi1>
    %ne3A_47 = vector.broadcast %ne3A_46 : vector<12288x8xi1> to vector<12288x8xi1>
    %ne3A_48 = arith.xori %lt3A_43, %ne3A_47 : vector<12288x8xi1>
    %and3A_49 = arith.andi %ne3A_48, %ne3A_41 : vector<12288x8xi1>
    %add3A_50 = vector.broadcast %select_n3A_36 : i32 to vector<12288x8xi32>
    %add3A_51 = arith.addi %rem3A_38, %add3A_50 : vector<12288x8xi32>
    %select_n3A_52 = arith.select %and3A_49, %add3A_51, %rem3A_38 : vector<12288x8xi1>, vector<12288x8xi32>
    %eq3A_53 = arith.constant 0 : i32
    %eq3A_54 = vector.broadcast %eq3A_53 : i32 to vector<12288x8xi32>
    %eq3A_55 = arith.cmpi eq, %select_n3A_52, %eq3A_54 : vector<12288x8xi32>
    %neg3A = arith.constant 0.000000e+00 : f32
    %neg3A_56 = vector.broadcast %neg3A : f32 to vector<12288x8xf32>
    %neg3A_57 = arith.subf %neg3A_56, %dot_general3A_27 : vector<12288x8xf32>
    %select_n3A_58 = arith.select %eq3A_55, %dot_general3A_27, %neg3A_57 : vector<12288x8xi1>, vector<12288x8xf32>
    %min3A = arith.constant 0.000000e+00 : f32
    %min3A_59 = vector.broadcast %min3A : f32 to vector<12288x8xf32>
    %min3A_60 = arith.minimumf %select_n3A_58, %min3A_59 : vector<12288x8xf32>
    %abs3A = math.absf %select_n3A_58 : vector<12288x8xf32>
    %neg3A_61 = arith.constant 0.000000e+00 : f32
    %neg3A_62 = vector.broadcast %neg3A_61 : f32 to vector<12288x8xf32>
    %neg3A_63 = arith.subf %neg3A_62, %abs3A : vector<12288x8xf32>
    %exp3A = math.exp %neg3A_63 : vector<12288x8xf32>
    %add3A_64 = arith.constant 1.000000e+00 : f32
    %add3A_65 = vector.broadcast %add3A_64 : f32 to vector<12288x8xf32>
    %add3A_66 = arith.addf %add3A_65, %exp3A : vector<12288x8xf32>
    %log3A = math.log %add3A_66 : vector<12288x8xf32>
    %sub3A_67 = arith.subf %min3A_60, %log3A : vector<12288x8xf32>
    %broadcast_in_dim3A = arith.constant 0.000000e+00 : f32
    %broadcast_in_dim3A_68 = vector.broadcast %broadcast_in_dim3A : f32 to vector<1x1xf32>
    %reduce_sum3A = vector.shape_cast %sub3A_67 : vector<12288x8xf32> to vector<1x12288x8xf32>
    %reduce_sum3A_69 = arith.constant dense<0.000000e+00> : vector<1xf32>
    %reduce_sum3A_70 = vector.multi_reduction <add>, %reduce_sum3A, %reduce_sum3A_69 [1, 2] : vector<1x12288x8xf32> to vector<1xf32>
    %reduce_sum3A_71 = vector.shape_cast %reduce_sum3A_70 : vector<1xf32> to vector<1x1x1xf32>
    %reduce_sum3A_72 = vector.extract %reduce_sum3A_71[0, 0, 0] : f32 from vector<1x1x1xf32>
    %div3A_73 = arith.constant 1.638400e+04 : f32
    %div3A_74 = arith.divf %reduce_sum3A_72, %div3A_73 : f32
    %sub3A_75 = vector.broadcast %div3A_74 : f32 to vector<1x1xf32>
    %sub3A_76 = arith.subf %broadcast_in_dim3A_68, %sub3A_75 : vector<1x1xf32>
    %swap3A = arith.constant 0 : index
    %swap3A_77 = arith.constant 0 : index
    %swap3A_78 = vector.load %arg1[%swap3A, %swap3A_77] : memref<1x1xf32, #tpu.memory_space<vmem>>, vector<1x1xf32>
    tpu.vector_store %arg1[%swap3A, %swap3A_77], %sub3A_76 {strides = array<i32>} : memref<1x1xf32, #tpu.memory_space<vmem>>, vector<1x1xf32>,
    return
  }
}

</mosaic_0001>

<sc_bundles>
// kernel: kernel.4.cloned.1.call-start
scs
__scs_entry_jumppad:
0x0: {  	(pc) =	sbr.rel $0x88, $3  }
0x1: {  	(tag) =	ssettag $0x0;
	lr =	simm.s32 $0x1  }
0x2: {  	[smem:$0x3F9D] =	sst lr;
	_ =	strace $0xD0000000  }
0x3: {  	_ = 	snop  }
0x4: {  	_ = 	snop  }
0x5: {  	_ = 	snop  }
0x6: {  	_ = 	snop  }
0x7: {  	_ = 	snop  }
__scs_overlays_trampoline_lowered:
0x8: {  	[smem:$0x3FAC] =	sst s0  }
0x9: {  	[smem:$0x3FAD] =	sst s1  }
0xa: {  	[smem:$0x3FAE] =	sst s2  }
0xb: {  	[smem:$0x3FAF] =	sst s3  }
0xc: {  	[smem:$0x3FB0] =	sst s4  }
0xd: {  	[smem:$0x3FB1] =	sst s5  }
0xe: {  	[smem:$0x3FB2] =	sst s6  }
0xf: {  	[smem:$0x3FB3] =	sst s7  }
0x10: {  	[smem:$0x3FB4] =	sst s8  }
0x11: {  	[smem:$0x3FB5] =	sst s9;
	s0 =	simm.s32 @!p0 $0x0  }
0x12: {  	s1 =	sld [smem:$0x3F9B];
	s0 =	simm.s32 @p0 $0x1  }
0x13: {  	[smem:$0x3FB6] =	sst s0;
	s0 =	simm.s32 @!p1 $0x0  }
0x14: {  	s2 =	sld [smem:$0x3F9A];
	s0 =	simm.s32 @p1 $0x1  }
0x15: {  	[smem:$0x3FB7] =	sst s0;
	s0 =	simm.s32 @!p2 $0x0  }
0x16: {  	s3 =	sld [smem:$0x3FDB];
	s0 =	simm.s32 @p2 $0x1  }
0x17: {  	s4 =	simm.s32 $0x1BF5;
	[smem:$0x3FB9] =	sst s0  }
0x18: {  	s0 =	sld [smem:$0x3F9C];
	_ =	swait.ge [sflag:s4], $0x0  }
0x19: {  	s7 =	sld [smem:$0x3F9D]  }
0x1a: {  	s8 =	sadd.s32 $0xFFFFE003, lr  }
0x1b: {  	s9 =	sadd.s32 $0xFFFFFEF7, lr;
	s5 =	simm.s32 $0xFFFFFFFF;
	p2 =	slt.u32 s8, $0xFFFFF086  }
0x1c: {  	p1 =	slt.u32 s9, $0xF7A;
	s5 =	simm.s32 @!p2 $0x0  }
0x1d: {  	s5 =	simm.s32 @p1 $0x1;
	p0 =	seq.s32 s7, s2  }
0x1e: {  	s7 =	smul.u32 @!p0 $0xF7A, s2;
	p2 =	seq.s32 @!p0 s5, $0x0  }
0x1f: {  	s9 =	smul.u32 $0xF7A, s1;
	s8 =	simm.s32 @!p0 $0x1BF5;
	p2 =	por !p2, p0  }
0x20: {  	[sflag:s8] =	ssyncset.s32 @!p0 $0xFFFFF086;
	s6 =	sadd.s32 @!p0 s3, s7;
	s7 =	simm.s32 @!p0 $0x108  }
0x21: {  	s3 =	sadd.s32 s3, s9;
	s6 =	sadd.s32 @!p0 $0x88, s6;
	s7 =	simm.s32 @p2 $0x1082  }
0x22: {  	[simem:s7], [sflag:s8] =	dma.local @!p0 [hbm:s6], $0xF7A  }
0x23: {  	s9 =	sor.u32 $0xD0000000, s2;
	s6 =	simm.s32 $0x108;
	_ =	swait.ge @!p0 [sflag:s8], $0x0  }
0x24: {  	s3 =	sadd.s32 $0x88, s3;
	s6 =	simm.s32 @!p1 $0x1082;
	[sflag:s4] =	ssyncset.s32 $0xFFFFF086  }
0x25: {  	[simem:s6], [sflag:s4] =	dma.local [hbm:s3], $0xF7A  }
0x26: {  	[smem:$0x3F9D] =	sst s1;
	(tag) =	ssettag s2;
	_ =	strace s9  }
0x27: {  	s1 =	sld [smem:$0x3FAD]  }
0x28: {  	s2 =	sld [smem:$0x3FAE]  }
0x29: {  	s4 =	sld [smem:$0x3FB0]  }
0x2a: {  	p0 =	seq.s32 s5, $0x0;
	s5 =	sld [smem:$0x3FB1]  }
0x2b: {  	s6 =	sld [smem:$0x3FB2]  }
0x2c: {  	s7 =	sld [smem:$0x3FB3]  }
0x2d: {  	s3 =	simm.s32 $0x108;
	s8 =	sld [smem:$0x3FB4]  }
0x2e: {  	s3 =	simm.s32 @!p0 $0x1082;
	s9 =	sld [smem:$0x3FB5]  }
0x2f: {  	lr =	sadd.s32 s0, s3;
	s0 =	sld [smem:$0x3FAC]  }
0x30: {  	s3 =	sld [smem:$0x3FAF]  }
0x31: {  	[smem:$0x3FB8] =	sst s10  }
0x32: {  	s10 =	sld [smem:$0x3FB6];
	_ =	sdelay $0x3  }
0x33: {  	p0 =	seq.s32 s10, $0x1;
	s10 =	sld [smem:$0x3FB8];
	_ =	sdelay $0x3  }
0x34: {  	[smem:$0x3FB8] =	sst s10  }
0x35: {  	s10 =	sld [smem:$0x3FB7];
	_ =	sdelay $0x3  }
0x36: {  	p1 =	seq.s32 s10, $0x1;
	s10 =	sld [smem:$0x3FB8];
	_ =	sdelay $0x3  }
0x37: {  	[smem:$0x3FB8] =	sst s10  }
0x38: {  	s10 =	sld [smem:$0x3FB9]  }
0x39: {  	_ = 	snop;
	(pc) =	sbr.ind lr, $3  }
0x3a: {  	_ = 	snop  }
0x3b: {  	_ = 	snop  }
0x3c: {  	p2 =	seq.s32 s10, $0x1;
	s10 =	sld [smem:$0x3FB8]  }
0x3d: {  	_ =	shalt  }
0x3e: {  	_ =	shalt  }
0x3f: {  	_ =	shalt  }
0x40: {  	_ =	shalt  }
0x41: {  	_ =	shalt  }
0x42: {  	_ =	shalt  }
0x43: {  	_ =	shalt  }
0x44: {  	_ =	shalt  }
0x45: {  	_ =	shalt  }
0x46: {  	_ =	shalt  }
0x47: {  	_ =	shalt  }
0x48: {  	_ =	shalt  }
0x49: {  	_ =	shalt  }
0x4a: {  	_ =	shalt  }
0x4b: {  	_ =	shalt  }
0x4c: {  	_ =	shalt  }
0x4d: {  	_ =	shalt  }
0x4e: {  	_ =	shalt  }
0x4f: {  	_ =	shalt  }
0x50: {  	_ =	shalt  }
0x51: {  	_ =	shalt  }
0x52: {  	_ =	shalt  }
0x53: {  	_ =	shalt  }
0x54: {  	_ =	shalt  }
0x55: {  	_ =	shalt  }
0x56: {  	_ =	shalt  }
0x57: {  	_ =	shalt  }
0x58: {  	_ =	shalt  }
0x59: {  	_ =	shalt  }
0x5a: {  	_ =	shalt  }
0x5b: {  	_ =	shalt  }
0x5c: {  	_ =	shalt  }
0x5d: {  	_ =	shalt  }
0x5e: {  	_ =	shalt  }
0x5f: {  	_ =	shalt  }
0x60: {  	_ =	shalt  }
0x61: {  	_ =	shalt  }
0x62: {  	_ =	shalt  }
0x63: {  	_ =	shalt  }
0x64: {  	_ =	shalt  }
0x65: {  	_ =	shalt  }
0x66: {  	_ =	shalt  }
0x67: {  	_ =	shalt  }
0x68: {  	_ =	shalt  }
0x69: {  	_ =	shalt  }
0x6a: {  	_ =	shalt  }
0x6b: {  	_ =	shalt  }
0x6c: {  	_ =	shalt  }
0x6d: {  	_ =	shalt  }
0x6e: {  	_ =	shalt  }
0x6f: {  	_ =	shalt  }
0x70: {  	_ =	shalt  }
0x71: {  	_ =	shalt  }
0x72: {  	_ =	shalt  }
0x73: {  	_ =	shalt  }
0x74: {  	_ =	shalt  }
0x75: {  	_ =	shalt  }
0x76: {  	_ =	shalt  }
0x77: {  	_ =	shalt  }
0x78: {  	_ =	shalt  }
0x79: {  	_ =	shalt  }
0x7a: {  	_ =	shalt  }
0x7b: {  	_ =	shalt  }
0x7c: {  	_ =	shalt  }
0x7d: {  	_ =	shalt  }
0x7e: {  	_ =	shalt  }
0x7f: {  	_ =	shalt  }
0x80: {  	_ =	shalt  }
0x81: {  	_ =	shalt  }
0x82: {  	_ =	shalt  }
0x83: {  	_ =	shalt  }
0x84: {  	_ =	shalt  }
0x85: {  	_ =	shalt  }
0x86: {  	_ =	shalt  }
0x87: {  	_ =	shalt  }
.Lfunc_end0:
.L_simem_size_0:
called_computation_lowered:
.L_overlay_start_0:
0x88: {  	s2 =	sld [smem:$0x3FD9]  }
0x89: {  	s3 =	sld [smem:$0x3FFE];
	_ =	sdelay $0x1  }
0x8a: {  	s1 =	srdreg.scid  }
0x8b: {  	s0 =	sand.u32 $0x1, s1  }
0x8c: {  	s17 =	sshll.u32 s0, $0xA;
	s2 =	sadd.s32 s3, s2  }
0x8d: {  	s2 =	sadd.s32 s2, s17  }
0x8e: {  	[smem:$0x3FC4] =	sst s2  }
0x8f: {  	_ = 	snop  }
0x90: {  	s2 =	sld [smem:$0x3FC9]  }
0x91: {  	s18 =	sld [smem:$0x3FC8];
	(tm) =	ssettm $0x1  }
0x92: {  	s4 =	sld [smem:$0x3FFB];
	_ =	sdelay $0x3  }
0x93: {  	_ =	strace s4  }
0x94: {  	s4 =	sld [smem:$0x3FFC];
	_ =	sdelay $0x3  }
0x95: {  	_ =	strace s4  }
0x96: {  	s4 =	sld [smem:$0x3FFD];
	_ =	sdelay $0x3  }
0x97: {  	_ =	strace s4  }
0x98: {  	_ =	strace $0x8FFFFFFF  }
0x99: {  	s19 =	sld [smem:$0x3FDB];
	_ =	sdelay $0x1  }
0x9a: {  	s5 =	simm.s32 $_scs_section_size  }
0x9b: {  	s6 =	simm.s32 $_size__tile_overlayer_lowered;
	s7 =	simm.s32 $_tile_overlayer_lowered  }
0x9c: {  	s22 =	simm.s32 $0x1BFF;
	s21 =	sshll.u32 s7, $0x1;
	s4 =	sadd.s32 s5, s19  }
0x9d: {  	s8 =	simm.s32 $0x0;
	s20 =	sshll.u32 s6, $0x1;
	s6 =	sadd.s32 s21, s4  }
0x9e: {  	[timem:s8], [sflag:s22] =	dma.local [hbm:s6], s20  }
0x9f: {  	_ =	swait.ge [sflag:s22], s20  }
0xa0: {  	s5 =	ssub.s32 $0x0, s20;
	[sflag:s22] =	ssyncset.done $0x0  }
0xa1: {  	[sflag:s22] =	ssyncadd.s32 s5;
	_ =	sdelay $0x1  }
0xa2: {  	s23 =	simm.s32 $0x1B8B  }
0xa3: {  	_ =	swait.ge [sflag:s23], $0x1  }
0xa4: {  	[sflag:s23] =	ssyncset.done $0x0  }
0xa5: {  	s25 =	simm.s32 $0x1B8E;
	s24 =	sld [smem:$0x3FFE];
	[sflag:s23] =	ssyncadd.s32 $0xFFFFFFFF  }
0xa6: {  	s26 =	simm.s32 $execute0_lowered;
	[smem:$0x3FD2] =	sst s25  }
0xa7: {  	s6 =	sshll.u32 s26, $0x1;
	_ =	strace $0x80000046;
	[dreg:$0x1] =	wrdreg $0xFFFFFFFF  }
0xa8: {  	s28 =	simm.s32 $_size_execute0_lowered;
	s4 =	sadd.s32 s4, s6;
	[dreg:$0x0] =	wrdreg $0x0  }
0xa9: {  	s6 =	sshll.u32 s28, $0x1;
	[dreg:$0x2] =	wrdreg s4  }
0xaa: {  	[dreg:$0x3] =	wrdreg s6  }
0xab: {  	[dreg:$0x4] =	wrdreg $0xC0  }
0xac: {  	_ =	task [dreg:s8], $0x5FFFF  }
0xad: {  	[dreg:$0x1] =	wrdreg $0xFFFFFFFF  }
0xae: {  	[dreg:$0x0] =	wrdreg $0x60  }
0xaf: {  	[dreg:$0x2] =	wrdreg s2  }
0xb0: {  	[dreg:$0x3] =	wrdreg s18  }
0xb1: {  	[dreg:$0x4] =	wrdreg s24  }
0xb2: {  	[dreg:$0x5] =	wrdreg $0x9  }
0xb3: {  	_ =	task.clear_ibuf [dreg:s8], $0x6FFFF;
	_ =	strace $0x90000046  }
0xb4: {  	s29 =	simm.s32 $0x9;
	_ =	strace $0x80000048  }
0xb5: {  	_ =	swait.ge [sflag:s29], $0x1  }
0xb6: {  	[sflag:s29] =	ssyncadd.s32 $0xFFFFFFFF  }
0xb7: {  	_ =	strace $0x90000048  }
0xb8: {  	_ =	sfence  }
0xb9: {  	s30 =	sld [smem:$0x0];
	_ =	sdelay $0x2  }
0xba: {  	s31 =	sshll.u32 s1, $0xD;
	s1 =	sshrl.u32 s1, $0x2  }
0xbb: {  	s3 =	sand.u32 $0x4000, s31;
	s1 =	sadd.s32 s1, s30  }
0xbc: {  	s0 =	sor.u32 s3, s0;
	s1 =	sshll.u32 s1, $0x11  }
0xbd: {  	s0 =	sor.u32 s1, s0  }
0xbe: {  	s0 =	sadd.s32 $0x8F2B, s0  }
0xbf: {  	[sflag:s0] =	ssyncadd.remote.s32 $0x1  }
0xc0: {  	_ =	sfence.sel $0xFFFF  }
0xc1: {  	[dreg:$0x0] =	wrdreg $0xFFFFFFFF;
	(pc) =	sbr.abs _section_cstart, $3  }
0xc2: {  	[dreg:$0x1] =	wrdreg $0xFFFFFFFF  }
0xc3: {  	_ =	task.clear_ibuf [dreg:s8], $0x2FFFF;
	_ =	strace $0x9FFFFFFF  }
0xc4: {  	(tm) =	ssettm $0x7FFFFFFF  }
0xc5: {  	_ =	shalt  }
tec
execute0_lowered:
.L_overlay_start_1:
0x0: {  	(tag) =	ssettag $0x1  }
0x1: {  	s0 =	rddreg [dreg:$0x0]  }
0x2: {  	s1 =	rddreg [dreg:$0x1]  }
0x3: {  	s3 =	rddreg [dreg:$0x2];
	s2 =	simm.s32 $0x0;
	s4 =	srdreg.scid  }
0x4: {  	s5 =	stileid.u32;
	[smem:$0x7FF] =	sst s2;
	s4 =	sand.u32 $0x1, s4  }
0x5: {  	s5 =	sshll.u32 s5, $0x1;
	s7 =	sadd.s32 $0xA00, s3;
	s16 =	sadd.s32 $0xA20, s3  }
0x6: {  	_ =	strace $0x80000047;
	s6 =	ssub.s32 $0x2, s4;
	s4 =	sor.u32 s4, s5  }
0x7: {  	s14 =	sshrl.u32 s6, $0x1;
	s8 =	smul.u32 $0xA00, s4;
	s9 =	sshll.u32 s4, $0x9  }
0x8: {  	s15 =	sshll.u32 s4, $0x6;
	s4 =	smul.u32 $0x1800, s4;
	s6 =	ssub.s32 s6, s14  }
0x9: {  	s10 =	sadd.s32 s0, s15;
	s5 =	sadd.s32 s1, s15;
	s12 =	sor.u32 $0x80, s9  }
0xa: {  	s18 =	sor.u32 $0x100, s9;
	s9 =	sor.u32 $0x180, s9;
	[dreg:$0x4] =	wrdreg s10  }
0xb: {  	s8 =	sshrl.u32 s8, $0x3;
	s10 =	sadd.s32 $0xA10, s3;
	[dreg:$0x5] =	wrdreg s5  }
0xc: {  	s17 =	sshrl.u32 s12, $0x3;
	s13 =	smul.u32 $0x5, s12;
	s19 =	sshrl.u32 s18, $0x3  }
0xd: {  	s15 =	smul.u32 $0x5, s18;
	s23 =	sshrl.u32 s9, $0x3;
	s11 =	sadd.s32 s8, s10  }
0xe: {  	s5 =	sadd.s32 s7, s8;
	s8 =	sadd.s32 s8, s16;
	[dreg:$0x6] =	wrdreg s11  }
0xf: {  	s25 =	smul.u32 $0x5, s9;
	s14 =	sadd.s32 s0, s17;
	[dreg:$0x7] =	wrdreg s8  }
0x10: {  	s26 =	smul.u32 $0xC, s12;
	s20 =	sadd.s32 s0, s19;
	[dreg:$0x8] =	wrdreg s14  }
0x11: {  	s21 =	sadd.s32 s1, s19;
	s0 =	sadd.s32 s0, s23;
	[dreg:$0xb] =	wrdreg s20  }
0x12: {  	s24 =	sadd.s32 s1, s23;
	s8 =	sadd.s32 s1, s17;
	[dreg:$0xc] =	wrdreg s21  }
0x13: {  	s13 =	sshrl.u32 s13, $0x3;
	s22 =	sshrl.u32 s15, $0x3;
	[dreg:$0xd] =	wrdreg s0  }
0x14: {  	[dreg:$0xe] =	wrdreg s24;
	s0 =	sshrl.u32 s25, $0x3;
	s12 =	sadd.s32 $0x30, s5  }
0x15: {  	[dreg:$0x9] =	wrdreg s8;
	s11 =	sadd.s32 s13, s16;
	s15 =	sadd.s32 s7, s13  }
0x16: {  	s10 =	sadd.s32 s22, s10;
	s17 =	sadd.s32 s7, s22;
	[dreg:$0x15] =	wrdreg s12  }
0x17: {  	s8 =	smul.u32 $0xC, s18;
	s18 =	sadd.s32 s7, s0;
	[dreg:$0xa] =	wrdreg s11  }
0x18: {  	s7 =	sadd.s32 $0x3200, s3;
	s13 =	sadd.s32 $0x40, s5;
	[dreg:$0xf] =	wrdreg s10  }
0x19: {  	s9 =	smul.u32 $0xC, s9;
	s4 =	sadd.s32 s7, s4;
	[dreg:$0x16] =	wrdreg s13  }
0x1a: {  	s1 =	sadd.s32 s7, s26;
	[dreg:$0x10] =	wrdreg s4  }
0x1b: {  	s0 =	sadd.s32 s7, s9;
	[dreg:$0x11] =	wrdreg s1  }
0x1c: {  	s28 =	simm.s32 $0xC380;
	s11 =	smax.u32 s6, $0x1;
	[dreg:$0x13] =	wrdreg s0  }
0x1d: {  	s29 =	simm.s32 $0x1;
	s14 =	sadd.s32 $0x10, s15;
	[dreg:$0x14] =	wrdreg s11  }
0x1e: {  	s30 =	simm.s32 $0xE380;
	s16 =	sadd.s32 $0x30, s15;
	[dreg:$0x17] =	wrdreg s14  }
0x1f: {  	s31 =	simm.s32 $0x0;
	s19 =	sadd.s32 $0x40, s15;
	[dreg:$0x18] =	wrdreg s16  }
0x20: {  	s23 =	sadd.s32 $0xF45600, s3;
	s20 =	sadd.s32 $0x20, s17;
	[dreg:$0x19] =	wrdreg s19  }
0x21: {  	s24 =	sadd.s32 $0x16E6800, s3;
	s21 =	sadd.s32 $0x30, s17;
	[dreg:$0x1a] =	wrdreg s20  }
0x22: {  	s12 =	simm.s32 $0x180;
	s22 =	sadd.s32 $0x40, s17;
	[dreg:$0x1b] =	wrdreg s21  }
0x23: {  	s25 =	sadd.s32 $0x10, s18;
	s26 =	sadd.s32 $0x20, s18;
	[dreg:$0x1c] =	wrdreg s22  }
0x24: {  	s9 =	simm.s32 $0x2;
	s13 =	simm.s32 $0x200;
	[dreg:$0x1d] =	wrdreg s25  }
0x25: {  	s10 =	sadd.s32 s7, s8;
	[dreg:$0x1e] =	wrdreg s26;
	s7 =	sadd.s32 $0x30, s18  }
0x26: {  	s8 =	sadd.s32 $0x40, s18;
	s11 =	simm.s32 $0x100;
	s14 =	simm.s32 $0x280  }
0x27: {  	s16 =	simm.s32 $0x300;
	s19 =	simm.s32 $0x380;
	s20 =	simm.s32 $0x2380  }
0x28: {  	s21 =	simm.s32 $0x4380;
	s22 =	simm.s32 $0x6380;
	s25 =	simm.s32 $0x8380  }
0x29: {  	s26 =	simm.s32 $0xA380;
	[dreg:$0x12] =	wrdreg s10;
	s10 =	simm.s32 $0x80  }
.LBB2_1:
0x2a: {  	s0 =	rddreg [dreg:$0x4]  }
0x2b: {  	[tilespmem:s2], [sflag:$0x2] =	stream.linear.gather [hbm4b:s0+s2], $0x80, $0x38;
	[tilespmem:$0x11380] =	vst v63  }
0x2c: {  	_ =	swait.ge [sflag:s9], $0x80  }
0x2d: {  	[sflag:s9] =	ssyncset.done $0x0  }
0x2e: {  	s4 =	rddreg [dreg:$0x5];
	[sflag:s9] =	ssyncadd.s32 $0xFFFFFF80  }
0x2f: {  	[tilespmem:s10], [sflag:$0x2] =	stream.linear.gather [hbm4b:s4+s2], $0x80, $0x38;
	[tilespmem:$0x11380] =	vst v63  }
0x30: {  	_ =	swait.ge [sflag:s9], $0x80  }
0x31: {  	[sflag:s9] =	ssyncset.done $0x0  }
0x32: {  	[sflag:s9] =	ssyncadd.s32 $0xFFFFFF80  }
0x33: {  	[tilespmem:s11], [sflag:$0x2] =	stream.linear.gather [hbm4b:s5+s2], $0x80, $0x38;
	[tilespmem:$0x11380] =	vst v63  }
0x34: {  	_ =	swait.ge [sflag:s9], $0x80  }
0x35: {  	[sflag:s9] =	ssyncset.done $0x0  }
0x36: {  	s6 =	rddreg [dreg:$0x6];
	[sflag:s9] =	ssyncadd.s32 $0xFFFFFF80  }
0x37: {  	[tilespmem:s12], [sflag:$0x2] =	stream.linear.gather [hbm4b:s6+s2], $0x80, $0x38;
	[tilespmem:$0x11380] =	vst v63  }
0x38: {  	_ =	swait.ge [sflag:s9], $0x80  }
0x39: {  	[sflag:s9] =	ssyncset.done $0x0  }
0x3a: {  	s1 =	rddreg [dreg:$0x7];
	[sflag:s9] =	ssyncadd.s32 $0xFFFFFF80  }
0x3b: {  	[tilespmem:s13], [sflag:$0x2] =	stream.linear.gather [hbm4b:s1+s2], $0x80, $0x38;
	[tilespmem:$0x11380] =	vst v63  }
0x3c: {  	_ =	swait.ge [sflag:s9], $0x80  }
0x3d: {  	[sflag:s9] =	ssyncset.done $0x0  }
0x3e: {  	s3 =	rddreg [dreg:$0x15];
	[sflag:s9] =	ssyncadd.s32 $0xFFFFFF80  }
0x3f: {  	[tilespmem:s14], [sflag:$0x2] =	stream.linear.gather [hbm4b:s3+s2], $0x80, $0x38;
	[tilespmem:$0x11380] =	vst v63  }
0x40: {  	_ =	swait.ge [sflag:s9], $0x80  }
0x41: {  	[sflag:s9] =	ssyncset.done $0x0  }
0x42: {  	s4 =	rddreg [dreg:$0x16];
	[sflag:s9] =	ssyncadd.s32 $0xFFFFFF80  }
0x43: {  	[tilespmem:s16], [sflag:$0x2] =	stream.linear.gather [hbm4b:s4+s2], $0x80, $0x38;
	[tilespmem:$0x11380] =	vst v63  }
0x44: {  	_ =	swait.ge [sflag:s9], $0x80  }
0x45: {  	[sflag:s9] =	ssyncset.done $0x0  }
0x46: {  	[sflag:s9] =	ssyncadd.s32 $0xFFFFFF80  }
0x47: {  	[tilespmem:s19], [sflag:$0x1] =	stream.indirect.gather [hbm4b:s23+s10], $0x40, s2, s10, $0xb8;
	[tilespmem:$0x11380] =	vst v63  }
0x48: {  	_ = 	snop  }
0x49: {  	[tilespmem:s20], [sflag:$0x1] =	stream.indirect.gather [hbm4b:s24+s10], $0x40, s10, s10, $0xb8;
	[tilespmem:$0x11380] =	vst v63  }
0x4a: {  	_ = 	snop  }
0x4b: {  	[tilespmem:s21], [sflag:$0x1] =	stream.indirect.gather [hbm4b:s24+s10], $0x40, s11, s10, $0xb8;
	[tilespmem:$0x11380] =	vst v63  }
0x4c: {  	_ = 	snop  }
0x4d: {  	[tilespmem:s22], [sflag:$0x1] =	stream.indirect.gather [hbm4b:s24+s10], $0x40, s12, s10, $0xb8;
	[tilespmem:$0x11380] =	vst v63  }
0x4e: {  	_ = 	snop  }
0x4f: {  	[tilespmem:s25], [sflag:$0x1] =	stream.indirect.gather [hbm4b:s24+s10], $0x40, s13, s10, $0xb8;
	[tilespmem:$0x11380] =	vst v63  }
0x50: {  	_ = 	snop  }
0x51: {  	[tilespmem:s26], [sflag:$0x1] =	stream.indirect.gather [hbm4b:s24+s10], $0x40, s14, s10, $0xb8;
	[tilespmem:$0x11380] =	vst v63  }
0x52: {  	_ = 	snop  }
0x53: {  	[tilespmem:s28], [sflag:$0x1] =	stream.indirect.gather [hbm4b:s24+s10], $0x40, s16, s10, $0xb8;
	[tilespmem:$0x11380] =	vst v63  }
0x54: {  	_ =	swait.ge [sflag:s29], $0x2000  }
0x55: {  	[sflag:s29] =	ssyncset.done $0x0  }
0x56: {  	[sflag:s29] =	ssyncadd.s32 $0xFFFFE000  }
0x57: {  	_ =	swait.ge [sflag:s29], $0x2000  }
0x58: {  	[sflag:s29] =	ssyncset.done $0x0  }
0x59: {  	[sflag:s29] =	ssyncadd.s32 $0xFFFFE000  }
0x5a: {  	_ =	swait.ge [sflag:s29], $0x2000  }
0x5b: {  	[sflag:s29] =	ssyncset.done $0x0  }
0x5c: {  	[sflag:s29] =	ssyncadd.s32 $0xFFFFE000  }
0x5d: {  	_ =	swait.ge [sflag:s29], $0x2000  }
0x5e: {  	[sflag:s29] =	ssyncset.done $0x0  }
0x5f: {  	[sflag:s29] =	ssyncadd.s32 $0xFFFFE000  }
0x60: {  	_ =	swait.ge [sflag:s29], $0x2000  }
0x61: {  	[sflag:s29] =	ssyncset.done $0x0  }
0x62: {  	[sflag:s29] =	ssyncadd.s32 $0xFFFFE000  }
0x63: {  	_ =	swait.ge [sflag:s29], $0x2000  }
0x64: {  	[sflag:s29] =	ssyncset.done $0x0  }
0x65: {  	[sflag:s29] =	ssyncadd.s32 $0xFFFFE000  }
0x66: {  	_ =	swait.ge [sflag:s29], $0x2000  }
0x67: {  	[sflag:s29] =	ssyncset.done $0x0  }
0x68: {  	s6 =	simm.s32 $0x0;
	[sflag:s29] =	ssyncadd.s32 $0xFFFFE000  }
0x69: {  	v0 =	vld [tilespmem:s6+$0x390]  }
0x6a: {  	v3 =	vld [tilespmem:s6+$0x2390]  }
0x6b: {  	v4 =	vld [tilespmem:s6+$0x2380]  }
0x6c: {  	v7 =	vld [tilespmem:s6+$0x380]  }
0x6d: {  	v5 =	vld [tilespmem:s6+$0x23A0]  }
0x6e: {  	v1 =	vld [tilespmem:s6+$0x3A0]  }
0x6f: {  	v6 =	vld [tilespmem:s6+$0x23B0]  }
0x70: {  	v2 =	vld [tilespmem:s6+$0x3B0]  }
0x71: {  	v4 =	vmul.f32 v4, v7;
	v3 =	vmul.f32 v3, v0;
	_ =	sdelay $0x1  }
0x72: {  	v3 =	vadd.f32 v3, v4;
	v4 =	vmul.f32 v5, v1;
	_ =	sdelay $0x1  }
0x73: {  	v3 =	vadd.f32 v4, v3;
	v4 =	vmul.f32 v6, v2;
	_ =	sdelay $0x1  }
0x74: {  	v3 =	vadd.f32 v4, v3  }
0x75: {  	s0 =	simm.s32 $0xE3B0  }
0x76: {  	s1 =	simm.s32 $0x4420;
	[tilespmem:s0+$0xFFFFFFD0] =	vst v3  }
0x77: {  	v3 =	vld [tilespmem:s1+$0xFFFFFF60]  }
0x78: {  	v4 =	vld [tilespmem:s1+$0xFFFFFF70];
	_ =	sdelay $0x1  }
0x79: {  	v5 =	vld [tilespmem:s1+$0xFFFFFF80];
	_ =	sdelay $0x1  }
0x7a: {  	v6 =	vld [tilespmem:s1+$0xFFFFFF90]  }
0x7b: {  	v3 =	vmul.f32 v3, v7;
	v4 =	vmul.f32 v4, v0;
	_ =	sdelay $0x1  }
0x7c: {  	v3 =	vadd.f32 v4, v3;
	v4 =	vmul.f32 v5, v1;
	_ =	sdelay $0x1  }
0x7d: {  	v3 =	vadd.f32 v4, v3;
	v4 =	vmul.f32 v6, v2;
	_ =	sdelay $0x1  }
0x7e: {  	v3 =	vadd.f32 v4, v3;
	_ =	sdelay $0x1  }
0x7f: {  	[tilespmem:s0+$0xFFFFFFE0] =	vst v3  }
0x80: {  	v3 =	vld [tilespmem:s1+$0xFFFFFFA0]  }
0x81: {  	v4 =	vld [tilespmem:s1+$0xFFFFFFB0];
	_ =	sdelay $0x1  }
0x82: {  	v5 =	vld [tilespmem:s1+$0xFFFFFFC0];
	_ =	sdelay $0x1  }
0x83: {  	v6 =	vld [tilespmem:s1+$0xFFFFFFD0]  }
0x84: {  	v3 =	vmul.f32 v3, v7;
	v4 =	vmul.f32 v4, v0;
	_ =	sdelay $0x1  }
0x85: {  	v3 =	vadd.f32 v4, v3;
	v4 =	vmul.f32 v5, v1;
	_ =	sdelay $0x1  }
0x86: {  	v3 =	vadd.f32 v4, v3;
	v4 =	vmul.f32 v6, v2;
	_ =	sdelay $0x1  }
0x87: {  	v3 =	vadd.f32 v4, v3;
	_ =	sdelay $0x1  }
0x88: {  	[tilespmem:s0+$0xFFFFFFF0] =	vst v3  }
0x89: {  	v3 =	vld [tilespmem:s1+$0xFFFFFFE0]  }
0x8a: {  	v4 =	vld [tilespmem:s1+$0xFFFFFFF0];
	_ =	sdelay $0x1  }
0x8b: {  	v5 =	vld [tilespmem:s1+$0x0];
	_ =	sdelay $0x1  }
0x8c: {  	v6 =	vld [tilespmem:s1+$0x10]  }
0x8d: {  	v3 =	vmul.f32 v3, v7;
	v4 =	vmul.f32 v4, v0;
	_ =	sdelay $0x1  }
0x8e: {  	v3 =	vadd.f32 v4, v3;
	v4 =	vmul.f32 v5, v1;
	_ =	sdelay $0x1  }
0x8f: {  	v3 =	vadd.f32 v4, v3;
	v4 =	vmul.f32 v6, v2;
	_ =	sdelay $0x1  }
0x90: {  	v3 =	vadd.f32 v4, v3;
	_ =	sdelay $0x1  }
0x91: {  	[tilespmem:s0+$0x0] =	vst v3  }
0x92: {  	v3 =	vld [tilespmem:s1+$0x20]  }
0x93: {  	v4 =	vld [tilespmem:s1+$0x30];
	_ =	sdelay $0x1  }
0x94: {  	v5 =	vld [tilespmem:s1+$0x40];
	_ =	sdelay $0x1  }
0x95: {  	v6 =	vld [tilespmem:s1+$0x50]  }
0x96: {  	v3 =	vmul.f32 v3, v7;
	v4 =	vmul.f32 v4, v0;
	_ =	sdelay $0x1  }
0x97: {  	v3 =	vadd.f32 v4, v3;
	v4 =	vmul.f32 v5, v1;
	_ =	sdelay $0x1  }
0x98: {  	v3 =	vadd.f32 v4, v3;
	v4 =	vmul.f32 v6, v2;
	_ =	sdelay $0x1  }
0x99: {  	v3 =	vadd.f32 v4, v3;
	_ =	sdelay $0x1  }
0x9a: {  	[tilespmem:s0+$0x10] =	vst v3  }
0x9b: {  	v3 =	vld [tilespmem:s1+$0x60]  }
0x9c: {  	v6 =	vld [tilespmem:s1+$0x70];
	_ =	sdelay $0x1  }
0x9d: {  	v5 =	vld [tilespmem:s1+$0x80];
	_ =	sdelay $0x1  }
0x9e: {  	s3 =	simm.s32 $0xE3B0;
	s4 =	simm.s32 $0x100;
	v4 =	vld [tilespmem:s1+$0x90];
	v3 =	vmul.f32 v3, v7  }
.LBB2_2:
0x9f: {  	p0 =	sne.s32 s4, $0x7F00;
	v0 =	vmul.f32 v6, v0;
	s1 =	sadd.s32 $0x140, s1;
	s0 =	sadd.s32 $0x60, s0  }
0xa0: {  	s6 =	smov.u32 s4;
	s4 =	sadd.s32 $0x100, s4  }
0xa1: {  	v1 =	vmul.f32 v5, v1;
	v0 =	vadd.f32 v0, v3;
	_ =	sdelay $0x1  }
0xa2: {  	v0 =	vadd.f32 v1, v0;
	v1 =	vmul.f32 v4, v2;
	_ =	sdelay $0x1  }
0xa3: {  	v0 =	vadd.f32 v1, v0;
	_ =	sdelay $0x1  }
0xa4: {  	s6 =	sshra.s32 s6, $0x2;
	[tilespmem:s3+$0x20] =	vst v0;
	s3 =	smov.u32 s0  }
0xa5: {  	v0 =	vld [tilespmem:s6+$0x390]  }
0xa6: {  	v4 =	vld [tilespmem:s6+$0x2390]  }
0xa7: {  	v5 =	vld [tilespmem:s6+$0x2380]  }
0xa8: {  	v3 =	vld [tilespmem:s6+$0x380]  }
0xa9: {  	v6 =	vld [tilespmem:s6+$0x23A0]  }
0xaa: {  	v1 =	vld [tilespmem:s6+$0x3A0]  }
0xab: {  	v7 =	vld [tilespmem:s6+$0x23B0]  }
0xac: {  	v2 =	vld [tilespmem:s6+$0x3B0]  }
0xad: {  	v4 =	vmul.f32 v4, v0;
	v5 =	vmul.f32 v5, v3;
	_ =	sdelay $0x1  }
0xae: {  	v4 =	vadd.f32 v4, v5;
	v5 =	vmul.f32 v6, v1;
	_ =	sdelay $0x1  }
0xaf: {  	v4 =	vadd.f32 v5, v4;
	v5 =	vmul.f32 v7, v2;
	_ =	sdelay $0x1  }
0xb0: {  	v4 =	vadd.f32 v5, v4;
	_ =	sdelay $0x1  }
0xb1: {  	[tilespmem:s0+$0xFFFFFFD0] =	vst v4  }
0xb2: {  	v4 =	vld [tilespmem:s1+$0xFFFFFF60]  }
0xb3: {  	v5 =	vld [tilespmem:s1+$0xFFFFFF70];
	_ =	sdelay $0x1  }
0xb4: {  	v6 =	vld [tilespmem:s1+$0xFFFFFF80];
	_ =	sdelay $0x1  }
0xb5: {  	v4 =	vmul.f32 v4, v3;
	v7 =	vld [tilespmem:s1+$0xFFFFFF90]  }
0xb6: {  	v5 =	vmul.f32 v5, v0;
	_ =	sdelay $0x1  }
0xb7: {  	v4 =	vadd.f32 v5, v4;
	v5 =	vmul.f32 v6, v1;
	_ =	sdelay $0x1  }
0xb8: {  	v4 =	vadd.f32 v5, v4;
	v5 =	vmul.f32 v7, v2;
	_ =	sdelay $0x1  }
0xb9: {  	v4 =	vadd.f32 v5, v4;
	_ =	sdelay $0x1  }
0xba: {  	[tilespmem:s0+$0xFFFFFFE0] =	vst v4  }
0xbb: {  	v4 =	vld [tilespmem:s1+$0xFFFFFFA0]  }
0xbc: {  	v5 =	vld [tilespmem:s1+$0xFFFFFFB0]  }
0xbd: {  	v6 =	vld [tilespmem:s1+$0xFFFFFFC0];
	_ =	sdelay $0x2  }
0xbe: {  	v4 =	vmul.f32 v4, v3;
	v7 =	vld [tilespmem:s1+$0xFFFFFFD0]  }
0xbf: {  	v5 =	vmul.f32 v5, v0;
	_ =	sdelay $0x1  }
0xc0: {  	v4 =	vadd.f32 v5, v4;
	v5 =	vmul.f32 v6, v1;
	_ =	sdelay $0x1  }
0xc1: {  	v4 =	vadd.f32 v5, v4;
	v5 =	vmul.f32 v7, v2;
	_ =	sdelay $0x1  }
0xc2: {  	v4 =	vadd.f32 v5, v4;
	_ =	sdelay $0x1  }
0xc3: {  	[tilespmem:s0+$0xFFFFFFF0] =	vst v4  }
0xc4: {  	v4 =	vld [tilespmem:s1+$0xFFFFFFE0]  }
0xc5: {  	v5 =	vld [tilespmem:s1+$0xFFFFFFF0];
	_ =	sdelay $0x1  }
0xc6: {  	v6 =	vld [tilespmem:s1+$0x0];
	_ =	sdelay $0x1  }
0xc7: {  	v4 =	vmul.f32 v4, v3;
	v7 =	vld [tilespmem:s1+$0x10]  }
0xc8: {  	v5 =	vmul.f32 v5, v0;
	_ =	sdelay $0x1  }
0xc9: {  	v4 =	vadd.f32 v5, v4;
	v5 =	vmul.f32 v6, v1;
	_ =	sdelay $0x1  }
0xca: {  	v4 =	vadd.f32 v5, v4;
	v5 =	vmul.f32 v7, v2;
	_ =	sdelay $0x1  }
0xcb: {  	v4 =	vadd.f32 v5, v4;
	_ =	sdelay $0x1  }
0xcc: {  	[tilespmem:s0+$0x0] =	vst v4  }
0xcd: {  	v4 =	vld [tilespmem:s1+$0x20]  }
0xce: {  	v5 =	vld [tilespmem:s1+$0x30]  }
0xcf: {  	v6 =	vld [tilespmem:s1+$0x40]  }
0xd0: {  	v7 =	vld [tilespmem:s1+$0x50];
	_ =	sdelay $0x1  }
0xd1: {  	v4 =	vmul.f32 v4, v3  }
0xd2: {  	v5 =	vmul.f32 v5, v0;
	_ =	sdelay $0x1  }
0xd3: {  	v4 =	vadd.f32 v5, v4;
	v5 =	vmul.f32 v6, v1;
	_ =	sdelay $0x1  }
0xd4: {  	v4 =	vadd.f32 v5, v4;
	v5 =	vmul.f32 v7, v2;
	_ =	sdelay $0x1  }
0xd5: {  	v4 =	vadd.f32 v5, v4;
	_ =	sdelay $0x1  }
0xd6: {  	[tilespmem:s0+$0x10] =	vst v4  }
0xd7: {  	v7 =	vld [tilespmem:s1+$0x60]  }
.Ltmp0:
0xd8: {  	v6 =	vld [tilespmem:s1+$0x70];
	(pc) =	sbr.rel @p0 .LBB2_2-.Ltmp0, $3  }
0xd9: {  	v5 =	vld [tilespmem:s1+$0x80]  }
0xda: {  	v4 =	vld [tilespmem:s1+$0x90];
	_ =	sdelay $0x1  }
0xdb: {  	v3 =	vmul.f32 v7, v3  }
0xdc: {  	v0 =	vmul.f32 v6, v0;
	_ =	sdelay $0x1  }
0xdd: {  	v1 =	vmul.f32 v5, v1;
	v0 =	vadd.f32 v0, v3;
	_ =	sdelay $0x1  }
0xde: {  	v0 =	vadd.f32 v1, v0;
	v1 =	vmul.f32 v4, v2;
	_ =	sdelay $0x1  }
0xdf: {  	v0 =	vadd.f32 v1, v0;
	_ =	sdelay $0x1  }
0xe0: {  	s0 =	simm.s32 $0x0;
	s1 =	rddreg [dreg:$0x10];
	[tilespmem:s3+$0x20] =	vst v0  }
0xe1: {  	[hbm4b:s1+s0] =	stream.linear.scatter [tilespmem:s30], [sflag:$0x2], $0x3000, $0x38;
	[tilespmem:$0x11380] =	vst v63  }
0xe2: {  	_ =	swait.ge [sflag:s9], $0x3000  }
0xe3: {  	[sflag:s9] =	ssyncset.done $0x0  }
0xe4: {  	s6 =	rddreg [dreg:$0x8];
	[sflag:s9] =	ssyncadd.s32 $0xFFFFD000  }
0xe5: {  	[tilespmem:s0], [sflag:$0x2] =	stream.linear.gather [hbm4b:s6+s0], $0x80, $0x38;
	[tilespmem:$0x11380] =	vst v63  }
0xe6: {  	_ =	swait.ge [sflag:s9], $0x80  }
0xe7: {  	[sflag:s9] =	ssyncset.done $0x0  }
0xe8: {  	s3 =	rddreg [dreg:$0x9];
	[sflag:s9] =	ssyncadd.s32 $0xFFFFFF80  }
0xe9: {  	[tilespmem:s10], [sflag:$0x2] =	stream.linear.gather [hbm4b:s3+s0], $0x80, $0x38;
	[tilespmem:$0x11380] =	vst v63  }
0xea: {  	_ =	swait.ge [sflag:s9], $0x80  }
0xeb: {  	[sflag:s9] =	ssyncset.done $0x0  }
0xec: {  	[sflag:s9] =	ssyncadd.s32 $0xFFFFFF80  }
0xed: {  	[tilespmem:s11], [sflag:$0x2] =	stream.linear.gather [hbm4b:s15+s0], $0x80, $0x38;
	[tilespmem:$0x11380] =	vst v63  }
0xee: {  	_ =	swait.ge [sflag:s9], $0x80  }
0xef: {  	[sflag:s9] =	ssyncset.done $0x0  }
0xf0: {  	s4 =	rddreg [dreg:$0x17];
	[sflag:s9] =	ssyncadd.s32 $0xFFFFFF80  }
0xf1: {  	[tilespmem:s12], [sflag:$0x2] =	stream.linear.gather [hbm4b:s4+s0], $0x80, $0x38;
	[tilespmem:$0x11380] =	vst v63  }
0xf2: {  	_ =	swait.ge [sflag:s9], $0x80  }
0xf3: {  	[sflag:s9] =	ssyncset.done $0x0  }
0xf4: {  	s6 =	rddreg [dreg:$0xa];
	[sflag:s9] =	ssyncadd.s32 $0xFFFFFF80  }
0xf5: {  	[tilespmem:s13], [sflag:$0x2] =	stream.linear.gather [hbm4b:s6+s0], $0x80, $0x38;
	[tilespmem:$0x11380] =	vst v63  }
0xf6: {  	_ =	swait.ge [sflag:s9], $0x80  }
0xf7: {  	[sflag:s9] =	ssyncset.done $0x0  }
0xf8: {  	s3 =	rddreg [dreg:$0x18];
	[sflag:s9] =	ssyncadd.s32 $0xFFFFFF80  }
0xf9: {  	[tilespmem:s14], [sflag:$0x2] =	stream.linear.gather [hbm4b:s3+s0], $0x80, $0x38;
	[tilespmem:$0x11380] =	vst v63  }
0xfa: {  	_ =	swait.ge [sflag:s9], $0x80  }
0xfb: {  	[sflag:s9] =	ssyncset.done $0x0  }
0xfc: {  	s4 =	rddreg [dreg:$0x19];
	[sflag:s9] =	ssyncadd.s32 $0xFFFFFF80  }
0xfd: {  	[tilespmem:s16], [sflag:$0x2] =	stream.linear.gather [hbm4b:s4+s0], $0x80, $0x38;
	[tilespmem:$0x11380] =	vst v63  }
0xfe: {  	_ =	swait.ge [sflag:s9], $0x80  }
0xff: {  	[sflag:s9] =	ssyncset.done $0x0  }
0x100: {  	[sflag:s9] =	ssyncadd.s32 $0xFFFFFF80  }
0x101: {  	[tilespmem:s19], [sflag:$0x1] =	stream.indirect.gather [hbm4b:s23+s10], $0x40, s0, s10, $0xb8;
	[tilespmem:$0x11380] =	vst v63  }
0x102: {  	_ = 	snop  }
0x103: {  	[tilespmem:s20], [sflag:$0x1] =	stream.indirect.gather [hbm4b:s24+s10], $0x40, s10, s10, $0xb8;
	[tilespmem:$0x11380] =	vst v63  }
0x104: {  	_ = 	snop  }
0x105: {  	[tilespmem:s21], [sflag:$0x1] =	stream.indirect.gather [hbm4b:s24+s10], $0x40, s11, s10, $0xb8;
	[tilespmem:$0x11380] =	vst v63  }
0x106: {  	_ = 	snop  }
0x107: {  	[tilespmem:s22], [sflag:$0x1] =	stream.indirect.gather [hbm4b:s24+s10], $0x40, s12, s10, $0xb8;
	[tilespmem:$0x11380] =	vst v63  }
0x108: {  	_ = 	snop  }
0x109: {  	[tilespmem:s25], [sflag:$0x1] =	stream.indirect.gather [hbm4b:s24+s10], $0x40, s13, s10, $0xb8;
	[tilespmem:$0x11380] =	vst v63  }
0x10a: {  	_ = 	snop  }
0x10b: {  	[tilespmem:s26], [sflag:$0x1] =	stream.indirect.gather [hbm4b:s24+s10], $0x40, s14, s10, $0xb8;
	[tilespmem:$0x11380] =	vst v63  }
0x10c: {  	_ = 	snop  }
0x10d: {  	[tilespmem:s28], [sflag:$0x1] =	stream.indirect.gather [hbm4b:s24+s10], $0x40, s16, s10, $0xb8;
	[tilespmem:$0x11380] =	vst v63  }
0x10e: {  	_ =	swait.ge [sflag:s29], $0x2000  }
0x10f: {  	[sflag:s29] =	ssyncset.done $0x0  }
0x110: {  	[sflag:s29] =	ssyncadd.s32 $0xFFFFE000  }
0x111: {  	_ =	swait.ge [sflag:s29], $0x2000  }
0x112: {  	[sflag:s29] =	ssyncset.done $0x0  }
0x113: {  	[sflag:s29] =	ssyncadd.s32 $0xFFFFE000  }
0x114: {  	_ =	swait.ge [sflag:s29], $0x2000  }
0x115: {  	[sflag:s29] =	ssyncset.done $0x0  }
0x116: {  	[sflag:s29] =	ssyncadd.s32 $0xFFFFE000  }
0x117: {  	_ =	swait.ge [sflag:s29], $0x2000  }
0x118: {  	[sflag:s29] =	ssyncset.done $0x0  }
0x119: {  	[sflag:s29] =	ssyncadd.s32 $0xFFFFE000  }
0x11a: {  	_ =	swait.ge [sflag:s29], $0x2000  }
0x11b: {  	[sflag:s29] =	ssyncset.done $0x0  }
0x11c: {  	[sflag:s29] =	ssyncadd.s32 $0xFFFFE000  }
0x11d: {  	_ =	swait.ge [sflag:s29], $0x2000  }
0x11e: {  	[sflag:s29] =	ssyncset.done $0x0  }
0x11f: {  	[sflag:s29] =	ssyncadd.s32 $0xFFFFE000  }
0x120: {  	_ =	swait.ge [sflag:s29], $0x2000  }
0x121: {  	[sflag:s29] =	ssyncset.done $0x0  }
0x122: {  	s6 =	simm.s32 $0x0;
	[sflag:s29] =	ssyncadd.s32 $0xFFFFE000  }
0x123: {  	v0 =	vld [tilespmem:s6+$0x390]  }
0x124: {  	v3 =	vld [tilespmem:s6+$0x2390]  }
0x125: {  	v4 =	vld [tilespmem:s6+$0x2380]  }
0x126: {  	v7 =	vld [tilespmem:s6+$0x380]  }
0x127: {  	v5 =	vld [tilespmem:s6+$0x23A0]  }
0x128: {  	v1 =	vld [tilespmem:s6+$0x3A0]  }
0x129: {  	v6 =	vld [tilespmem:s6+$0x23B0]  }
0x12a: {  	v2 =	vld [tilespmem:s6+$0x3B0]  }
0x12b: {  	v4 =	vmul.f32 v4, v7;
	v3 =	vmul.f32 v3, v0;
	_ =	sdelay $0x1  }
0x12c: {  	v3 =	vadd.f32 v3, v4;
	v4 =	vmul.f32 v5, v1;
	_ =	sdelay $0x1  }
0x12d: {  	v3 =	vadd.f32 v4, v3;
	v4 =	vmul.f32 v6, v2;
	_ =	sdelay $0x1  }
0x12e: {  	v3 =	vadd.f32 v4, v3  }
0x12f: {  	s0 =	simm.s32 $0xE3B0  }
0x130: {  	s1 =	simm.s32 $0x4420;
	[tilespmem:s0+$0xFFFFFFD0] =	vst v3  }
0x131: {  	v3 =	vld [tilespmem:s1+$0xFFFFFF60]  }
0x132: {  	v4 =	vld [tilespmem:s1+$0xFFFFFF70];
	_ =	sdelay $0x1  }
0x133: {  	v5 =	vld [tilespmem:s1+$0xFFFFFF80];
	_ =	sdelay $0x1  }
0x134: {  	v6 =	vld [tilespmem:s1+$0xFFFFFF90]  }
0x135: {  	v3 =	vmul.f32 v3, v7;
	v4 =	vmul.f32 v4, v0;
	_ =	sdelay $0x1  }
0x136: {  	v3 =	vadd.f32 v4, v3;
	v4 =	vmul.f32 v5, v1;
	_ =	sdelay $0x1  }
0x137: {  	v3 =	vadd.f32 v4, v3;
	v4 =	vmul.f32 v6, v2;
	_ =	sdelay $0x1  }
0x138: {  	v3 =	vadd.f32 v4, v3;
	_ =	sdelay $0x1  }
0x139: {  	[tilespmem:s0+$0xFFFFFFE0] =	vst v3  }
0x13a: {  	v3 =	vld [tilespmem:s1+$0xFFFFFFA0]  }
0x13b: {  	v4 =	vld [tilespmem:s1+$0xFFFFFFB0];
	_ =	sdelay $0x1  }
0x13c: {  	v5 =	vld [tilespmem:s1+$0xFFFFFFC0];
	_ =	sdelay $0x1  }
0x13d: {  	v6 =	vld [tilespmem:s1+$0xFFFFFFD0]  }
0x13e: {  	v3 =	vmul.f32 v3, v7;
	v4 =	vmul.f32 v4, v0;
	_ =	sdelay $0x1  }
0x13f: {  	v3 =	vadd.f32 v4, v3;
	v4 =	vmul.f32 v5, v1;
	_ =	sdelay $0x1  }
0x140: {  	v3 =	vadd.f32 v4, v3;
	v4 =	vmul.f32 v6, v2;
	_ =	sdelay $0x1  }
0x141: {  	v3 =	vadd.f32 v4, v3;
	_ =	sdelay $0x1  }
0x142: {  	[tilespmem:s0+$0xFFFFFFF0] =	vst v3  }
0x143: {  	v3 =	vld [tilespmem:s1+$0xFFFFFFE0]  }
0x144: {  	v4 =	vld [tilespmem:s1+$0xFFFFFFF0];
	_ =	sdelay $0x1  }
0x145: {  	v5 =	vld [tilespmem:s1+$0x0];
	_ =	sdelay $0x1  }
0x146: {  	v6 =	vld [tilespmem:s1+$0x10]  }
0x147: {  	v3 =	vmul.f32 v3, v7;
	v4 =	vmul.f32 v4, v0;
	_ =	sdelay $0x1  }
0x148: {  	v3 =	vadd.f32 v4, v3;
	v4 =	vmul.f32 v5, v1;
	_ =	sdelay $0x1  }
0x149: {  	v3 =	vadd.f32 v4, v3;
	v4 =	vmul.f32 v6, v2;
	_ =	sdelay $0x1  }
0x14a: {  	v3 =	vadd.f32 v4, v3;
	_ =	sdelay $0x1  }
0x14b: {  	[tilespmem:s0+$0x0] =	vst v3  }
0x14c: {  	v3 =	vld [tilespmem:s1+$0x20]  }
0x14d: {  	v4 =	vld [tilespmem:s1+$0x30];
	_ =	sdelay $0x1  }
0x14e: {  	v5 =	vld [tilespmem:s1+$0x40];
	_ =	sdelay $0x1  }
0x14f: {  	v6 =	vld [tilespmem:s1+$0x50]  }
0x150: {  	v3 =	vmul.f32 v3, v7;
	v4 =	vmul.f32 v4, v0;
	_ =	sdelay $0x1  }
0x151: {  	v3 =	vadd.f32 v4, v3;
	v4 =	vmul.f32 v5, v1;
	_ =	sdelay $0x1  }
0x152: {  	v3 =	vadd.f32 v4, v3;
	v4 =	vmul.f32 v6, v2;
	_ =	sdelay $0x1  }
0x153: {  	v3 =	vadd.f32 v4, v3;
	_ =	sdelay $0x1  }
0x154: {  	[tilespmem:s0+$0x10] =	vst v3  }
0x155: {  	v3 =	vld [tilespmem:s1+$0x60]  }
0x156: {  	v6 =	vld [tilespmem:s1+$0x70];
	_ =	sdelay $0x1  }
0x157: {  	v5 =	vld [tilespmem:s1+$0x80];
	_ =	sdelay $0x1  }
0x158: {  	s3 =	simm.s32 $0xE3B0;
	s4 =	simm.s32 $0x100;
	v4 =	vld [tilespmem:s1+$0x90];
	v3 =	vmul.f32 v3, v7  }
.LBB2_4:
0x159: {  	p0 =	sne.s32 s4, $0x7F00;
	v0 =	vmul.f32 v6, v0;
	s1 =	sadd.s32 $0x140, s1;
	s0 =	sadd.s32 $0x60, s0  }
0x15a: {  	s6 =	smov.u32 s4;
	s4 =	sadd.s32 $0x100, s4  }
0x15b: {  	v1 =	vmul.f32 v5, v1;
	v0 =	vadd.f32 v0, v3;
	_ =	sdelay $0x1  }
0x15c: {  	v0 =	vadd.f32 v1, v0;
	v1 =	vmul.f32 v4, v2;
	_ =	sdelay $0x1  }
0x15d: {  	v0 =	vadd.f32 v1, v0;
	_ =	sdelay $0x1  }
0x15e: {  	s6 =	sshra.s32 s6, $0x2;
	[tilespmem:s3+$0x20] =	vst v0;
	s3 =	smov.u32 s0  }
0x15f: {  	v0 =	vld [tilespmem:s6+$0x390]  }
0x160: {  	v4 =	vld [tilespmem:s6+$0x2390]  }
0x161: {  	v5 =	vld [tilespmem:s6+$0x2380]  }
0x162: {  	v3 =	vld [tilespmem:s6+$0x380]  }
0x163: {  	v6 =	vld [tilespmem:s6+$0x23A0]  }
0x164: {  	v1 =	vld [tilespmem:s6+$0x3A0]  }
0x165: {  	v7 =	vld [tilespmem:s6+$0x23B0]  }
0x166: {  	v2 =	vld [tilespmem:s6+$0x3B0]  }
0x167: {  	v4 =	vmul.f32 v4, v0;
	v5 =	vmul.f32 v5, v3;
	_ =	sdelay $0x1  }
0x168: {  	v4 =	vadd.f32 v4, v5;
	v5 =	vmul.f32 v6, v1;
	_ =	sdelay $0x1  }
0x169: {  	v4 =	vadd.f32 v5, v4;
	v5 =	vmul.f32 v7, v2;
	_ =	sdelay $0x1  }
0x16a: {  	v4 =	vadd.f32 v5, v4;
	_ =	sdelay $0x1  }
0x16b: {  	[tilespmem:s0+$0xFFFFFFD0] =	vst v4  }
0x16c: {  	v4 =	vld [tilespmem:s1+$0xFFFFFF60]  }
0x16d: {  	v5 =	vld [tilespmem:s1+$0xFFFFFF70];
	_ =	sdelay $0x1  }
0x16e: {  	v6 =	vld [tilespmem:s1+$0xFFFFFF80];
	_ =	sdelay $0x1  }
0x16f: {  	v4 =	vmul.f32 v4, v3;
	v7 =	vld [tilespmem:s1+$0xFFFFFF90]  }
0x170: {  	v5 =	vmul.f32 v5, v0;
	_ =	sdelay $0x1  }
0x171: {  	v4 =	vadd.f32 v5, v4;
	v5 =	vmul.f32 v6, v1;
	_ =	sdelay $0x1  }
0x172: {  	v4 =	vadd.f32 v5, v4;
	v5 =	vmul.f32 v7, v2;
	_ =	sdelay $0x1  }
0x173: {  	v4 =	vadd.f32 v5, v4;
	_ =	sdelay $0x1  }
0x174: {  	[tilespmem:s0+$0xFFFFFFE0] =	vst v4  }
0x175: {  	v4 =	vld [tilespmem:s1+$0xFFFFFFA0]  }
0x176: {  	v5 =	vld [tilespmem:s1+$0xFFFFFFB0]  }
0x177: {  	v6 =	vld [tilespmem:s1+$0xFFFFFFC0];
	_ =	sdelay $0x2  }
0x178: {  	v4 =	vmul.f32 v4, v3;
	v7 =	vld [tilespmem:s1+$0xFFFFFFD0]  }
0x179: {  	v5 =	vmul.f32 v5, v0;
	_ =	sdelay $0x1  }
0x17a: {  	v4 =	vadd.f32 v5, v4;
	v5 =	vmul.f32 v6, v1;
	_ =	sdelay $0x1  }
0x17b: {  	v4 =	vadd.f32 v5, v4;
	v5 =	vmul.f32 v7, v2;
	_ =	sdelay $0x1  }
0x17c: {  	v4 =	vadd.f32 v5, v4;
	_ =	sdelay $0x1  }
0x17d: {  	[tilespmem:s0+$0xFFFFFFF0] =	vst v4  }
0x17e: {  	v4 =	vld [tilespmem:s1+$0xFFFFFFE0]  }
0x17f: {  	v5 =	vld [tilespmem:s1+$0xFFFFFFF0];
	_ =	sdelay $0x1  }
0x180: {  	v6 =	vld [tilespmem:s1+$0x0];
	_ =	sdelay $0x1  }
0x181: {  	v4 =	vmul.f32 v4, v3;
	v7 =	vld [tilespmem:s1+$0x10]  }
0x182: {  	v5 =	vmul.f32 v5, v0;
	_ =	sdelay $0x1  }
0x183: {  	v4 =	vadd.f32 v5, v4;
	v5 =	vmul.f32 v6, v1;
	_ =	sdelay $0x1  }
0x184: {  	v4 =	vadd.f32 v5, v4;
	v5 =	vmul.f32 v7, v2;
	_ =	sdelay $0x1  }
0x185: {  	v4 =	vadd.f32 v5, v4;
	_ =	sdelay $0x1  }
0x186: {  	[tilespmem:s0+$0x0] =	vst v4  }
0x187: {  	v4 =	vld [tilespmem:s1+$0x20]  }
0x188: {  	v5 =	vld [tilespmem:s1+$0x30]  }
0x189: {  	v6 =	vld [tilespmem:s1+$0x40]  }
0x18a: {  	v7 =	vld [tilespmem:s1+$0x50];
	_ =	sdelay $0x1  }
0x18b: {  	v4 =	vmul.f32 v4, v3  }
0x18c: {  	v5 =	vmul.f32 v5, v0;
	_ =	sdelay $0x1  }
0x18d: {  	v4 =	vadd.f32 v5, v4;
	v5 =	vmul.f32 v6, v1;
	_ =	sdelay $0x1  }
0x18e: {  	v4 =	vadd.f32 v5, v4;
	v5 =	vmul.f32 v7, v2;
	_ =	sdelay $0x1  }
0x18f: {  	v4 =	vadd.f32 v5, v4;
	_ =	sdelay $0x1  }
0x190: {  	[tilespmem:s0+$0x10] =	vst v4  }
0x191: {  	v7 =	vld [tilespmem:s1+$0x60]  }
.Ltmp1:
0x192: {  	v6 =	vld [tilespmem:s1+$0x70];
	(pc) =	sbr.rel @p0 .LBB2_4-.Ltmp1, $3  }
0x193: {  	v5 =	vld [tilespmem:s1+$0x80]  }
0x194: {  	v4 =	vld [tilespmem:s1+$0x90];
	_ =	sdelay $0x1  }
0x195: {  	v3 =	vmul.f32 v7, v3  }
0x196: {  	v0 =	vmul.f32 v6, v0;
	_ =	sdelay $0x1  }
0x197: {  	v1 =	vmul.f32 v5, v1;
	v0 =	vadd.f32 v0, v3;
	_ =	sdelay $0x1  }
0x198: {  	v0 =	vadd.f32 v1, v0;
	v1 =	vmul.f32 v4, v2;
	_ =	sdelay $0x1  }
0x199: {  	v0 =	vadd.f32 v1, v0;
	_ =	sdelay $0x1  }
0x19a: {  	s0 =	simm.s32 $0x0;
	s1 =	rddreg [dreg:$0x11];
	[tilespmem:s3+$0x20] =	vst v0  }
0x19b: {  	[hbm4b:s1+s0] =	stream.linear.scatter [tilespmem:s30], [sflag:$0x2], $0x3000, $0x38;
	[tilespmem:$0x11380] =	vst v63  }
0x19c: {  	_ =	swait.ge [sflag:s9], $0x3000  }
0x19d: {  	[sflag:s9] =	ssyncset.done $0x0  }
0x19e: {  	s6 =	rddreg [dreg:$0xb];
	[sflag:s9] =	ssyncadd.s32 $0xFFFFD000  }
0x19f: {  	[tilespmem:s0], [sflag:$0x2] =	stream.linear.gather [hbm4b:s6+s0], $0x80, $0x38;
	[tilespmem:$0x11380] =	vst v63  }
0x1a0: {  	_ =	swait.ge [sflag:s9], $0x80  }
0x1a1: {  	[sflag:s9] =	ssyncset.done $0x0  }
0x1a2: {  	s3 =	rddreg [dreg:$0xc];
	[sflag:s9] =	ssyncadd.s32 $0xFFFFFF80  }
0x1a3: {  	[tilespmem:s10], [sflag:$0x2] =	stream.linear.gather [hbm4b:s3+s0], $0x80, $0x38;
	[tilespmem:$0x11380] =	vst v63  }
0x1a4: {  	_ =	swait.ge [sflag:s9], $0x80  }
0x1a5: {  	[sflag:s9] =	ssyncset.done $0x0  }
0x1a6: {  	[sflag:s9] =	ssyncadd.s32 $0xFFFFFF80  }
0x1a7: {  	[tilespmem:s11], [sflag:$0x2] =	stream.linear.gather [hbm4b:s17+s0], $0x80, $0x38;
	[tilespmem:$0x11380] =	vst v63  }
0x1a8: {  	_ =	swait.ge [sflag:s9], $0x80  }
0x1a9: {  	[sflag:s9] =	ssyncset.done $0x0  }
0x1aa: {  	s4 =	rddreg [dreg:$0xf];
	[sflag:s9] =	ssyncadd.s32 $0xFFFFFF80  }
0x1ab: {  	[tilespmem:s12], [sflag:$0x2] =	stream.linear.gather [hbm4b:s4+s0], $0x80, $0x38;
	[tilespmem:$0x11380] =	vst v63  }
0x1ac: {  	_ =	swait.ge [sflag:s9], $0x80  }
0x1ad: {  	[sflag:s9] =	ssyncset.done $0x0  }
0x1ae: {  	s6 =	rddreg [dreg:$0x1a];
	[sflag:s9] =	ssyncadd.s32 $0xFFFFFF80  }
0x1af: {  	[tilespmem:s13], [sflag:$0x2] =	stream.linear.gather [hbm4b:s6+s0], $0x80, $0x38;
	[tilespmem:$0x11380] =	vst v63  }
0x1b0: {  	_ =	swait.ge [sflag:s9], $0x80  }
0x1b1: {  	[sflag:s9] =	ssyncset.done $0x0  }
0x1b2: {  	s3 =	rddreg [dreg:$0x1b];
	[sflag:s9] =	ssyncadd.s32 $0xFFFFFF80  }
0x1b3: {  	[tilespmem:s14], [sflag:$0x2] =	stream.linear.gather [hbm4b:s3+s0], $0x80, $0x38;
	[tilespmem:$0x11380] =	vst v63  }
0x1b4: {  	_ =	swait.ge [sflag:s9], $0x80  }
0x1b5: {  	[sflag:s9] =	ssyncset.done $0x0  }
0x1b6: {  	s4 =	rddreg [dreg:$0x1c];
	[sflag:s9] =	ssyncadd.s32 $0xFFFFFF80  }
0x1b7: {  	[tilespmem:s16], [sflag:$0x2] =	stream.linear.gather [hbm4b:s4+s0], $0x80, $0x38;
	[tilespmem:$0x11380] =	vst v63  }
0x1b8: {  	_ =	swait.ge [sflag:s9], $0x80  }
0x1b9: {  	[sflag:s9] =	ssyncset.done $0x0  }
0x1ba: {  	[sflag:s9] =	ssyncadd.s32 $0xFFFFFF80  }
0x1bb: {  	[tilespmem:s19], [sflag:$0x1] =	stream.indirect.gather [hbm4b:s23+s10], $0x40, s0, s10, $0xb8;
	[tilespmem:$0x11380] =	vst v63  }
0x1bc: {  	_ = 	snop  }
0x1bd: {  	[tilespmem:s20], [sflag:$0x1] =	stream.indirect.gather [hbm4b:s24+s10], $0x40, s10, s10, $0xb8;
	[tilespmem:$0x11380] =	vst v63  }
0x1be: {  	_ = 	snop  }
0x1bf: {  	[tilespmem:s21], [sflag:$0x1] =	stream.indirect.gather [hbm4b:s24+s10], $0x40, s11, s10, $0xb8;
	[tilespmem:$0x11380] =	vst v63  }
0x1c0: {  	_ = 	snop  }
0x1c1: {  	[tilespmem:s22], [sflag:$0x1] =	stream.indirect.gather [hbm4b:s24+s10], $0x40, s12, s10, $0xb8;
	[tilespmem:$0x11380] =	vst v63  }
0x1c2: {  	_ = 	snop  }
0x1c3: {  	[tilespmem:s25], [sflag:$0x1] =	stream.indirect.gather [hbm4b:s24+s10], $0x40, s13, s10, $0xb8;
	[tilespmem:$0x11380] =	vst v63  }
0x1c4: {  	_ = 	snop  }
0x1c5: {  	[tilespmem:s26], [sflag:$0x1] =	stream.indirect.gather [hbm4b:s24+s10], $0x40, s14, s10, $0xb8;
	[tilespmem:$0x11380] =	vst v63  }
0x1c6: {  	_ = 	snop  }
0x1c7: {  	[tilespmem:s28], [sflag:$0x1] =	stream.indirect.gather [hbm4b:s24+s10], $0x40, s16, s10, $0xb8;
	[tilespmem:$0x11380] =	vst v63  }
0x1c8: {  	_ =	swait.ge [sflag:s29], $0x2000  }
0x1c9: {  	[sflag:s29] =	ssyncset.done $0x0  }
0x1ca: {  	[sflag:s29] =	ssyncadd.s32 $0xFFFFE000  }
0x1cb: {  	_ =	swait.ge [sflag:s29], $0x2000  }
0x1cc: {  	[sflag:s29] =	ssyncset.done $0x0  }
0x1cd: {  	[sflag:s29] =	ssyncadd.s32 $0xFFFFE000  }
0x1ce: {  	_ =	swait.ge [sflag:s29], $0x2000  }
0x1cf: {  	[sflag:s29] =	ssyncset.done $0x0  }
0x1d0: {  	[sflag:s29] =	ssyncadd.s32 $0xFFFFE000  }
0x1d1: {  	_ =	swait.ge [sflag:s29], $0x2000  }
0x1d2: {  	[sflag:s29] =	ssyncset.done $0x0  }
0x1d3: {  	[sflag:s29] =	ssyncadd.s32 $0xFFFFE000  }
0x1d4: {  	_ =	swait.ge [sflag:s29], $0x2000  }
0x1d5: {  	[sflag:s29] =	ssyncset.done $0x0  }
0x1d6: {  	[sflag:s29] =	ssyncadd.s32 $0xFFFFE000  }
0x1d7: {  	_ =	swait.ge [sflag:s29], $0x2000  }
0x1d8: {  	[sflag:s29] =	ssyncset.done $0x0  }
0x1d9: {  	[sflag:s29] =	ssyncadd.s32 $0xFFFFE000  }
0x1da: {  	_ =	swait.ge [sflag:s29], $0x2000  }
0x1db: {  	[sflag:s29] =	ssyncset.done $0x0  }
0x1dc: {  	s6 =	simm.s32 $0x0;
	[sflag:s29] =	ssyncadd.s32 $0xFFFFE000  }
0x1dd: {  	v0 =	vld [tilespmem:s6+$0x390]  }
0x1de: {  	v3 =	vld [tilespmem:s6+$0x2390]  }
0x1df: {  	v4 =	vld [tilespmem:s6+$0x2380]  }
0x1e0: {  	v7 =	vld [tilespmem:s6+$0x380]  }
0x1e1: {  	v5 =	vld [tilespmem:s6+$0x23A0]  }
0x1e2: {  	v1 =	vld [tilespmem:s6+$0x3A0]  }
0x1e3: {  	v6 =	vld [tilespmem:s6+$0x23B0]  }
0x1e4: {  	v2 =	vld [tilespmem:s6+$0x3B0]  }
0x1e5: {  	v4 =	vmul.f32 v4, v7;
	v3 =	vmul.f32 v3, v0;
	_ =	sdelay $0x1  }
0x1e6: {  	v3 =	vadd.f32 v3, v4;
	v4 =	vmul.f32 v5, v1;
	_ =	sdelay $0x1  }
0x1e7: {  	v3 =	vadd.f32 v4, v3;
	v4 =	vmul.f32 v6, v2;
	_ =	sdelay $0x1  }
0x1e8: {  	v3 =	vadd.f32 v4, v3  }
0x1e9: {  	s0 =	simm.s32 $0xE3B0  }
0x1ea: {  	s1 =	simm.s32 $0x4420;
	[tilespmem:s0+$0xFFFFFFD0] =	vst v3  }
0x1eb: {  	v3 =	vld [tilespmem:s1+$0xFFFFFF60]  }
0x1ec: {  	v4 =	vld [tilespmem:s1+$0xFFFFFF70];
	_ =	sdelay $0x1  }
0x1ed: {  	v5 =	vld [tilespmem:s1+$0xFFFFFF80];
	_ =	sdelay $0x1  }
0x1ee: {  	v6 =	vld [tilespmem:s1+$0xFFFFFF90]  }
0x1ef: {  	v3 =	vmul.f32 v3, v7;
	v4 =	vmul.f32 v4, v0;
	_ =	sdelay $0x1  }
0x1f0: {  	v3 =	vadd.f32 v4, v3;
	v4 =	vmul.f32 v5, v1;
	_ =	sdelay $0x1  }
0x1f1: {  	v3 =	vadd.f32 v4, v3;
	v4 =	vmul.f32 v6, v2;
	_ =	sdelay $0x1  }
0x1f2: {  	v3 =	vadd.f32 v4, v3;
	_ =	sdelay $0x1  }
0x1f3: {  	[tilespmem:s0+$0xFFFFFFE0] =	vst v3  }
0x1f4: {  	v3 =	vld [tilespmem:s1+$0xFFFFFFA0]  }
0x1f5: {  	v4 =	vld [tilespmem:s1+$0xFFFFFFB0];
	_ =	sdelay $0x1  }
0x1f6: {  	v5 =	vld [tilespmem:s1+$0xFFFFFFC0];
	_ =	sdelay $0x1  }
0x1f7: {  	v6 =	vld [tilespmem:s1+$0xFFFFFFD0]  }
0x1f8: {  	v3 =	vmul.f32 v3, v7;
	v4 =	vmul.f32 v4, v0;
	_ =	sdelay $0x1  }
0x1f9: {  	v3 =	vadd.f32 v4, v3;
	v4 =	vmul.f32 v5, v1;
	_ =	sdelay $0x1  }
0x1fa: {  	v3 =	vadd.f32 v4, v3;
	v4 =	vmul.f32 v6, v2;
	_ =	sdelay $0x1  }
0x1fb: {  	v3 =	vadd.f32 v4, v3;
	_ =	sdelay $0x1  }
0x1fc: {  	[tilespmem:s0+$0xFFFFFFF0] =	vst v3  }
0x1fd: {  	v3 =	vld [tilespmem:s1+$0xFFFFFFE0]  }
0x1fe: {  	v4 =	vld [tilespmem:s1+$0xFFFFFFF0];
	_ =	sdelay $0x1  }
0x1ff: {  	v5 =	vld [tilespmem:s1+$0x0];
	_ =	sdelay $0x1  }
0x200: {  	v6 =	vld [tilespmem:s1+$0x10]  }
0x201: {  	v3 =	vmul.f32 v3, v7;
	v4 =	vmul.f32 v4, v0;
	_ =	sdelay $0x1  }
0x202: {  	v3 =	vadd.f32 v4, v3;
	v4 =	vmul.f32 v5, v1;
	_ =	sdelay $0x1  }
0x203: {  	v3 =	vadd.f32 v4, v3;
	v4 =	vmul.f32 v6, v2;
	_ =	sdelay $0x1  }
0x204: {  	v3 =	vadd.f32 v4, v3;
	_ =	sdelay $0x1  }
0x205: {  	[tilespmem:s0+$0x0] =	vst v3  }
0x206: {  	v3 =	vld [tilespmem:s1+$0x20]  }
0x207: {  	v4 =	vld [tilespmem:s1+$0x30];
	_ =	sdelay $0x1  }
0x208: {  	v5 =	vld [tilespmem:s1+$0x40];
	_ =	sdelay $0x1  }
0x209: {  	v6 =	vld [tilespmem:s1+$0x50]  }
0x20a: {  	v3 =	vmul.f32 v3, v7;
	v4 =	vmul.f32 v4, v0;
	_ =	sdelay $0x1  }
0x20b: {  	v3 =	vadd.f32 v4, v3;
	v4 =	vmul.f32 v5, v1;
	_ =	sdelay $0x1  }
0x20c: {  	v3 =	vadd.f32 v4, v3;
	v4 =	vmul.f32 v6, v2;
	_ =	sdelay $0x1  }
0x20d: {  	v3 =	vadd.f32 v4, v3;
	_ =	sdelay $0x1  }
0x20e: {  	[tilespmem:s0+$0x10] =	vst v3  }
0x20f: {  	v3 =	vld [tilespmem:s1+$0x60]  }
0x210: {  	v6 =	vld [tilespmem:s1+$0x70];
	_ =	sdelay $0x1  }
0x211: {  	v5 =	vld [tilespmem:s1+$0x80];
	_ =	sdelay $0x1  }
0x212: {  	s3 =	simm.s32 $0xE3B0;
	s4 =	simm.s32 $0x100;
	v4 =	vld [tilespmem:s1+$0x90];
	v3 =	vmul.f32 v3, v7  }
.LBB2_6:
0x213: {  	p0 =	sne.s32 s4, $0x7F00;
	v0 =	vmul.f32 v6, v0;
	s1 =	sadd.s32 $0x140, s1;
	s0 =	sadd.s32 $0x60, s0  }
0x214: {  	s6 =	smov.u32 s4;
	s4 =	sadd.s32 $0x100, s4  }
0x215: {  	v1 =	vmul.f32 v5, v1;
	v0 =	vadd.f32 v0, v3;
	_ =	sdelay $0x1  }
0x216: {  	v0 =	vadd.f32 v1, v0;
	v1 =	vmul.f32 v4, v2;
	_ =	sdelay $0x1  }
0x217: {  	v0 =	vadd.f32 v1, v0;
	_ =	sdelay $0x1  }
0x218: {  	s6 =	sshra.s32 s6, $0x2;
	[tilespmem:s3+$0x20] =	vst v0;
	s3 =	smov.u32 s0  }
0x219: {  	v0 =	vld [tilespmem:s6+$0x390]  }
0x21a: {  	v4 =	vld [tilespmem:s6+$0x2390]  }
0x21b: {  	v5 =	vld [tilespmem:s6+$0x2380]  }
0x21c: {  	v3 =	vld [tilespmem:s6+$0x380]  }
0x21d: {  	v6 =	vld [tilespmem:s6+$0x23A0]  }
0x21e: {  	v1 =	vld [tilespmem:s6+$0x3A0]  }
0x21f: {  	v7 =	vld [tilespmem:s6+$0x23B0]  }
0x220: {  	v2 =	vld [tilespmem:s6+$0x3B0]  }
0x221: {  	v4 =	vmul.f32 v4, v0;
	v5 =	vmul.f32 v5, v3;
	_ =	sdelay $0x1  }
0x222: {  	v4 =	vadd.f32 v4, v5;
	v5 =	vmul.f32 v6, v1;
	_ =	sdelay $0x1  }
0x223: {  	v4 =	vadd.f32 v5, v4;
	v5 =	vmul.f32 v7, v2;
	_ =	sdelay $0x1  }
0x224: {  	v4 =	vadd.f32 v5, v4;
	_ =	sdelay $0x1  }
0x225: {  	[tilespmem:s0+$0xFFFFFFD0] =	vst v4  }
0x226: {  	v4 =	vld [tilespmem:s1+$0xFFFFFF60]  }
0x227: {  	v5 =	vld [tilespmem:s1+$0xFFFFFF70];
	_ =	sdelay $0x1  }
0x228: {  	v6 =	vld [tilespmem:s1+$0xFFFFFF80];
	_ =	sdelay $0x1  }
0x229: {  	v4 =	vmul.f32 v4, v3;
	v7 =	vld [tilespmem:s1+$0xFFFFFF90]  }
0x22a: {  	v5 =	vmul.f32 v5, v0;
	_ =	sdelay $0x1  }
0x22b: {  	v4 =	vadd.f32 v5, v4;
	v5 =	vmul.f32 v6, v1;
	_ =	sdelay $0x1  }
0x22c: {  	v4 =	vadd.f32 v5, v4;
	v5 =	vmul.f32 v7, v2;
	_ =	sdelay $0x1  }
0x22d: {  	v4 =	vadd.f32 v5, v4;
	_ =	sdelay $0x1  }
0x22e: {  	[tilespmem:s0+$0xFFFFFFE0] =	vst v4  }
0x22f: {  	v4 =	vld [tilespmem:s1+$0xFFFFFFA0]  }
0x230: {  	v5 =	vld [tilespmem:s1+$0xFFFFFFB0]  }
0x231: {  	v6 =	vld [tilespmem:s1+$0xFFFFFFC0];
	_ =	sdelay $0x2  }
0x232: {  	v4 =	vmul.f32 v4, v3;
	v7 =	vld [tilespmem:s1+$0xFFFFFFD0]  }
0x233: {  	v5 =	vmul.f32 v5, v0;
	_ =	sdelay $0x1  }
0x234: {  	v4 =	vadd.f32 v5, v4;
	v5 =	vmul.f32 v6, v1;
	_ =	sdelay $0x1  }
0x235: {  	v4 =	vadd.f32 v5, v4;
	v5 =	vmul.f32 v7, v2;
	_ =	sdelay $0x1  }
0x236: {  	v4 =	vadd.f32 v5, v4;
	_ =	sdelay $0x1  }
0x237: {  	[tilespmem:s0+$0xFFFFFFF0] =	vst v4  }
0x238: {  	v4 =	vld [tilespmem:s1+$0xFFFFFFE0]  }
0x239: {  	v5 =	vld [tilespmem:s1+$0xFFFFFFF0];
	_ =	sdelay $0x1  }
0x23a: {  	v6 =	vld [tilespmem:s1+$0x0];
	_ =	sdelay $0x1  }
0x23b: {  	v4 =	vmul.f32 v4, v3;
	v7 =	vld [tilespmem:s1+$0x10]  }
0x23c: {  	v5 =	vmul.f32 v5, v0;
	_ =	sdelay $0x1  }
0x23d: {  	v4 =	vadd.f32 v5, v4;
	v5 =	vmul.f32 v6, v1;
	_ =	sdelay $0x1  }
0x23e: {  	v4 =	vadd.f32 v5, v4;
	v5 =	vmul.f32 v7, v2;
	_ =	sdelay $0x1  }
0x23f: {  	v4 =	vadd.f32 v5, v4;
	_ =	sdelay $0x1  }
0x240: {  	[tilespmem:s0+$0x0] =	vst v4  }
0x241: {  	v4 =	vld [tilespmem:s1+$0x20]  }
0x242: {  	v5 =	vld [tilespmem:s1+$0x30]  }
0x243: {  	v6 =	vld [tilespmem:s1+$0x40]  }
0x244: {  	v7 =	vld [tilespmem:s1+$0x50];
	_ =	sdelay $0x1  }
0x245: {  	v4 =	vmul.f32 v4, v3  }
0x246: {  	v5 =	vmul.f32 v5, v0;
	_ =	sdelay $0x1  }
0x247: {  	v4 =	vadd.f32 v5, v4;
	v5 =	vmul.f32 v6, v1;
	_ =	sdelay $0x1  }
0x248: {  	v4 =	vadd.f32 v5, v4;
	v5 =	vmul.f32 v7, v2;
	_ =	sdelay $0x1  }
0x249: {  	v4 =	vadd.f32 v5, v4;
	_ =	sdelay $0x1  }
0x24a: {  	[tilespmem:s0+$0x10] =	vst v4  }
0x24b: {  	v7 =	vld [tilespmem:s1+$0x60]  }
.Ltmp2:
0x24c: {  	v6 =	vld [tilespmem:s1+$0x70];
	(pc) =	sbr.rel @p0 .LBB2_6-.Ltmp2, $3  }
0x24d: {  	v5 =	vld [tilespmem:s1+$0x80]  }
0x24e: {  	v4 =	vld [tilespmem:s1+$0x90];
	_ =	sdelay $0x1  }
0x24f: {  	v3 =	vmul.f32 v7, v3  }
0x250: {  	v0 =	vmul.f32 v6, v0;
	_ =	sdelay $0x1  }
0x251: {  	v1 =	vmul.f32 v5, v1;
	v0 =	vadd.f32 v0, v3;
	_ =	sdelay $0x1  }
0x252: {  	v0 =	vadd.f32 v1, v0;
	v1 =	vmul.f32 v4, v2;
	_ =	sdelay $0x1  }
0x253: {  	v0 =	vadd.f32 v1, v0;
	_ =	sdelay $0x1  }
0x254: {  	s0 =	simm.s32 $0x0;
	s1 =	rddreg [dreg:$0x12];
	[tilespmem:s3+$0x20] =	vst v0  }
0x255: {  	[hbm4b:s1+s0] =	stream.linear.scatter [tilespmem:s30], [sflag:$0x2], $0x3000, $0x38;
	[tilespmem:$0x11380] =	vst v63  }
0x256: {  	_ =	swait.ge [sflag:s9], $0x3000  }
0x257: {  	[sflag:s9] =	ssyncset.done $0x0  }
0x258: {  	s4 =	rddreg [dreg:$0xd];
	[sflag:s9] =	ssyncadd.s32 $0xFFFFD000  }
0x259: {  	[tilespmem:s0], [sflag:$0x2] =	stream.linear.gather [hbm4b:s4+s0], $0x80, $0x38;
	[tilespmem:$0x11380] =	vst v63  }
0x25a: {  	_ =	swait.ge [sflag:s9], $0x80  }
0x25b: {  	[sflag:s9] =	ssyncset.done $0x0  }
0x25c: {  	s6 =	rddreg [dreg:$0xe];
	[sflag:s9] =	ssyncadd.s32 $0xFFFFFF80  }
0x25d: {  	[tilespmem:s10], [sflag:$0x2] =	stream.linear.gather [hbm4b:s6+s0], $0x80, $0x38;
	[tilespmem:$0x11380] =	vst v63  }
0x25e: {  	_ =	swait.ge [sflag:s9], $0x80  }
0x25f: {  	[sflag:s9] =	ssyncset.done $0x0  }
0x260: {  	[sflag:s9] =	ssyncadd.s32 $0xFFFFFF80  }
0x261: {  	[tilespmem:s11], [sflag:$0x2] =	stream.linear.gather [hbm4b:s18+s0], $0x80, $0x38;
	[tilespmem:$0x11380] =	vst v63  }
0x262: {  	_ =	swait.ge [sflag:s9], $0x80  }
0x263: {  	[sflag:s9] =	ssyncset.done $0x0  }
0x264: {  	s3 =	rddreg [dreg:$0x1d];
	[sflag:s9] =	ssyncadd.s32 $0xFFFFFF80  }
0x265: {  	[tilespmem:s12], [sflag:$0x2] =	stream.linear.gather [hbm4b:s3+s0], $0x80, $0x38;
	[tilespmem:$0x11380] =	vst v63  }
0x266: {  	_ =	swait.ge [sflag:s9], $0x80  }
0x267: {  	[sflag:s9] =	ssyncset.done $0x0  }
0x268: {  	s4 =	rddreg [dreg:$0x1e];
	[sflag:s9] =	ssyncadd.s32 $0xFFFFFF80  }
0x269: {  	[tilespmem:s13], [sflag:$0x2] =	stream.linear.gather [hbm4b:s4+s0], $0x80, $0x38;
	[tilespmem:$0x11380] =	vst v63  }
0x26a: {  	_ =	swait.ge [sflag:s9], $0x80  }
0x26b: {  	[sflag:s9] =	ssyncset.done $0x0  }
0x26c: {  	[sflag:s9] =	ssyncadd.s32 $0xFFFFFF80  }
0x26d: {  	[tilespmem:s14], [sflag:$0x2] =	stream.linear.gather [hbm4b:s7+s0], $0x80, $0x38;
	[tilespmem:$0x11380] =	vst v63  }
0x26e: {  	_ =	swait.ge [sflag:s9], $0x80  }
0x26f: {  	[sflag:s9] =	ssyncset.done $0x0  }
0x270: {  	[sflag:s9] =	ssyncadd.s32 $0xFFFFFF80  }
0x271: {  	[tilespmem:s16], [sflag:$0x2] =	stream.linear.gather [hbm4b:s8+s0], $0x80, $0x38;
	[tilespmem:$0x11380] =	vst v63  }
0x272: {  	_ =	swait.ge [sflag:s9], $0x80  }
0x273: {  	[sflag:s9] =	ssyncset.done $0x0  }
0x274: {  	[sflag:s9] =	ssyncadd.s32 $0xFFFFFF80  }
0x275: {  	[tilespmem:s19], [sflag:$0x1] =	stream.indirect.gather [hbm4b:s23+s10], $0x40, s0, s10, $0xb8;
	[tilespmem:$0x11380] =	vst v63  }
0x276: {  	_ = 	snop  }
0x277: {  	[tilespmem:s20], [sflag:$0x1] =	stream.indirect.gather [hbm4b:s24+s10], $0x40, s10, s10, $0xb8;
	[tilespmem:$0x11380] =	vst v63  }
0x278: {  	_ = 	snop  }
0x279: {  	[tilespmem:s21], [sflag:$0x1] =	stream.indirect.gather [hbm4b:s24+s10], $0x40, s11, s10, $0xb8;
	[tilespmem:$0x11380] =	vst v63  }
0x27a: {  	_ = 	snop  }
0x27b: {  	[tilespmem:s22], [sflag:$0x1] =	stream.indirect.gather [hbm4b:s24+s10], $0x40, s12, s10, $0xb8;
	[tilespmem:$0x11380] =	vst v63  }
0x27c: {  	_ = 	snop  }
0x27d: {  	[tilespmem:s25], [sflag:$0x1] =	stream.indirect.gather [hbm4b:s24+s10], $0x40, s13, s10, $0xb8;
	[tilespmem:$0x11380] =	vst v63  }
0x27e: {  	_ = 	snop  }
0x27f: {  	[tilespmem:s26], [sflag:$0x1] =	stream.indirect.gather [hbm4b:s24+s10], $0x40, s14, s10, $0xb8;
	[tilespmem:$0x11380] =	vst v63  }
0x280: {  	_ = 	snop  }
0x281: {  	[tilespmem:s28], [sflag:$0x1] =	stream.indirect.gather [hbm4b:s24+s10], $0x40, s16, s10, $0xb8;
	[tilespmem:$0x11380] =	vst v63  }
0x282: {  	_ =	swait.ge [sflag:s29], $0x2000  }
0x283: {  	[sflag:s29] =	ssyncset.done $0x0  }
0x284: {  	[sflag:s29] =	ssyncadd.s32 $0xFFFFE000  }
0x285: {  	_ =	swait.ge [sflag:s29], $0x2000  }
0x286: {  	[sflag:s29] =	ssyncset.done $0x0  }
0x287: {  	[sflag:s29] =	ssyncadd.s32 $0xFFFFE000  }
0x288: {  	_ =	swait.ge [sflag:s29], $0x2000  }
0x289: {  	[sflag:s29] =	ssyncset.done $0x0  }
0x28a: {  	[sflag:s29] =	ssyncadd.s32 $0xFFFFE000  }
0x28b: {  	_ =	swait.ge [sflag:s29], $0x2000  }
0x28c: {  	[sflag:s29] =	ssyncset.done $0x0  }
0x28d: {  	[sflag:s29] =	ssyncadd.s32 $0xFFFFE000  }
0x28e: {  	_ =	swait.ge [sflag:s29], $0x2000  }
0x28f: {  	[sflag:s29] =	ssyncset.done $0x0  }
0x290: {  	[sflag:s29] =	ssyncadd.s32 $0xFFFFE000  }
0x291: {  	_ =	swait.ge [sflag:s29], $0x2000  }
0x292: {  	[sflag:s29] =	ssyncset.done $0x0  }
0x293: {  	[sflag:s29] =	ssyncadd.s32 $0xFFFFE000  }
0x294: {  	_ =	swait.ge [sflag:s29], $0x2000  }
0x295: {  	[sflag:s29] =	ssyncset.done $0x0  }
0x296: {  	s6 =	simm.s32 $0x0;
	[sflag:s29] =	ssyncadd.s32 $0xFFFFE000  }
0x297: {  	v0 =	vld [tilespmem:s6+$0x390]  }
0x298: {  	v3 =	vld [tilespmem:s6+$0x2390]  }
0x299: {  	v4 =	vld [tilespmem:s6+$0x2380]  }
0x29a: {  	v7 =	vld [tilespmem:s6+$0x380]  }
0x29b: {  	v5 =	vld [tilespmem:s6+$0x23A0]  }
0x29c: {  	v1 =	vld [tilespmem:s6+$0x3A0]  }
0x29d: {  	v6 =	vld [tilespmem:s6+$0x23B0]  }
0x29e: {  	v2 =	vld [tilespmem:s6+$0x3B0]  }
0x29f: {  	v4 =	vmul.f32 v4, v7;
	v3 =	vmul.f32 v3, v0;
	_ =	sdelay $0x1  }
0x2a0: {  	v3 =	vadd.f32 v3, v4;
	v4 =	vmul.f32 v5, v1;
	_ =	sdelay $0x1  }
0x2a1: {  	v3 =	vadd.f32 v4, v3;
	v4 =	vmul.f32 v6, v2;
	_ =	sdelay $0x1  }
0x2a2: {  	v3 =	vadd.f32 v4, v3  }
0x2a3: {  	s0 =	simm.s32 $0xE3B0  }
0x2a4: {  	s1 =	simm.s32 $0x4420;
	[tilespmem:s0+$0xFFFFFFD0] =	vst v3  }
0x2a5: {  	v3 =	vld [tilespmem:s1+$0xFFFFFF60]  }
0x2a6: {  	v4 =	vld [tilespmem:s1+$0xFFFFFF70];
	_ =	sdelay $0x1  }
0x2a7: {  	v5 =	vld [tilespmem:s1+$0xFFFFFF80];
	_ =	sdelay $0x1  }
0x2a8: {  	v6 =	vld [tilespmem:s1+$0xFFFFFF90]  }
0x2a9: {  	v3 =	vmul.f32 v3, v7;
	v4 =	vmul.f32 v4, v0;
	_ =	sdelay $0x1  }
0x2aa: {  	v3 =	vadd.f32 v4, v3;
	v4 =	vmul.f32 v5, v1;
	_ =	sdelay $0x1  }
0x2ab: {  	v3 =	vadd.f32 v4, v3;
	v4 =	vmul.f32 v6, v2;
	_ =	sdelay $0x1  }
0x2ac: {  	v3 =	vadd.f32 v4, v3;
	_ =	sdelay $0x1  }
0x2ad: {  	[tilespmem:s0+$0xFFFFFFE0] =	vst v3  }
0x2ae: {  	v3 =	vld [tilespmem:s1+$0xFFFFFFA0]  }
0x2af: {  	v4 =	vld [tilespmem:s1+$0xFFFFFFB0];
	_ =	sdelay $0x1  }
0x2b0: {  	v5 =	vld [tilespmem:s1+$0xFFFFFFC0];
	_ =	sdelay $0x1  }
0x2b1: {  	v6 =	vld [tilespmem:s1+$0xFFFFFFD0]  }
0x2b2: {  	v3 =	vmul.f32 v3, v7;
	v4 =	vmul.f32 v4, v0;
	_ =	sdelay $0x1  }
0x2b3: {  	v3 =	vadd.f32 v4, v3;
	v4 =	vmul.f32 v5, v1;
	_ =	sdelay $0x1  }
0x2b4: {  	v3 =	vadd.f32 v4, v3;
	v4 =	vmul.f32 v6, v2;
	_ =	sdelay $0x1  }
0x2b5: {  	v3 =	vadd.f32 v4, v3;
	_ =	sdelay $0x1  }
0x2b6: {  	[tilespmem:s0+$0xFFFFFFF0] =	vst v3  }
0x2b7: {  	v3 =	vld [tilespmem:s1+$0xFFFFFFE0]  }
0x2b8: {  	v4 =	vld [tilespmem:s1+$0xFFFFFFF0];
	_ =	sdelay $0x1  }
0x2b9: {  	v5 =	vld [tilespmem:s1+$0x0];
	_ =	sdelay $0x1  }
0x2ba: {  	v6 =	vld [tilespmem:s1+$0x10]  }
0x2bb: {  	v3 =	vmul.f32 v3, v7;
	v4 =	vmul.f32 v4, v0;
	_ =	sdelay $0x1  }
0x2bc: {  	v3 =	vadd.f32 v4, v3;
	v4 =	vmul.f32 v5, v1;
	_ =	sdelay $0x1  }
0x2bd: {  	v3 =	vadd.f32 v4, v3;
	v4 =	vmul.f32 v6, v2;
	_ =	sdelay $0x1  }
0x2be: {  	v3 =	vadd.f32 v4, v3;
	_ =	sdelay $0x1  }
0x2bf: {  	[tilespmem:s0+$0x0] =	vst v3  }
0x2c0: {  	v3 =	vld [tilespmem:s1+$0x20]  }
0x2c1: {  	v4 =	vld [tilespmem:s1+$0x30];
	_ =	sdelay $0x1  }
0x2c2: {  	v5 =	vld [tilespmem:s1+$0x40];
	_ =	sdelay $0x1  }
0x2c3: {  	v6 =	vld [tilespmem:s1+$0x50]  }
0x2c4: {  	v3 =	vmul.f32 v3, v7;
	v4 =	vmul.f32 v4, v0;
	_ =	sdelay $0x1  }
0x2c5: {  	v3 =	vadd.f32 v4, v3;
	v4 =	vmul.f32 v5, v1;
	_ =	sdelay $0x1  }
0x2c6: {  	v3 =	vadd.f32 v4, v3;
	v4 =	vmul.f32 v6, v2;
	_ =	sdelay $0x1  }
0x2c7: {  	v3 =	vadd.f32 v4, v3;
	_ =	sdelay $0x1  }
0x2c8: {  	[tilespmem:s0+$0x10] =	vst v3  }
0x2c9: {  	v3 =	vld [tilespmem:s1+$0x60]  }
0x2ca: {  	v6 =	vld [tilespmem:s1+$0x70];
	_ =	sdelay $0x1  }
0x2cb: {  	v5 =	vld [tilespmem:s1+$0x80];
	_ =	sdelay $0x1  }
0x2cc: {  	s3 =	simm.s32 $0xE3B0;
	s4 =	simm.s32 $0x100;
	v4 =	vld [tilespmem:s1+$0x90];
	v3 =	vmul.f32 v3, v7  }
.LBB2_8:
0x2cd: {  	p0 =	sne.s32 s4, $0x7F00;
	v0 =	vmul.f32 v6, v0;
	s1 =	sadd.s32 $0x140, s1;
	s0 =	sadd.s32 $0x60, s0  }
0x2ce: {  	s6 =	smov.u32 s4;
	s4 =	sadd.s32 $0x100, s4  }
0x2cf: {  	v1 =	vmul.f32 v5, v1;
	v0 =	vadd.f32 v0, v3;
	_ =	sdelay $0x1  }
0x2d0: {  	v0 =	vadd.f32 v1, v0;
	v1 =	vmul.f32 v4, v2;
	_ =	sdelay $0x1  }
0x2d1: {  	v0 =	vadd.f32 v1, v0;
	_ =	sdelay $0x1  }
0x2d2: {  	s6 =	sshra.s32 s6, $0x2;
	[tilespmem:s3+$0x20] =	vst v0;
	s3 =	smov.u32 s0  }
0x2d3: {  	v0 =	vld [tilespmem:s6+$0x390]  }
0x2d4: {  	v4 =	vld [tilespmem:s6+$0x2390]  }
0x2d5: {  	v5 =	vld [tilespmem:s6+$0x2380]  }
0x2d6: {  	v3 =	vld [tilespmem:s6+$0x380]  }
0x2d7: {  	v6 =	vld [tilespmem:s6+$0x23A0]  }
0x2d8: {  	v1 =	vld [tilespmem:s6+$0x3A0]  }
0x2d9: {  	v7 =	vld [tilespmem:s6+$0x23B0]  }
0x2da: {  	v2 =	vld [tilespmem:s6+$0x3B0]  }
0x2db: {  	v4 =	vmul.f32 v4, v0;
	v5 =	vmul.f32 v5, v3;
	_ =	sdelay $0x1  }
0x2dc: {  	v4 =	vadd.f32 v4, v5;
	v5 =	vmul.f32 v6, v1;
	_ =	sdelay $0x1  }
0x2dd: {  	v4 =	vadd.f32 v5, v4;
	v5 =	vmul.f32 v7, v2;
	_ =	sdelay $0x1  }
0x2de: {  	v4 =	vadd.f32 v5, v4;
	_ =	sdelay $0x1  }
0x2df: {  	[tilespmem:s0+$0xFFFFFFD0] =	vst v4  }
0x2e0: {  	v4 =	vld [tilespmem:s1+$0xFFFFFF60]  }
0x2e1: {  	v5 =	vld [tilespmem:s1+$0xFFFFFF70];
	_ =	sdelay $0x1  }
0x2e2: {  	v6 =	vld [tilespmem:s1+$0xFFFFFF80];
	_ =	sdelay $0x1  }
0x2e3: {  	v4 =	vmul.f32 v4, v3;
	v7 =	vld [tilespmem:s1+$0xFFFFFF90]  }
0x2e4: {  	v5 =	vmul.f32 v5, v0;
	_ =	sdelay $0x1  }
0x2e5: {  	v4 =	vadd.f32 v5, v4;
	v5 =	vmul.f32 v6, v1;
	_ =	sdelay $0x1  }
0x2e6: {  	v4 =	vadd.f32 v5, v4;
	v5 =	vmul.f32 v7, v2;
	_ =	sdelay $0x1  }
0x2e7: {  	v4 =	vadd.f32 v5, v4;
	_ =	sdelay $0x1  }
0x2e8: {  	[tilespmem:s0+$0xFFFFFFE0] =	vst v4  }
0x2e9: {  	v4 =	vld [tilespmem:s1+$0xFFFFFFA0]  }
0x2ea: {  	v5 =	vld [tilespmem:s1+$0xFFFFFFB0]  }
0x2eb: {  	v6 =	vld [tilespmem:s1+$0xFFFFFFC0];
	_ =	sdelay $0x2  }
0x2ec: {  	v4 =	vmul.f32 v4, v3;
	v7 =	vld [tilespmem:s1+$0xFFFFFFD0]  }
0x2ed: {  	v5 =	vmul.f32 v5, v0;
	_ =	sdelay $0x1  }
0x2ee: {  	v4 =	vadd.f32 v5, v4;
	v5 =	vmul.f32 v6, v1;
	_ =	sdelay $0x1  }
0x2ef: {  	v4 =	vadd.f32 v5, v4;
	v5 =	vmul.f32 v7, v2;
	_ =	sdelay $0x1  }
0x2f0: {  	v4 =	vadd.f32 v5, v4;
	_ =	sdelay $0x1  }
0x2f1: {  	[tilespmem:s0+$0xFFFFFFF0] =	vst v4  }
0x2f2: {  	v4 =	vld [tilespmem:s1+$0xFFFFFFE0]  }
0x2f3: {  	v5 =	vld [tilespmem:s1+$0xFFFFFFF0];
	_ =	sdelay $0x1  }
0x2f4: {  	v6 =	vld [tilespmem:s1+$0x0];
	_ =	sdelay $0x1  }
0x2f5: {  	v4 =	vmul.f32 v4, v3;
	v7 =	vld [tilespmem:s1+$0x10]  }
0x2f6: {  	v5 =	vmul.f32 v5, v0;
	_ =	sdelay $0x1  }
0x2f7: {  	v4 =	vadd.f32 v5, v4;
	v5 =	vmul.f32 v6, v1;
	_ =	sdelay $0x1  }
0x2f8: {  	v4 =	vadd.f32 v5, v4;
	v5 =	vmul.f32 v7, v2;
	_ =	sdelay $0x1  }
0x2f9: {  	v4 =	vadd.f32 v5, v4;
	_ =	sdelay $0x1  }
0x2fa: {  	[tilespmem:s0+$0x0] =	vst v4  }
0x2fb: {  	v4 =	vld [tilespmem:s1+$0x20]  }
0x2fc: {  	v5 =	vld [tilespmem:s1+$0x30]  }
0x2fd: {  	v6 =	vld [tilespmem:s1+$0x40]  }
0x2fe: {  	v7 =	vld [tilespmem:s1+$0x50];
	_ =	sdelay $0x1  }
0x2ff: {  	v4 =	vmul.f32 v4, v3  }
0x300: {  	v5 =	vmul.f32 v5, v0;
	_ =	sdelay $0x1  }
0x301: {  	v4 =	vadd.f32 v5, v4;
	v5 =	vmul.f32 v6, v1;
	_ =	sdelay $0x1  }
0x302: {  	v4 =	vadd.f32 v5, v4;
	v5 =	vmul.f32 v7, v2;
	_ =	sdelay $0x1  }
0x303: {  	v4 =	vadd.f32 v5, v4;
	_ =	sdelay $0x1  }
0x304: {  	[tilespmem:s0+$0x10] =	vst v4  }
0x305: {  	v7 =	vld [tilespmem:s1+$0x60]  }
.Ltmp3:
0x306: {  	v6 =	vld [tilespmem:s1+$0x70];
	(pc) =	sbr.rel @p0 .LBB2_8-.Ltmp3, $3  }
0x307: {  	v5 =	vld [tilespmem:s1+$0x80]  }
0x308: {  	v4 =	vld [tilespmem:s1+$0x90];
	_ =	sdelay $0x1  }
0x309: {  	v3 =	vmul.f32 v7, v3  }
0x30a: {  	v0 =	vmul.f32 v6, v0;
	_ =	sdelay $0x1  }
0x30b: {  	v1 =	vmul.f32 v5, v1;
	v0 =	vadd.f32 v0, v3;
	_ =	sdelay $0x1  }
0x30c: {  	v63 =	vmul.f32 v4, v2;
	v0 =	vadd.f32 v1, v0;
	_ =	sdelay $0x1  }
0x30d: {  	v0 =	vadd.f32 v63, v0;
	_ =	sdelay $0x1  }
0x30e: {  	s0 =	rddreg [dreg:$0x13];
	[tilespmem:s3+$0x20] =	vst v0  }
0x30f: {  	[hbm4b:s0+s2] =	stream.linear.scatter [tilespmem:s30], [sflag:$0x2], $0x3000, $0x38;
	[tilespmem:$0x11380] =	vst v63  }
0x310: {  	_ =	swait.ge [sflag:s9], $0x3000  }
0x311: {  	s31 =	sadd.s32 $0x1, s31;
	s6 =	rddreg [dreg:$0x14]  }
0x312: {  	p0 =	sne.s32 s31, s6  }
.Ltmp4:
0x313: {  	_ = 	snop;
	(pc) =	sbr.rel @p0 .LBB2_1-.Ltmp4, $3  }
0x314: {  	_ =	sdelay $0x1  }
0x315: {  	[sflag:s9] =	ssyncset.done $0x0  }
0x316: {  	[sflag:s9] =	ssyncadd.s32 $0xFFFFD000  }
0x317: {  	_ =	sfence.sel $0x180000  }
0x318: {  	[bflag:$0x0] =	sbarrier.arrive $0xFFFF  }
0x319: {  	_ =	strace $0x90000047  }
0x31a: {  	s0 =	stileid.u32;
	[bflag:$0x2] =	sbarrier.arrive $0xFFFF  }
0x31b: {  	p0 =	sne.s32 s0, $0x0;
	s0 =	rddreg [dreg:$0x3]  }
0x31c: {  	s0 =	sadd.s32 @!p0 $0x100000, s0  }
0x31d: {  	[sflag:s0] =	ssyncadd.tile.s32 @!p0 $0x1;
	_ =	shalt  }
.Lfunc_end2:
_tile_overlayer_lowered:
.L_overlay_start_2:
0x31e: {  	(tag) =	ssettag $0x2  }
0x31f: {  	s0 =	rddreg [dreg:$0x0];
	s2 =	stileid.u32  }
0x320: {  	s1 =	rddreg [dreg:$0x1];
	p0 =	sne.s32 s2, $0x0  }
0x321: {  	s3 =	rddreg [dreg:$0x2];
	[bflag:$0x3] =	sbarrier.arrive $0xFFFF;
	s2 =	simm.s32 @!p0 $0x1C02  }
0x322: {  	[timem:s3], [sflag:s2] =	dma.local @!p0 [hbm:s0], s1  }
0x323: {  	s0 =	simm.s32 @!p0 $0x2  }
0x324: {  	_ =	swait.ge @!p0 [sflag:s0], s1  }
0x325: {  	s1 =	ssub.s32 @!p0 $0x0, s1;
	[sflag:s0] =	ssyncset.done @!p0 $0x0  }
0x326: {  	[sflag:s0] =	ssyncadd.s32 @!p0 s1  }
0x327: {  	[bflag:$0x3] =	sbarrier.arrive $0xFFFF  }
0x328: {  	_ =	shalt  }

</sc_bundles>
